<compile_context>
chip_gen: v7x
topology: tpu7x:2x2x1
jax: 0.10.2.dev20260603
libtpu: 0.0.44.dev20260713+nightly
codegen_flags: <defaults>
</compile_context>

<pallas_src>
import functools

import jax
import jax.numpy as jnp
from jax import lax
from jax.experimental import pallas as pl
from jax.experimental.pallas import tpu as pltpu
from jax.experimental.pallas import tpu_sc as plsc

N_NODES = 10000
E_EDGES = 320000
D_NODE = 128
D_EDGE = 16
H_DIM = 128
HH = H_DIM // 4

N_PAD = 10240
E_PAD = 327680
BE = 4096
BN = 2000
BISECT_ITERS = 18

NSEG_R = N_PAD // 16
BIS_TILE_R = E_PAD // 16 // 16
MSG_CHUNKS = E_PAD // 32 // 128


def _i32(v):
    return jnp.asarray(v, jnp.int32)


def _edge_kernel(ea_ref, We_ref, be_ref, W2_ref, b2_ref, Wa_ref, wa_ref, ca_ref,
                 a_ref, e2a_ref, e2b_ref, e2c_ref, e2d_ref):
    ea = ea_ref[...]
    eo = jnp.maximum(jnp.dot(ea, We_ref[...],
                             preferred_element_type=jnp.float32) + be_ref[...], 0.0)
    e2 = jnp.dot(eo, W2_ref[...],
                 preferred_element_type=jnp.float32) + b2_ref[...]
    e2a_ref[...] = e2[:, :HH]
    e2b_ref[...] = e2[:, HH:2 * HH]
    e2c_ref[...] = e2[:, 2 * HH:3 * HH]
    e2d_ref[...] = e2[:, 3 * HH:]
    v = jnp.sum(Wa_ref[...] * wa_ref[...], axis=1)
    aa = jnp.sum(ea * v[None, :], axis=1) + ca_ref[0]
    a_ref[...] = jnp.where(aa > 0, aa, 0.01 * aa)


def _matmul_bias_kernel(x_ref, W_ref, b_ref, o_ref):
    o_ref[...] = jnp.dot(x_ref[...], W_ref[...],
                         preferred_element_type=jnp.float32) + b_ref[...]


def _final_kernel(x_ref, hn0_ref, hn1_ref, hn2_ref, hn3_ref,
                  hn4_ref, hn5_ref, hn6_ref, hn7_ref,
                  W2q0_ref, W2q1_ref, W2q2_ref, W2q3_ref,
                  W1_ref, b_ref, o_ref):
    acc = jnp.dot(x_ref[...], W1_ref[...], preferred_element_type=jnp.float32)
    acc += jnp.dot(hn0_ref[0, 0] + hn4_ref[0, 0], W2q0_ref[...],
                   preferred_element_type=jnp.float32)
    acc += jnp.dot(hn1_ref[0, 0] + hn5_ref[0, 0], W2q1_ref[...],
                   preferred_element_type=jnp.float32)
    acc += jnp.dot(hn2_ref[0, 0] + hn6_ref[0, 0], W2q2_ref[...],
                   preferred_element_type=jnp.float32)
    acc += jnp.dot(hn3_ref[0, 0] + hn7_ref[0, 0], W2q3_ref[...],
                   preferred_element_type=jnp.float32)
    o_ref[...] = jnp.maximum(acc + b_ref[...], 0.0)


def _bisect_kernel(a16, d16, tau_hbm,
                   a_loc, d_loc, l_loc, mid_loc, s_loc, lo_loc, hi_loc,
                   zero_loc, idx_loc, tau_loc, mm_loc, mmall_loc,
                   s_sh0, s_sh1, mm_sh):
    c = lax.axis_index("c")
    w = lax.axis_index("s")
    iota = jnp.arange(16, dtype=jnp.int32)

    pltpu.sync_copy(a16.at[pl.ds(w * BIS_TILE_R, BIS_TILE_R)], a_loc)
    pltpu.sync_copy(d16.at[pl.ds(w * BIS_TILE_R, BIS_TILE_R)], d_loc)

    def init_body(g, _):
        zero_loc[g] = jnp.zeros((16,), jnp.float32)
        return 0
    lax.fori_loop(0, NSEG_R, init_body, 0)

    def split_body(g, _):
        dv = d_loc[g]
        d_loc[g] = jax.lax.shift_right_logical(dv, _i32(4))
        l_loc[g] = jnp.bitwise_and(dv, _i32(15))
        return 0
    lax.fori_loop(0, BIS_TILE_R, split_body, 0)

    def idx_body(g, vec):
        idx_loc[pl.ds(g * 16, 16)] = vec
        return vec + 16
    lax.fori_loop(0, NSEG_R // 16, idx_body, iota)

    def mm_body(g, carry):
        mn, mx = carry
        av = a_loc[g]
        return jnp.minimum(mn, av), jnp.maximum(mx, av)
    mn, mx = lax.fori_loop(0, BIS_TILE_R, mm_body,
                           (jnp.full((16,), jnp.inf, jnp.float32),
                            jnp.full((16,), -jnp.inf, jnp.float32)))
    gmn = jnp.min(mn)
    gmx = jnp.max(mx)
    mm_loc[0] = jnp.where(iota == 0, gmn, -gmx)
    pltpu.sync_copy(mm_loc, mm_sh.at[pl.ds(w, 1)])
    plsc.subcore_barrier()
    pltpu.sync_copy(mm_sh, mmall_loc)

    def mm_red(t, acc):
        return jnp.minimum(acc, mmall_loc[t])
    acc = lax.fori_loop(0, 16, mm_red, jnp.full((16,), jnp.inf, jnp.float32))
    inf = jnp.float32(jnp.inf)
    gmin = jnp.min(jnp.where(iota == 0, acc, inf))
    gmax = -jnp.min(jnp.where(iota == 1, acc, inf))

    def lohi_body(g, _):
        lo_loc[g] = jnp.full((16,), gmin - 1.0, jnp.float32)
        hi_loc[g] = jnp.full((16,), gmax, jnp.float32)
        mid_loc[g] = jnp.full((16,), 0.5 * (gmin - 1.0 + gmax), jnp.float32)
        s_loc[g] = jnp.zeros((16,), jnp.float32)
        return 0
    lax.fori_loop(0, NSEG_R, lohi_body, 0)

    @pl.when(w == 0)
    def _z0():
        pltpu.sync_copy(zero_loc, s_sh0)

    def iter_body(it, carry):
        def edge_body(g, _c):
            row = d_loc[g]
            lane = l_loc[g]
            av = a_loc[g]
            mv = plsc.load_gather(mid_loc, [row, lane])
            contrib = jnp.maximum(av - mv, 0.0)
            plsc.addupdate_scatter(s_loc, [row, lane], contrib)
            return 0
        lax.fori_loop(0, BIS_TILE_R, edge_body, 0)

        even = jnp.bitwise_and(it, _i32(1)) == 0
        plsc.subcore_barrier()

        @pl.when(even)
        def _red0():
            pltpu.sync_copy(s_loc, s_sh0.at[idx_loc], add=True)

        @pl.when(jnp.logical_not(even))
        def _red1():
            pltpu.sync_copy(s_loc, s_sh1.at[idx_loc], add=True)
        plsc.subcore_barrier()

        @pl.when(even)
        def _rd0():
            pltpu.sync_copy(s_sh0, s_loc)

        @pl.when(jnp.logical_not(even))
        def _rd1():
            pltpu.sync_copy(s_sh1, s_loc)

        @pl.when(jnp.logical_and(w == 0, even))
        def _zn1():
            pltpu.sync_copy(zero_loc, s_sh1)

        @pl.when(jnp.logical_and(w == 0, jnp.logical_not(even)))
        def _zn0():
            pltpu.sync_copy(zero_loc, s_sh0)

        def upd_body(g, _c):
            ge = s_loc[g] >= 1.0
            midv = mid_loc[g]
            lo = jnp.where(ge, midv, lo_loc[g])
            hi = jnp.where(ge, hi_loc[g], midv)
            lo_loc[g] = lo
            hi_loc[g] = hi
            mid_loc[g] = 0.5 * (lo + hi)
            s_loc[g] = jnp.zeros((16,), jnp.float32)
            return 0
        lax.fori_loop(0, NSEG_R, upd_body, 0)
        return 0

    lax.fori_loop(0, BISECT_ITERS, iter_body, 0)

    def tau_body(j, _c):
        g = w * (NSEG_R // 16) + j
        tau_loc[j] = 0.5 * (lo_loc[g] + hi_loc[g])
        return 0
    lax.fori_loop(0, NSEG_R // 16, tau_body, 0)

    @pl.when(c == 0)
    def _write():
        pltpu.sync_copy(tau_loc, tau_hbm.at[pl.ds(w * (NSEG_R // 16),
                                                  NSEG_R // 16)])


def _message_kernel(y1a_hbm, y1b_hbm, y1c_hbm, y1d_hbm,
                    e2a_hbm, e2b_hbm, e2c_hbm, e2d_hbm, a1_hbm, src1_hbm,
                    dst1_hbm, tau_hbm, hn_hbm,
                    tau_loc, a_loc, src_loc, dst_loc, alpha_c, src_c, dst_c,
                    eid_c, dst_chunk, g_buf, e_buf, zero_big, hn_sh,
                    sem, sem2):
    c = lax.axis_index("c")
    s_ = lax.axis_index("s")
    wid = c * 16 + s_
    e_base = wid * (MSG_CHUNKS * 128)
    iota = jnp.arange(16, dtype=jnp.int32)

    pltpu.sync_copy(tau_hbm, tau_loc)
    pltpu.sync_copy(a1_hbm.at[pl.ds(e_base, MSG_CHUNKS * 128)], a_loc)
    pltpu.sync_copy(src1_hbm.at[pl.ds(e_base, MSG_CHUNKS * 128)], src_loc)
    pltpu.sync_copy(dst1_hbm.at[pl.ds(e_base, MSG_CHUNKS * 128)], dst_loc)

    def zb(i, _c):
        def zq(q, _cc):
            zero_big[i, pl.ds(q * 16, 16)] = jnp.zeros((16,), jnp.float32)
            return 0
        lax.fori_loop(0, HH // 16, zq, 0)
        return 0
    lax.fori_loop(0, 128, zb, 0)

    def comp_body(g, carry):
        pos, ev = carry
        dv = dst_loc[pl.ds(g * 16, 16)]
        av = a_loc[pl.ds(g * 16, 16)]
        sv = src_loc[pl.ds(g * 16, 16)]
        row = jax.lax.shift_right_logical(dv, _i32(4))
        lane = jnp.bitwise_and(dv, _i32(15))
        tv = plsc.load_gather(tau_loc, [row, lane])
        alpha = jnp.maximum(av - tv, 0.0)
        mask = jnp.logical_and(alpha > 0.0, ev < E_EDGES)
        plsc.store_compressed(alpha_c.at[pl.ds(pos, 16)], x=alpha, mask=mask)
        plsc.store_compressed(src_c.at[pl.ds(pos, 16)], x=sv, mask=mask)
        plsc.store_compressed(dst_c.at[pl.ds(pos, 16)], x=dv, mask=mask)
        plsc.store_compressed(eid_c.at[pl.ds(pos, 16)], x=ev, mask=mask)
        npos = pos + jnp.max(plsc.all_reduce_population_count(mask))
        return npos, ev + 16
    cnt, _ = lax.fori_loop(
        0, MSG_CHUNKS * 8, comp_body,
        (_i32(0), jnp.full((16,), e_base, jnp.int32) + iota))

    def pad_body(j, _c):
        at = pl.ds(cnt + j * 16, 16)
        alpha_c[at] = jnp.zeros((16,), jnp.float32)
        src_c[at] = jnp.zeros((16,), jnp.int32)
        dst_c[at] = jnp.full((16,), N_PAD - 1, jnp.int32)
        eid_c[at] = jnp.zeros((16,), jnp.int32)
        return 0
    lax.fori_loop(0, 8, pad_body, 0)

    for ha, (y1h, e2h) in enumerate(((y1a_hbm, e2a_hbm), (y1b_hbm, e2b_hbm),
                                     (y1c_hbm, e2c_hbm), (y1d_hbm, e2d_hbm))):
        def zs(j, _c):
            pltpu.sync_copy(zero_big,
                            hn_sh.at[pl.ds(s_ * 640 + j * 128, 128)])
            return 0
        lax.fori_loop(0, 5, zs, 0)
        plsc.subcore_barrier()

        def chunk_body(ch, _c):
            @pl.when(ch * 128 < cnt)
            def _do():
                def cp(l, _cc):
                    dst_chunk[pl.ds(l * 16, 16)] = (
                        dst_c[pl.ds(ch * 128 + l * 16, 16)])
                    return 0
                lax.fori_loop(0, 8, cp, 0)

                cp1 = pltpu.async_copy(
                    y1h.at[src_c.at[pl.ds(ch * 128, 128)]], g_buf, sem)
                cp2 = pltpu.async_copy(
                    e2h.at[eid_c.at[pl.ds(ch * 128, 128)]], e_buf, sem2)
                cp1.wait()
                cp2.wait()

                def rowb(r, rfull):
                    ar = plsc.load_gather(alpha_c.at[pl.ds(ch * 128, 128)],
                                          [rfull])

                    def qb(q, _ccc):
                        mv = jnp.maximum(g_buf[r, pl.ds(q * 16, 16)]
                                         + e_buf[r, pl.ds(q * 16, 16)],
                                         0.0) * ar
                        g_buf[r, pl.ds(q * 16, 16)] = mv
                        return 0
                    lax.fori_loop(0, HH // 16, qb, 0)
                    return rfull + 1
                lax.fori_loop(0, 128, rowb, jnp.zeros((16,), jnp.int32))

                pltpu.sync_copy(g_buf, hn_sh.at[dst_chunk], add=True)
            return 0
        lax.fori_loop(0, MSG_CHUNKS, chunk_body, 0)

        plsc.subcore_barrier()
        pltpu.sync_copy(hn_sh.at[pl.ds(s_ * 640, 640)],
                        hn_hbm.at[c, ha, pl.ds(s_ * 640, 640)])
        plsc.subcore_barrier()


def kernel(x, edge_index, edge_attr, W_edge, b_edge, W_eattn, b_eattn, w_attn,
           W_eout, b_eout, W_node, b_node):
    edge_index = edge_index.astype(jnp.int32)
    with jax.enable_x64(False):
        return _kernel_impl(x, edge_index, edge_attr, W_edge, b_edge, W_eattn,
                            b_eattn, w_attn, W_eout, b_eout, W_node, b_node)


def _kernel_impl(x, edge_index, edge_attr, W_edge, b_edge, W_eattn, b_eattn,
                 w_attn, W_eout, b_eout, W_node, b_node):
    x = x.astype(jnp.float32)
    src = edge_index[0]
    dst = edge_index[1]
    edge_attr = edge_attr.astype(jnp.float32)

    pad = E_PAD - E_EDGES
    src_p = jnp.concatenate([src, jnp.zeros((pad,), jnp.int32)])
    dst_p = jnp.concatenate([dst, jnp.full((pad,), N_PAD - 1, jnp.int32)])
    ea_p = jnp.concatenate([edge_attr, jnp.zeros((pad, D_EDGE), jnp.float32)])

    W1 = W_eout[:D_NODE]
    W2 = W_eout[D_NODE:]
    Wn1 = W_node[:D_NODE]
    Wn2 = W_node[D_NODE:]
    c_attn = jnp.sum(b_eattn * w_attn)[None].astype(jnp.float32)

    n_eb = E_PAD // BE
    a, e2a, e2b, e2c, e2d = pl.pallas_call(
        _edge_kernel,
        grid=(n_eb,),
        in_specs=[
            pl.BlockSpec((BE, D_EDGE), lambda i: (i, i * 0)),
            pl.BlockSpec((D_EDGE, H_DIM), lambda i: (i * 0, i * 0)),
            pl.BlockSpec((1, H_DIM), lambda i: (i * 0, i * 0)),
            pl.BlockSpec((H_DIM, H_DIM), lambda i: (i * 0, i * 0)),
            pl.BlockSpec((1, H_DIM), lambda i: (i * 0, i * 0)),
            pl.BlockSpec((D_EDGE, H_DIM), lambda i: (i * 0, i * 0)),
            pl.BlockSpec((1, H_DIM), lambda i: (i * 0, i * 0)),
            pl.BlockSpec((1,), lambda i: (i * 0,)),
        ],
        out_specs=[
            pl.BlockSpec((BE,), lambda i: (i,)),
            pl.BlockSpec((BE, HH), lambda i: (i, i * 0)),
            pl.BlockSpec((BE, HH), lambda i: (i, i * 0)),
            pl.BlockSpec((BE, HH), lambda i: (i, i * 0)),
            pl.BlockSpec((BE, HH), lambda i: (i, i * 0)),
        ],
        out_shape=[
            jax.ShapeDtypeStruct((E_PAD,), jnp.float32),
            jax.ShapeDtypeStruct((E_PAD, HH), jnp.float32),
            jax.ShapeDtypeStruct((E_PAD, HH), jnp.float32),
            jax.ShapeDtypeStruct((E_PAD, HH), jnp.float32),
            jax.ShapeDtypeStruct((E_PAD, HH), jnp.float32),
        ],
    )(ea_p, W_edge, b_edge[None, :], W2, b_eout[None, :],
      W_eattn, w_attn[None, :], c_attn)

    n_nb = N_NODES // BN
    y1_halves = []
    for h0 in (0, HH, 2 * HH, 3 * HH):
        y1_halves.append(pl.pallas_call(
            _matmul_bias_kernel,
            grid=(n_nb,),
            in_specs=[
                pl.BlockSpec((BN, D_NODE), lambda i: (i, i * 0)),
                pl.BlockSpec((D_NODE, HH), lambda i: (i * 0, i * 0)),
                pl.BlockSpec((1, HH), lambda i: (i * 0, i * 0)),
            ],
            out_specs=pl.BlockSpec((BN, HH), lambda i: (i, i * 0)),
            out_shape=jax.ShapeDtypeStruct((N_NODES, HH), jnp.float32),
        )(x, W1[:, h0:h0 + HH], jnp.zeros((1, HH), jnp.float32)))
    y1a, y1b, y1c, y1d = y1_halves

    mesh = plsc.VectorSubcoreMesh(core_axis_name="c", subcore_axis_name="s")

    bisect = functools.partial(
        pl.kernel, mesh=mesh,
        compiler_params=pltpu.CompilerParams(needs_layout_passes=False,
                                             use_tc_tiling_on_sc=False),
        out_type=jax.ShapeDtypeStruct((NSEG_R, 16), jnp.float32),
        scratch_types=[
            pltpu.VMEM((BIS_TILE_R, 16), jnp.float32),
            pltpu.VMEM((BIS_TILE_R, 16), jnp.int32),
            pltpu.VMEM((BIS_TILE_R, 16), jnp.int32),
            pltpu.VMEM((NSEG_R, 16), jnp.float32),
            pltpu.VMEM((NSEG_R, 16), jnp.float32),
            pltpu.VMEM((NSEG_R, 16), jnp.float32),
            pltpu.VMEM((NSEG_R, 16), jnp.float32),
            pltpu.VMEM((NSEG_R, 16), jnp.float32),
            pltpu.VMEM((NSEG_R,), jnp.int32),
            pltpu.VMEM((NSEG_R // 16, 16), jnp.float32),
            pltpu.VMEM((1, 16), jnp.float32),
            pltpu.VMEM((16, 16), jnp.float32),
            pltpu.VMEM_SHARED((NSEG_R, 16), jnp.float32),
            pltpu.VMEM_SHARED((NSEG_R, 16), jnp.float32),
            pltpu.VMEM_SHARED((16, 16), jnp.float32),
        ],
    )(_bisect_kernel)
    tau = bisect(a.reshape(E_PAD // 16, 16), dst_p.reshape(E_PAD // 16, 16))

    message = functools.partial(
        pl.kernel, mesh=mesh,
        compiler_params=pltpu.CompilerParams(needs_layout_passes=False,
                                             use_tc_tiling_on_sc=False),
        out_type=jax.ShapeDtypeStruct((2, 4, N_PAD, HH), jnp.float32),
        scratch_types=[
            pltpu.VMEM((NSEG_R, 16), jnp.float32),
            pltpu.VMEM((MSG_CHUNKS * 128,), jnp.float32),
            pltpu.VMEM((MSG_CHUNKS * 128,), jnp.int32),
            pltpu.VMEM((MSG_CHUNKS * 128,), jnp.int32),
            pltpu.VMEM((MSG_CHUNKS * 128 + 144,), jnp.float32),
            pltpu.VMEM((MSG_CHUNKS * 128 + 144,), jnp.int32),
            pltpu.VMEM((MSG_CHUNKS * 128 + 144,), jnp.int32),
            pltpu.VMEM((MSG_CHUNKS * 128 + 144,), jnp.int32),
            pltpu.VMEM((128,), jnp.int32),
            pltpu.VMEM((128, HH), jnp.float32),
            pltpu.VMEM((128, HH), jnp.float32),
            pltpu.VMEM((128, HH), jnp.float32),
            pltpu.VMEM_SHARED((N_PAD, HH), jnp.float32),
            pltpu.SemaphoreType.DMA,
            pltpu.SemaphoreType.DMA,
        ],
    )(_message_kernel)
    hn = message(y1a, y1b, y1c, y1d, e2a, e2b, e2c, e2d, a,
                 src_p, dst_p, tau)

    def _hn_spec(cc, qq):
        return pl.BlockSpec(
            (1, 1, BN, HH),
            lambda i, _c=cc, _q=qq: (_c + i * 0, _q + i * 0, i, i * 0))

    h = pl.pallas_call(
        _final_kernel,
        grid=(n_nb,),
        in_specs=(
            [pl.BlockSpec((BN, D_NODE), lambda i: (i, i * 0))]
            + [_hn_spec(cc, qq) for cc in (0, 1) for qq in range(4)]
            + [pl.BlockSpec((HH, H_DIM), lambda i: (i * 0, i * 0))
               for _ in range(4)]
            + [pl.BlockSpec((D_NODE, H_DIM), lambda i: (i * 0, i * 0)),
               pl.BlockSpec((1, H_DIM), lambda i: (i * 0, i * 0))]
        ),
        out_specs=pl.BlockSpec((BN, H_DIM), lambda i: (i, i * 0)),
        out_shape=jax.ShapeDtypeStruct((N_NODES, H_DIM), jnp.float32),
    )(x, hn, hn, hn, hn, hn, hn, hn, hn,
      Wn2[:HH], Wn2[HH:2 * HH], Wn2[2 * HH:3 * HH], Wn2[3 * HH:],
      Wn1, b_node[None, :])
    return h

# --- scband reference (transcript-rebuilt; emitter-appended) ---
"""Pipeline reference for scband-gteastlayer-38620345926113 (READ-ONLY COPY).

The authoritative reference and input builder live on the scoring server;
editing this copy changes nothing except your own understanding.
"""

import jax, jax.numpy as jnp
import numpy as np

jax.config.update("jax_enable_x64", True)

N = 10000
E_EDGES = 320000
D_NODE = 128
D_EDGE = 16
H = 128


def _segment_sparsemax(a, seg, num_segments):
    # Per-destination-node sparsemax over incoming-edge scores.
    # Mathematically identical to applying the torch sparsemax to each
    # node's mailbox row (DGL buckets nodes by degree; sparsemax is
    # computed independently per node over its in-edges).
    E = a.shape[0]
    seg_max = jax.ops.segment_max(a, seg, num_segments=num_segments)
    z = a - seg_max[seg]
    order = jnp.lexsort((-z, seg))  # primary: seg asc, secondary: z desc
    z_s = z[order]
    seg_s = seg[order]
    counts = jnp.bincount(seg, length=num_segments)
    starts = jnp.cumsum(counts) - counts
    r = (jnp.arange(1, E + 1) - starts[seg_s]).astype(z.dtype)  # 1-based rank within segment
    css = jnp.cumsum(z_s)
    start_idx = jnp.clip(starts, 0, E - 1)
    offset = css[start_idx] - z_s[start_idx]
    within_cumsum = css - offset[seg_s]
    bound = 1.0 + r * z_s
    is_gt = (bound > within_cumsum).astype(z.dtype)
    k = jax.ops.segment_max(is_gt * r, seg_s, num_segments=num_segments)
    zs_sparse_sum = jax.ops.segment_sum(is_gt * z_s, seg_s, num_segments=num_segments)
    taus = (zs_sparse_sum - 1.0) / jnp.maximum(k, 1.0)
    out_s = jnp.maximum(0.0, z_s - taus[seg_s])
    out = jnp.zeros_like(out_s).at[order].set(out_s)
    return out


def setup_inputs(seed: int = 0) -> dict:
    key = jax.random.key(seed)
    ks = jax.random.split(key, 10)
    x = jax.random.normal(ks[0], (N, D_NODE), dtype=jnp.float32)
    edge_index = jax.random.randint(ks[1], (2, E_EDGES), 0, N, dtype=jnp.int64)
    edge_attr = jax.random.normal(ks[2], (E_EDGES, D_EDGE), dtype=jnp.float32)

    def lin(k, fi, fo):
        return (jax.random.normal(k, (fi, fo), dtype=jnp.float32) / np.sqrt(fi)).astype(jnp.float32)

    W_edge = lin(ks[3], D_EDGE, H)
    b_edge = jnp.zeros((H,), jnp.float32)
    W_eattn = lin(ks[4], D_EDGE, H)
    b_eattn = jnp.zeros((H,), jnp.float32)
    w_attn = (jax.random.normal(ks[5], (H,), dtype=jnp.float32) / np.sqrt(H)).astype(jnp.float32)
    W_eout = lin(ks[6], D_NODE + H, H)
    b_eout = jnp.zeros((H,), jnp.float32)
    W_node = lin(ks[7], D_NODE + H, H)
    b_node = jnp.zeros((H,), jnp.float32)
    return {
        "x": x,
        "edge_index": edge_index,
        "edge_attr": edge_attr,
        "W_edge": W_edge, "b_edge": b_edge,
        "W_eattn": W_eattn, "b_eattn": b_eattn,
        "w_attn": w_attn,
        "W_eout": W_eout, "b_eout": b_eout,
        "W_node": W_node, "b_node": b_node,
    }


def reference(x, edge_index, edge_attr, W_edge, b_edge, W_eattn, b_eattn, w_attn, W_eout, b_eout, W_node, b_node):
    # dropout p=0.0 -> identity. Block = full graph: all N nodes are both src and dst.
    src = edge_index[0]
    dst = edge_index[1]
    # message_func
    e_out = jax.nn.relu(edge_attr @ W_edge + b_edge)                    # [E, H]
    a = (edge_attr @ W_eattn + b_eattn) @ w_attn                        # [E]
    a = jax.nn.leaky_relu(a)                                            # slope 0.01 matches torch default
    h_src = x[src]                                                      # gather [E, D]
    m = jax.nn.relu(jnp.concatenate([h_src, e_out], axis=1) @ W_eout + b_eout)  # [E, H]
    # reduce_func: per-dst sparsemax attention + weighted sum
    alpha = _segment_sparsemax(a, dst, N)                               # [E]
    h_neigh = jax.ops.segment_sum(alpha[:, None] * m, dst, num_segments=N)  # [N, H]
    # final node update
    h = jax.nn.relu(jnp.concatenate([x, h_neigh], axis=1) @ W_node + b_node)  # [N, H]
    return h


if False:  # reference __main__ guard neutralized (emitter)
    out = reference(**setup_inputs())
    print(out.shape, out.dtype)

if __name__ == "__main__":
    import jax
    _d = setup_inputs()
    print(jax.jit(kernel)(*tuple(_d.values())))

</pallas_src>

<mosaic_0001>
#map = affine_map<(d0, d1) -> (0, 0)>
#map1 = affine_map<(d0, d1) -> (0)>
#map2 = affine_map<(d0, d1) -> (0, 0, 0, 0)>
module attributes {stable_mosaic.version = 14 : i64} {
  func.func @_message_kernel(%arg0: i32, %arg1: i32, %arg2: memref<10000x32xf32, #tpu.memory_space<hbm>>, %arg3: memref<10000x32xf32, #tpu.memory_space<hbm>>, %arg4: memref<10000x32xf32, #tpu.memory_space<hbm>>, %arg5: memref<10000x32xf32, #tpu.memory_space<hbm>>, %arg6: memref<327680x32xf32, #tpu.memory_space<hbm>>, %arg7: memref<327680x32xf32, #tpu.memory_space<hbm>>, %arg8: memref<327680x32xf32, #tpu.memory_space<hbm>>, %arg9: memref<327680x32xf32, #tpu.memory_space<hbm>>, %arg10: memref<327680xf32, #tpu.memory_space<hbm>>, %arg11: memref<327680xi32, #tpu.memory_space<hbm>>, %arg12: memref<327680xi32, #tpu.memory_space<hbm>>, %arg13: memref<640x16xf32, #tpu.memory_space<hbm>>, %arg14: memref<2x4x10240x32xf32, #tpu.memory_space<hbm>>, %arg15: memref<640x16xf32, #tpu.memory_space<vmem>>, %arg16: memref<10240xf32, #tpu.memory_space<vmem>>, %arg17: memref<10240xi32, #tpu.memory_space<vmem>>, %arg18: memref<10240xi32, #tpu.memory_space<vmem>>, %arg19: memref<10384xf32, #tpu.memory_space<vmem>>, %arg20: memref<10384xi32, #tpu.memory_space<vmem>>, %arg21: memref<10384xi32, #tpu.memory_space<vmem>>, %arg22: memref<10384xi32, #tpu.memory_space<vmem>>, %arg23: memref<128xi32, #tpu.memory_space<vmem>>, %arg24: memref<128x32xf32, #tpu.memory_space<vmem>>, %arg25: memref<128x32xf32, #tpu.memory_space<vmem>>, %arg26: memref<128x32xf32, #tpu.memory_space<vmem>>, %arg27: memref<10240x32xf32, #tpu.memory_space<vmem_shared>>, %arg28: memref<!tpu.dma_semaphore, #tpu.memory_space<semaphore_mem>>, %arg29: memref<!tpu.dma_semaphore, #tpu.memory_space<semaphore_mem>>) attributes {dimension_semantics = [#tpu.dimension_semantics<core_parallel>, #tpu.dimension_semantics<subcore_parallel>], iteration_bounds = array<i64: 2, 16>, scalar_prefetch = 0 : i64, scratch_operands = 15 : i64, tpu.core_type = #tpu.core_type<sc_vector_subcore>, window_params = [{transform_indices = #map}, {transform_indices = #map}, {transform_indices = #map}, {transform_indices = #map}, {transform_indices = #map}, {transform_indices = #map}, {transform_indices = #map}, {transform_indices = #map}, {transform_indices = #map1}, {transform_indices = #map1}, {transform_indices = #map1}, {transform_indices = #map}, {transform_indices = #map2}]} {
    %mul3A = arith.constant 16 : i32
    %mul3A_0 = arith.muli %arg0, %mul3A : i32
    %add3A = arith.addi %mul3A_0, %arg1 : i32
    %mul3A_1 = arith.constant 10240 : i32
    %mul3A_2 = arith.muli %add3A, %mul3A_1 : i32
    %iota3A = tpu.iota {dimensions = array<i32: 0>} : vector<16xi32>
    "tpu.region"() ({
      %run_scoped3A_110 = tpu.sem_alloc : memref<!tpu.dma_semaphore, #tpu.memory_space<semaphore_mem>>
      tpu.enqueue_dma source(%arg13 : memref<640x16xf32, #tpu.memory_space<hbm>>) target(%arg15 : memref<640x16xf32, #tpu.memory_space<vmem>>) target_semaphore(%run_scoped3A_110 : memref<!tpu.dma_semaphore, #tpu.memory_space<semaphore_mem>>)
      tpu.wait_dma2 semaphore(%run_scoped3A_110 : memref<!tpu.dma_semaphore, #tpu.memory_space<semaphore_mem>>) src(%arg13 : memref<640x16xf32, #tpu.memory_space<hbm>>) dst(%arg15 : memref<640x16xf32, #tpu.memory_space<vmem>>)
      tpu.yield
    }) : () -> ()
    "tpu.region"() ({
      %run_scoped3A_110 = tpu.sem_alloc : memref<!tpu.dma_semaphore, #tpu.memory_space<semaphore_mem>>
      %dma_start3A = tpu.memref_slice %arg10[%mul3A_2] : memref<327680xf32, #tpu.memory_space<hbm>> -> memref<10240xf32, #tpu.memory_space<hbm>>
      %dma_start3A_111 = tpu.memref_slice %arg10[%mul3A_2] : memref<327680xf32, #tpu.memory_space<hbm>> -> memref<10240xf32, #tpu.memory_space<hbm>>
      tpu.enqueue_dma source(%dma_start3A_111 : memref<10240xf32, #tpu.memory_space<hbm>>) target(%arg16 : memref<10240xf32, #tpu.memory_space<vmem>>) target_semaphore(%run_scoped3A_110 : memref<!tpu.dma_semaphore, #tpu.memory_space<semaphore_mem>>)
      %dma_wait3A = tpu.memref_slice %arg10[%mul3A_2] : memref<327680xf32, #tpu.memory_space<hbm>> -> memref<10240xf32, #tpu.memory_space<hbm>>
      %dma_wait3A_112 = tpu.memref_slice %arg10[%mul3A_2] : memref<327680xf32, #tpu.memory_space<hbm>> -> memref<10240xf32, #tpu.memory_space<hbm>>
      tpu.wait_dma2 semaphore(%run_scoped3A_110 : memref<!tpu.dma_semaphore, #tpu.memory_space<semaphore_mem>>) src(%dma_wait3A_112 : memref<10240xf32, #tpu.memory_space<hbm>>) dst(%arg16 : memref<10240xf32, #tpu.memory_space<vmem>>)
      tpu.yield
    }) : () -> ()
    "tpu.region"() ({
      %run_scoped3A_110 = tpu.sem_alloc : memref<!tpu.dma_semaphore, #tpu.memory_space<semaphore_mem>>
      %dma_start3A = tpu.memref_slice %arg11[%mul3A_2] : memref<327680xi32, #tpu.memory_space<hbm>> -> memref<10240xi32, #tpu.memory_space<hbm>>
      %dma_start3A_111 = tpu.memref_slice %arg11[%mul3A_2] : memref<327680xi32, #tpu.memory_space<hbm>> -> memref<10240xi32, #tpu.memory_space<hbm>>
      tpu.enqueue_dma source(%dma_start3A_111 : memref<10240xi32, #tpu.memory_space<hbm>>) target(%arg17 : memref<10240xi32, #tpu.memory_space<vmem>>) target_semaphore(%run_scoped3A_110 : memref<!tpu.dma_semaphore, #tpu.memory_space<semaphore_mem>>)
      %dma_wait3A = tpu.memref_slice %arg11[%mul3A_2] : memref<327680xi32, #tpu.memory_space<hbm>> -> memref<10240xi32, #tpu.memory_space<hbm>>
      %dma_wait3A_112 = tpu.memref_slice %arg11[%mul3A_2] : memref<327680xi32, #tpu.memory_space<hbm>> -> memref<10240xi32, #tpu.memory_space<hbm>>
      tpu.wait_dma2 semaphore(%run_scoped3A_110 : memref<!tpu.dma_semaphore, #tpu.memory_space<semaphore_mem>>) src(%dma_wait3A_112 : memref<10240xi32, #tpu.memory_space<hbm>>) dst(%arg17 : memref<10240xi32, #tpu.memory_space<vmem>>)
      tpu.yield
    }) : () -> ()
    "tpu.region"() ({
      %run_scoped3A_110 = tpu.sem_alloc : memref<!tpu.dma_semaphore, #tpu.memory_space<semaphore_mem>>
      %dma_start3A = tpu.memref_slice %arg12[%mul3A_2] : memref<327680xi32, #tpu.memory_space<hbm>> -> memref<10240xi32, #tpu.memory_space<hbm>>
      %dma_start3A_111 = tpu.memref_slice %arg12[%mul3A_2] : memref<327680xi32, #tpu.memory_space<hbm>> -> memref<10240xi32, #tpu.memory_space<hbm>>
      tpu.enqueue_dma source(%dma_start3A_111 : memref<10240xi32, #tpu.memory_space<hbm>>) target(%arg18 : memref<10240xi32, #tpu.memory_space<vmem>>) target_semaphore(%run_scoped3A_110 : memref<!tpu.dma_semaphore, #tpu.memory_space<semaphore_mem>>)
      %dma_wait3A = tpu.memref_slice %arg12[%mul3A_2] : memref<327680xi32, #tpu.memory_space<hbm>> -> memref<10240xi32, #tpu.memory_space<hbm>>
      %dma_wait3A_112 = tpu.memref_slice %arg12[%mul3A_2] : memref<327680xi32, #tpu.memory_space<hbm>> -> memref<10240xi32, #tpu.memory_space<hbm>>
      tpu.wait_dma2 semaphore(%run_scoped3A_110 : memref<!tpu.dma_semaphore, #tpu.memory_space<semaphore_mem>>) src(%dma_wait3A_112 : memref<10240xi32, #tpu.memory_space<hbm>>) dst(%arg18 : memref<10240xi32, #tpu.memory_space<vmem>>)
      tpu.yield
    }) : () -> ()
    %scan3A = arith.constant 0 : i32
    %scan3A_3 = arith.constant 0 : i32
    %scan3A_4 = arith.constant 128 : i32
    %scan3A_5 = arith.addi %scan3A_3, %scan3A_4 : i32
    %scan3A_6 = arith.constant 1 : i32
    %scan3A_7 = scf.for %scan3A_110 = %scan3A_3 to %scan3A_5 step %scan3A_6 iter_args(%scan3A_111 = %scan3A) -> (i32)  : i32 {
      %scan3A_112 = arith.constant 0 : i32
      %scan3A_113 = arith.constant 0 : i32
      %scan3A_114 = arith.constant 2 : i32
      %scan3A_115 = arith.addi %scan3A_113, %scan3A_114 : i32
      %scan3A_116 = arith.constant 1 : i32
      %scan3A_117 = scf.for %scan3A_120 = %scan3A_113 to %scan3A_115 step %scan3A_116 iter_args(%scan3A_121 = %scan3A_112) -> (i32)  : i32 {
        %broadcast_in_dim3A_122 = arith.constant 0.000000e+00 : f32
        %broadcast_in_dim3A_123 = vector.broadcast %broadcast_in_dim3A_122 : f32 to vector<16xf32>
        %mul3A_124 = arith.constant 16 : i32
        %mul3A_125 = arith.muli %scan3A_120, %mul3A_124 : i32
        %swap3A = arith.index_cast %scan3A_110 : i32 to index
        %swap3A_126 = arith.index_cast %mul3A_125 : i32 to index
        %swap3A_127 = tpu.vector_load %arg26[%swap3A, %swap3A_126] {strides = array<i32>} : memref<128x32xf32, #tpu.memory_space<vmem>>, vector<16xf32>,
        tpu.vector_store %arg26[%swap3A, %swap3A_126], %broadcast_in_dim3A_123 {strides = array<i32>} : memref<128x32xf32, #tpu.memory_space<vmem>>, vector<16xf32>,
        %scan3A_128 = arith.constant 0 : i32
        scf.yield %scan3A_128 : i32
      }
      %scan3A_118 = arith.constant 2 : i32
      %scan3A_119 = arith.constant 0 : i32
      scf.yield %scan3A_119 : i32
    }
    %scan3A_8 = arith.constant 128 : i32
    %broadcast_in_dim3A = vector.broadcast %mul3A_2 : i32 to vector<16xi32>
    %add3A_9 = arith.addi %broadcast_in_dim3A, %iota3A : vector<16xi32>
    %scan3A_10 = arith.constant 0 : i32
    %scan3A_11 = arith.constant 0 : i32
    %scan3A_12 = arith.constant 640 : i32
    %scan3A_13 = arith.addi %scan3A_11, %scan3A_12 : i32
    %scan3A_14 = arith.constant 1 : i32
    %scan3A_15:2 = scf.for %scan3A_110 = %scan3A_11 to %scan3A_13 step %scan3A_14 iter_args(%scan3A_111 = %scan3A_10, %scan3A_112 = %add3A_9) -> (i32, vector<16xi32>)  : i32 {
      %mul3A_113 = arith.constant 16 : i32
      %mul3A_114 = arith.muli %scan3A_110, %mul3A_113 : i32
      %get3A = arith.index_cast %mul3A_114 : i32 to index
      %get3A_115 = tpu.vector_load %arg18[%get3A] {strides = array<i32>} : memref<10240xi32, #tpu.memory_space<vmem>>, vector<16xi32>,
      %mul3A_116 = arith.constant 16 : i32
      %mul3A_117 = arith.muli %scan3A_110, %mul3A_116 : i32
      %get3A_118 = arith.index_cast %mul3A_117 : i32 to index
      %get3A_119 = tpu.vector_load %arg16[%get3A_118] {strides = array<i32>} : memref<10240xf32, #tpu.memory_space<vmem>>, vector<16xf32>,
      %mul3A_120 = arith.constant 16 : i32
      %mul3A_121 = arith.muli %scan3A_110, %mul3A_120 : i32
      %get3A_122 = arith.index_cast %mul3A_121 : i32 to index
      %get3A_123 = tpu.vector_load %arg17[%get3A_122] {strides = array<i32>} : memref<10240xi32, #tpu.memory_space<vmem>>, vector<16xi32>,
      %shift_right_logical3A = arith.constant 4 : i32
      %shift_right_logical3A_124 = vector.broadcast %shift_right_logical3A : i32 to vector<16xi32>
      %shift_right_logical3A_125 = arith.shrui %get3A_115, %shift_right_logical3A_124 : vector<16xi32>
      %and3A = arith.constant 15 : i32
      %and3A_126 = vector.broadcast %and3A : i32 to vector<16xi32>
      %and3A_127 = arith.andi %get3A_115, %and3A_126 : vector<16xi32>
      %gather3A = tpu.vector_load_idx %arg15[%shift_right_logical3A_125, %and3A_127] : memref<640x16xf32, #tpu.memory_space<vmem>>[vector<16xi32>, vector<16xi32>], vector<16xf32>,
      %sub3A = arith.subf %get3A_119, %gather3A : vector<16xf32>
      %max3A = arith.constant 0.000000e+00 : f32
      %max3A_128 = vector.broadcast %max3A : f32 to vector<16xf32>
      %max3A_129 = arith.maximumf %sub3A, %max3A_128 : vector<16xf32>
      %gt3A = arith.constant 0.000000e+00 : f32
      %gt3A_130 = vector.broadcast %gt3A : f32 to vector<16xf32>
      %gt3A_131 = arith.cmpf ogt, %max3A_129, %gt3A_130 : vector<16xf32>
      %lt3A = arith.constant 320000 : i32
      %lt3A_132 = vector.broadcast %lt3A : i32 to vector<16xi32>
      %lt3A_133 = arith.cmpi slt, %scan3A_112, %lt3A_132 : vector<16xi32>
      %and3A_134 = arith.andi %gt3A_131, %lt3A_133 : vector<16xi1>
      %swap3A = arith.index_cast %scan3A_111 : i32 to index
      %swap3A_135 = tpu.vector_load %arg19[%swap3A] masked %and3A_134 {strides = array<i32>} : memref<10384xf32, #tpu.memory_space<vmem>>, vector<16xf32>, vector<16xi1>
      tpu.vector_store %arg19[%swap3A], %max3A_129 masked %and3A_134 {strides = array<i32>} : memref<10384xf32, #tpu.memory_space<vmem>>, vector<16xf32>, vector<16xi1>
      %swap3A_136 = arith.index_cast %scan3A_111 : i32 to index
      %swap3A_137 = tpu.vector_load %arg20[%swap3A_136] masked %and3A_134 {strides = array<i32>} : memref<10384xi32, #tpu.memory_space<vmem>>, vector<16xi32>, vector<16xi1>
      tpu.vector_store %arg20[%swap3A_136], %get3A_123 masked %and3A_134 {strides = array<i32>} : memref<10384xi32, #tpu.memory_space<vmem>>, vector<16xi32>, vector<16xi1>
      %swap3A_138 = arith.index_cast %scan3A_111 : i32 to index
      %swap3A_139 = tpu.vector_load %arg21[%swap3A_138] masked %and3A_134 {strides = array<i32>} : memref<10384xi32, #tpu.memory_space<vmem>>, vector<16xi32>, vector<16xi1>
      tpu.vector_store %arg21[%swap3A_138], %get3A_115 masked %and3A_134 {strides = array<i32>} : memref<10384xi32, #tpu.memory_space<vmem>>, vector<16xi32>, vector<16xi1>
      %swap3A_140 = arith.index_cast %scan3A_111 : i32 to index
      %swap3A_141 = tpu.vector_load %arg22[%swap3A_140] masked %and3A_134 {strides = array<i32>} : memref<10384xi32, #tpu.memory_space<vmem>>, vector<16xi32>, vector<16xi1>
      tpu.vector_store %arg22[%swap3A_140], %scan3A_112 masked %and3A_134 {strides = array<i32>} : memref<10384xi32, #tpu.memory_space<vmem>>, vector<16xi32>, vector<16xi1>
      %all_reduce_population_count3A = tpu.all_reduce %and3A_134 {dim = 0 : i64, kind = #tpu.reduction_kind<sum>} : vector<16xi1> -> vector<16xi32>
      %reduce_max3A = arith.constant true
      %reduce_max3A_142 = vector.broadcast %reduce_max3A : i1 to vector<16xi1>
      %reduce_max3A_143 = arith.constant -2147483648 : i32
      %reduce_max3A_144 = vector.broadcast %reduce_max3A_143 : i32 to vector<16xi32>
      %reduce_max3A_145 = arith.xori %all_reduce_population_count3A, %reduce_max3A_144 : vector<16xi32>
      %reduce_max3A_146 = tpu.scan <max>, %reduce_max3A_145 masked %reduce_max3A_142 : vector<16xi32>, vector<16xi1> -> vector<16xi32>
      %reduce_max3A_147 = arith.xori %reduce_max3A_146, %reduce_max3A_144 : vector<16xi32>
      %reduce_max3A_148 = vector.extract %reduce_max3A_147[15] : i32 from vector<16xi32>
      %add3A_149 = arith.addi %scan3A_111, %reduce_max3A_148 : i32
      %add3A_150 = arith.constant 16 : i32
      %add3A_151 = vector.broadcast %add3A_150 : i32 to vector<16xi32>
      %add3A_152 = arith.addi %scan3A_112, %add3A_151 : vector<16xi32>
      scf.yield %add3A_149, %add3A_152 : i32, vector<16xi32>
    }
    %scan3A_16 = arith.constant 640 : i32
    %scan3A_17 = arith.constant 0 : i32
    %scan3A_18 = arith.constant 0 : i32
    %scan3A_19 = arith.constant 8 : i32
    %scan3A_20 = arith.addi %scan3A_18, %scan3A_19 : i32
    %scan3A_21 = arith.constant 1 : i32
    %scan3A_22 = scf.for %scan3A_110 = %scan3A_18 to %scan3A_20 step %scan3A_21 iter_args(%scan3A_111 = %scan3A_17) -> (i32)  : i32 {
      %mul3A_112 = arith.constant 16 : i32
      %mul3A_113 = arith.muli %scan3A_110, %mul3A_112 : i32
      %add3A_114 = arith.addi %scan3A_15#0, %mul3A_113 : i32
      %broadcast_in_dim3A_115 = arith.constant 0.000000e+00 : f32
      %broadcast_in_dim3A_116 = vector.broadcast %broadcast_in_dim3A_115 : f32 to vector<16xf32>
      %swap3A = arith.index_cast %add3A_114 : i32 to index
      %swap3A_117 = tpu.vector_load %arg19[%swap3A] {strides = array<i32>} : memref<10384xf32, #tpu.memory_space<vmem>>, vector<16xf32>,
      tpu.vector_store %arg19[%swap3A], %broadcast_in_dim3A_116 {strides = array<i32>} : memref<10384xf32, #tpu.memory_space<vmem>>, vector<16xf32>,
      %broadcast_in_dim3A_118 = arith.constant 0 : i32
      %broadcast_in_dim3A_119 = vector.broadcast %broadcast_in_dim3A_118 : i32 to vector<16xi32>
      %swap3A_120 = arith.index_cast %add3A_114 : i32 to index
      %swap3A_121 = tpu.vector_load %arg20[%swap3A_120] {strides = array<i32>} : memref<10384xi32, #tpu.memory_space<vmem>>, vector<16xi32>,
      tpu.vector_store %arg20[%swap3A_120], %broadcast_in_dim3A_119 {strides = array<i32>} : memref<10384xi32, #tpu.memory_space<vmem>>, vector<16xi32>,
      %broadcast_in_dim3A_122 = arith.constant 10239 : i32
      %broadcast_in_dim3A_123 = vector.broadcast %broadcast_in_dim3A_122 : i32 to vector<16xi32>
      %swap3A_124 = arith.index_cast %add3A_114 : i32 to index
      %swap3A_125 = tpu.vector_load %arg21[%swap3A_124] {strides = array<i32>} : memref<10384xi32, #tpu.memory_space<vmem>>, vector<16xi32>,
      tpu.vector_store %arg21[%swap3A_124], %broadcast_in_dim3A_123 {strides = array<i32>} : memref<10384xi32, #tpu.memory_space<vmem>>, vector<16xi32>,
      %broadcast_in_dim3A_126 = arith.constant 0 : i32
      %broadcast_in_dim3A_127 = vector.broadcast %broadcast_in_dim3A_126 : i32 to vector<16xi32>
      %swap3A_128 = arith.index_cast %add3A_114 : i32 to index
      %swap3A_129 = tpu.vector_load %arg22[%swap3A_128] {strides = array<i32>} : memref<10384xi32, #tpu.memory_space<vmem>>, vector<16xi32>,
      tpu.vector_store %arg22[%swap3A_128], %broadcast_in_dim3A_127 {strides = array<i32>} : memref<10384xi32, #tpu.memory_space<vmem>>, vector<16xi32>,
      %scan3A_130 = arith.constant 0 : i32
      scf.yield %scan3A_130 : i32
    }
    %scan3A_23 = arith.constant 8 : i32
    %scan3A_24 = arith.constant 0 : i32
    %scan3A_25 = arith.constant 0 : i32
    %scan3A_26 = arith.constant 5 : i32
    %scan3A_27 = arith.addi %scan3A_25, %scan3A_26 : i32
    %scan3A_28 = arith.constant 1 : i32
    %scan3A_29 = scf.for %scan3A_110 = %scan3A_25 to %scan3A_27 step %scan3A_28 iter_args(%scan3A_111 = %scan3A_24) -> (i32)  : i32 {
      %mul3A_112 = arith.constant 640 : i32
      %mul3A_113 = arith.muli %arg1, %mul3A_112 : i32
      %mul3A_114 = arith.constant 128 : i32
      %mul3A_115 = arith.muli %scan3A_110, %mul3A_114 : i32
      %add3A_116 = arith.addi %mul3A_113, %mul3A_115 : i32
      "tpu.region"() ({
        %run_scoped3A_118 = tpu.sem_alloc : memref<!tpu.dma_semaphore, #tpu.memory_space<semaphore_mem>>
        %dma_start3A = arith.constant 0 : i32
        %dma_start3A_119 = tpu.memref_slice %arg27[%add3A_116, %dma_start3A] : memref<10240x32xf32, #tpu.memory_space<vmem_shared>> -> memref<128x32xf32, #tpu.memory_space<vmem_shared>>
        %dma_start3A_120 = arith.constant 0 : i32
        %dma_start3A_121 = tpu.memref_slice %arg27[%add3A_116, %dma_start3A_120] : memref<10240x32xf32, #tpu.memory_space<vmem_shared>> -> memref<128x32xf32, #tpu.memory_space<vmem_shared>>
        tpu.enqueue_dma source(%arg26 : memref<128x32xf32, #tpu.memory_space<vmem>>) target(%dma_start3A_121 : memref<128x32xf32, #tpu.memory_space<vmem_shared>>) target_semaphore(%run_scoped3A_118 : memref<!tpu.dma_semaphore, #tpu.memory_space<semaphore_mem>>)
        %dma_wait3A = arith.constant 0 : i32
        %dma_wait3A_122 = tpu.memref_slice %arg27[%add3A_116, %dma_wait3A] : memref<10240x32xf32, #tpu.memory_space<vmem_shared>> -> memref<128x32xf32, #tpu.memory_space<vmem_shared>>
        %dma_wait3A_123 = arith.constant 0 : i32
        %dma_wait3A_124 = tpu.memref_slice %arg27[%add3A_116, %dma_wait3A_123] : memref<10240x32xf32, #tpu.memory_space<vmem_shared>> -> memref<128x32xf32, #tpu.memory_space<vmem_shared>>
        tpu.wait_dma2 semaphore(%run_scoped3A_118 : memref<!tpu.dma_semaphore, #tpu.memory_space<semaphore_mem>>) src(%arg26 : memref<128x32xf32, #tpu.memory_space<vmem>>) dst(%dma_wait3A_124 : memref<128x32xf32, #tpu.memory_space<vmem_shared>>)
        tpu.yield
      }) : () -> ()
      %scan3A_117 = arith.constant 0 : i32
      scf.yield %scan3A_117 : i32
    }
    %scan3A_30 = arith.constant 5 : i32
    %barrier3A = arith.constant 0 : index
    tpu.barrier barrier_id(%barrier3A)
    %scan3A_31 = arith.constant 0 : i32
    %scan3A_32 = arith.constant 0 : i32
    %scan3A_33 = arith.constant 80 : i32
    %scan3A_34 = arith.addi %scan3A_32, %scan3A_33 : i32
    %scan3A_35 = arith.constant 1 : i32
    %scan3A_36 = scf.for %scan3A_110 = %scan3A_32 to %scan3A_34 step %scan3A_35 iter_args(%scan3A_111 = %scan3A_31) -> (i32)  : i32 {
      %mul3A_112 = arith.constant 128 : i32
      %mul3A_113 = arith.muli %scan3A_110, %mul3A_112 : i32
      %lt3A = arith.cmpi slt, %mul3A_113, %scan3A_15#0 : i32
      %convert_element_type3A = arith.extui %lt3A : i1 to i32
      %cond3A = arith.constant 0 : i32
      %cond3A_114 = arith.cmpi ne, %convert_element_type3A, %cond3A : i32
      scf.if %cond3A_114 {
        %scan3A_116 = arith.constant 0 : i32
        %scan3A_117 = arith.constant 0 : i32
        %scan3A_118 = arith.constant 8 : i32
        %scan3A_119 = arith.addi %scan3A_117, %scan3A_118 : i32
        %scan3A_120 = arith.constant 1 : i32
        %scan3A_121 = scf.for %scan3A_149 = %scan3A_117 to %scan3A_119 step %scan3A_120 iter_args(%scan3A_150 = %scan3A_116) -> (i32)  : i32 {
          %mul3A_151 = arith.constant 128 : i32
          %mul3A_152 = arith.muli %scan3A_110, %mul3A_151 : i32
          %mul3A_153 = arith.constant 16 : i32
          %mul3A_154 = arith.muli %scan3A_149, %mul3A_153 : i32
          %add3A_155 = arith.addi %mul3A_152, %mul3A_154 : i32
          %get3A = arith.index_cast %add3A_155 : i32 to index
          %get3A_156 = tpu.vector_load %arg21[%get3A] {strides = array<i32>} : memref<10384xi32, #tpu.memory_space<vmem>>, vector<16xi32>,
          %mul3A_157 = arith.constant 16 : i32
          %mul3A_158 = arith.muli %scan3A_149, %mul3A_157 : i32
          %swap3A = arith.index_cast %mul3A_158 : i32 to index
          %swap3A_159 = tpu.vector_load %arg23[%swap3A] {strides = array<i32>} : memref<128xi32, #tpu.memory_space<vmem>>, vector<16xi32>,
          tpu.vector_store %arg23[%swap3A], %get3A_156 {strides = array<i32>} : memref<128xi32, #tpu.memory_space<vmem>>, vector<16xi32>,
          %scan3A_160 = arith.constant 0 : i32
          scf.yield %scan3A_160 : i32
        }
        %scan3A_122 = arith.constant 8 : i32
        %mul3A_123 = arith.constant 128 : i32
        %mul3A_124 = arith.muli %scan3A_110, %mul3A_123 : i32
        %dma_start3A = tpu.memref_slice %arg20[%mul3A_124] : memref<10384xi32, #tpu.memory_space<vmem>> -> memref<128xi32, #tpu.memory_space<vmem>>
        %dma_start3A_125 = arith.constant 0 : i32
        %dma_start3A_126 = arith.constant 0 : i32
        %dma_start3A_127 = tpu.memref_slice %arg2[%dma_start3A_125, %dma_start3A_126] : memref<10000x32xf32, #tpu.memory_space<hbm>> -> memref<10000x32xf32, #tpu.memory_space<hbm>>
        tpu.enqueue_indirect_dma source(%dma_start3A_127 : memref<10000x32xf32, #tpu.memory_space<hbm>>) target(%arg24 : memref<128x32xf32, #tpu.memory_space<vmem>>) offsets(%dma_start3A : memref<128xi32, #tpu.memory_space<vmem>>) semaphore(%arg28 : memref<!tpu.dma_semaphore, #tpu.memory_space<semaphore_mem>>)
        %mul3A_128 = arith.constant 128 : i32
        %mul3A_129 = arith.muli %scan3A_110, %mul3A_128 : i32
        %dma_start3A_130 = tpu.memref_slice %arg22[%mul3A_129] : memref<10384xi32, #tpu.memory_space<vmem>> -> memref<128xi32, #tpu.memory_space<vmem>>
        %dma_start3A_131 = arith.constant 0 : i32
        %dma_start3A_132 = arith.constant 0 : i32
        %dma_start3A_133 = tpu.memref_slice %arg6[%dma_start3A_131, %dma_start3A_132] : memref<327680x32xf32, #tpu.memory_space<hbm>> -> memref<327680x32xf32, #tpu.memory_space<hbm>>
        tpu.enqueue_indirect_dma source(%dma_start3A_133 : memref<327680x32xf32, #tpu.memory_space<hbm>>) target(%arg25 : memref<128x32xf32, #tpu.memory_space<vmem>>) offsets(%dma_start3A_130 : memref<128xi32, #tpu.memory_space<vmem>>) semaphore(%arg29 : memref<!tpu.dma_semaphore, #tpu.memory_space<semaphore_mem>>)
        %dma_wait3A = tpu.memref_slice %arg20[%mul3A_124] : memref<10384xi32, #tpu.memory_space<vmem>> -> memref<128xi32, #tpu.memory_space<vmem>>
        %dma_wait3A_134 = arith.constant 0 : i32
        %dma_wait3A_135 = arith.constant 0 : i32
        %dma_wait3A_136 = tpu.memref_slice %arg2[%dma_wait3A_134, %dma_wait3A_135] : memref<10000x32xf32, #tpu.memory_space<hbm>> -> memref<10000x32xf32, #tpu.memory_space<hbm>>
        tpu.wait_indirect_dma semaphore(%arg28 : memref<!tpu.dma_semaphore, #tpu.memory_space<semaphore_mem>>) src(%dma_wait3A_136 : memref<10000x32xf32, #tpu.memory_space<hbm>>) dst(%arg24 : memref<128x32xf32, #tpu.memory_space<vmem>>)
        %dma_wait3A_137 = tpu.memref_slice %arg22[%mul3A_129] : memref<10384xi32, #tpu.memory_space<vmem>> -> memref<128xi32, #tpu.memory_space<vmem>>
        %dma_wait3A_138 = arith.constant 0 : i32
        %dma_wait3A_139 = arith.constant 0 : i32
        %dma_wait3A_140 = tpu.memref_slice %arg6[%dma_wait3A_138, %dma_wait3A_139] : memref<327680x32xf32, #tpu.memory_space<hbm>> -> memref<327680x32xf32, #tpu.memory_space<hbm>>
        tpu.wait_indirect_dma semaphore(%arg29 : memref<!tpu.dma_semaphore, #tpu.memory_space<semaphore_mem>>) src(%dma_wait3A_140 : memref<327680x32xf32, #tpu.memory_space<hbm>>) dst(%arg25 : memref<128x32xf32, #tpu.memory_space<vmem>>)
        %broadcast_in_dim3A_141 = arith.constant 0 : i32
        %broadcast_in_dim3A_142 = vector.broadcast %broadcast_in_dim3A_141 : i32 to vector<16xi32>
        %scan3A_143 = arith.constant 0 : i32
        %scan3A_144 = arith.constant 128 : i32
        %scan3A_145 = arith.addi %scan3A_143, %scan3A_144 : i32
        %scan3A_146 = arith.constant 1 : i32
        %scan3A_147 = scf.for %scan3A_149 = %scan3A_143 to %scan3A_145 step %scan3A_146 iter_args(%scan3A_150 = %broadcast_in_dim3A_142) -> (vector<16xi32>)  : i32 {
          %mul3A_151 = arith.constant 128 : i32
          %mul3A_152 = arith.muli %scan3A_110, %mul3A_151 : i32
          %gather3A = tpu.memref_slice %arg19[%mul3A_152] : memref<10384xf32, #tpu.memory_space<vmem>> -> memref<128xf32, #tpu.memory_space<vmem>>
          %gather3A_153 = tpu.vector_load_idx %gather3A[%scan3A_150] : memref<128xf32, #tpu.memory_space<vmem>>[vector<16xi32>], vector<16xf32>,
          %scan3A_154 = arith.constant 0 : i32
          %scan3A_155 = arith.constant 0 : i32
          %scan3A_156 = arith.constant 2 : i32
          %scan3A_157 = arith.addi %scan3A_155, %scan3A_156 : i32
          %scan3A_158 = arith.constant 1 : i32
          %scan3A_159 = scf.for %scan3A_164 = %scan3A_155 to %scan3A_157 step %scan3A_158 iter_args(%scan3A_165 = %scan3A_154) -> (i32)  : i32 {
            %mul3A_166 = arith.constant 16 : i32
            %mul3A_167 = arith.muli %scan3A_164, %mul3A_166 : i32
            %get3A = arith.index_cast %scan3A_149 : i32 to index
            %get3A_168 = arith.index_cast %mul3A_167 : i32 to index
            %get3A_169 = tpu.vector_load %arg24[%get3A, %get3A_168] {strides = array<i32>} : memref<128x32xf32, #tpu.memory_space<vmem>>, vector<16xf32>,
            %mul3A_170 = arith.constant 16 : i32
            %mul3A_171 = arith.muli %scan3A_164, %mul3A_170 : i32
            %get3A_172 = arith.index_cast %scan3A_149 : i32 to index
            %get3A_173 = arith.index_cast %mul3A_171 : i32 to index
            %get3A_174 = tpu.vector_load %arg25[%get3A_172, %get3A_173] {strides = array<i32>} : memref<128x32xf32, #tpu.memory_space<vmem>>, vector<16xf32>,
            %add3A_175 = arith.addf %get3A_169, %get3A_174 : vector<16xf32>
            %max3A = arith.constant 0.000000e+00 : f32
            %max3A_176 = vector.broadcast %max3A : f32 to vector<16xf32>
            %max3A_177 = arith.maximumf %add3A_175, %max3A_176 : vector<16xf32>
            %mul3A_178 = arith.mulf %max3A_177, %gather3A_153 : vector<16xf32>
            %mul3A_179 = arith.constant 16 : i32
            %mul3A_180 = arith.muli %scan3A_164, %mul3A_179 : i32
            %swap3A = arith.index_cast %scan3A_149 : i32 to index
            %swap3A_181 = arith.index_cast %mul3A_180 : i32 to index
            %swap3A_182 = tpu.vector_load %arg24[%swap3A, %swap3A_181] {strides = array<i32>} : memref<128x32xf32, #tpu.memory_space<vmem>>, vector<16xf32>,
            tpu.vector_store %arg24[%swap3A, %swap3A_181], %mul3A_178 {strides = array<i32>} : memref<128x32xf32, #tpu.memory_space<vmem>>, vector<16xf32>,
            %scan3A_183 = arith.constant 0 : i32
            scf.yield %scan3A_183 : i32
          }
          %scan3A_160 = arith.constant 2 : i32
          %add3A_161 = arith.constant 1 : i32
          %add3A_162 = vector.broadcast %add3A_161 : i32 to vector<16xi32>
          %add3A_163 = arith.addi %scan3A_150, %add3A_162 : vector<16xi32>
          scf.yield %add3A_163 : vector<16xi32>
        }
        %scan3A_148 = arith.constant 128 : i32
        "tpu.region"() ({
          %run_scoped3A_149 = tpu.sem_alloc : memref<!tpu.dma_semaphore, #tpu.memory_space<semaphore_mem>>
          %dma_start3A_150 = arith.constant 0 : i32
          %dma_start3A_151 = arith.constant 0 : i32
          %dma_start3A_152 = tpu.memref_slice %arg27[%dma_start3A_150, %dma_start3A_151] : memref<10240x32xf32, #tpu.memory_space<vmem_shared>> -> memref<10240x32xf32, #tpu.memory_space<vmem_shared>>
          tpu.enqueue_indirect_dma source(%arg24 : memref<128x32xf32, #tpu.memory_space<vmem>>) target(%dma_start3A_152 : memref<10240x32xf32, #tpu.memory_space<vmem_shared>>) offsets(%arg23 : memref<128xi32, #tpu.memory_space<vmem>>) semaphore(%run_scoped3A_149 : memref<!tpu.dma_semaphore, #tpu.memory_space<semaphore_mem>>) {add = true}
          %dma_wait3A_153 = arith.constant 0 : i32
          %dma_wait3A_154 = arith.constant 0 : i32
          %dma_wait3A_155 = tpu.memref_slice %arg27[%dma_wait3A_153, %dma_wait3A_154] : memref<10240x32xf32, #tpu.memory_space<vmem_shared>> -> memref<10240x32xf32, #tpu.memory_space<vmem_shared>>
          tpu.wait_indirect_dma semaphore(%run_scoped3A_149 : memref<!tpu.dma_semaphore, #tpu.memory_space<semaphore_mem>>) src(%arg24 : memref<128x32xf32, #tpu.memory_space<vmem>>) dst(%dma_wait3A_155 : memref<10240x32xf32, #tpu.memory_space<vmem_shared>>)
          tpu.yield
        }) : () -> ()
      } else {
      }
      %scan3A_115 = arith.constant 0 : i32
      scf.yield %scan3A_115 : i32
    }
    %scan3A_37 = arith.constant 80 : i32
    %barrier3A_38 = arith.constant 0 : index
    tpu.barrier barrier_id(%barrier3A_38)
    %mul3A_39 = arith.constant 640 : i32
    %mul3A_40 = arith.muli %arg1, %mul3A_39 : i32
    %mul3A_41 = arith.constant 640 : i32
    %mul3A_42 = arith.muli %arg1, %mul3A_41 : i32
    %run_scoped3A = arith.constant 0 : i32
    "tpu.region"() ({
      %run_scoped3A_110 = tpu.sem_alloc : memref<!tpu.dma_semaphore, #tpu.memory_space<semaphore_mem>>
      %dma_start3A = arith.constant 0 : i32
      %dma_start3A_111 = tpu.memref_slice %arg14[%arg0, %run_scoped3A, %mul3A_42, %dma_start3A] : memref<2x4x10240x32xf32, #tpu.memory_space<hbm>> -> memref<1x1x640x32xf32, #tpu.memory_space<hbm>>
      %dma_start3A_112 = tpu.memref_squeeze %dma_start3A_111 : memref<1x1x640x32xf32, #tpu.memory_space<hbm>> -> memref<640x32xf32, #tpu.memory_space<hbm>>
      %dma_start3A_113 = arith.constant 0 : i32
      %dma_start3A_114 = tpu.memref_slice %arg27[%mul3A_40, %dma_start3A_113] : memref<10240x32xf32, #tpu.memory_space<vmem_shared>> -> memref<640x32xf32, #tpu.memory_space<vmem_shared>>
      tpu.enqueue_dma source(%dma_start3A_114 : memref<640x32xf32, #tpu.memory_space<vmem_shared>>) target(%dma_start3A_112 : memref<640x32xf32, #tpu.memory_space<hbm>>) target_semaphore(%run_scoped3A_110 : memref<!tpu.dma_semaphore, #tpu.memory_space<semaphore_mem>>)
      %dma_wait3A = arith.constant 0 : i32
      %dma_wait3A_115 = tpu.memref_slice %arg14[%arg0, %run_scoped3A, %mul3A_42, %dma_wait3A] : memref<2x4x10240x32xf32, #tpu.memory_space<hbm>> -> memref<1x1x640x32xf32, #tpu.memory_space<hbm>>
      %dma_wait3A_116 = tpu.memref_squeeze %dma_wait3A_115 : memref<1x1x640x32xf32, #tpu.memory_space<hbm>> -> memref<640x32xf32, #tpu.memory_space<hbm>>
      %dma_wait3A_117 = arith.constant 0 : i32
      %dma_wait3A_118 = tpu.memref_slice %arg27[%mul3A_40, %dma_wait3A_117] : memref<10240x32xf32, #tpu.memory_space<vmem_shared>> -> memref<640x32xf32, #tpu.memory_space<vmem_shared>>
      tpu.wait_dma2 semaphore(%run_scoped3A_110 : memref<!tpu.dma_semaphore, #tpu.memory_space<semaphore_mem>>) src(%dma_wait3A_118 : memref<640x32xf32, #tpu.memory_space<vmem_shared>>) dst(%dma_wait3A_116 : memref<640x32xf32, #tpu.memory_space<hbm>>)
      tpu.yield
    }) : () -> ()
    %barrier3A_43 = arith.constant 0 : index
    tpu.barrier barrier_id(%barrier3A_43)
    %scan3A_44 = arith.constant 0 : i32
    %scan3A_45 = arith.constant 0 : i32
    %scan3A_46 = arith.constant 5 : i32
    %scan3A_47 = arith.addi %scan3A_45, %scan3A_46 : i32
    %scan3A_48 = arith.constant 1 : i32
    %scan3A_49 = scf.for %scan3A_110 = %scan3A_45 to %scan3A_47 step %scan3A_48 iter_args(%scan3A_111 = %scan3A_44) -> (i32)  : i32 {
      %mul3A_112 = arith.constant 640 : i32
      %mul3A_113 = arith.muli %arg1, %mul3A_112 : i32
      %mul3A_114 = arith.constant 128 : i32
      %mul3A_115 = arith.muli %scan3A_110, %mul3A_114 : i32
      %add3A_116 = arith.addi %mul3A_113, %mul3A_115 : i32
      "tpu.region"() ({
        %run_scoped3A_118 = tpu.sem_alloc : memref<!tpu.dma_semaphore, #tpu.memory_space<semaphore_mem>>
        %dma_start3A = arith.constant 0 : i32
        %dma_start3A_119 = tpu.memref_slice %arg27[%add3A_116, %dma_start3A] : memref<10240x32xf32, #tpu.memory_space<vmem_shared>> -> memref<128x32xf32, #tpu.memory_space<vmem_shared>>
        %dma_start3A_120 = arith.constant 0 : i32
        %dma_start3A_121 = tpu.memref_slice %arg27[%add3A_116, %dma_start3A_120] : memref<10240x32xf32, #tpu.memory_space<vmem_shared>> -> memref<128x32xf32, #tpu.memory_space<vmem_shared>>
        tpu.enqueue_dma source(%arg26 : memref<128x32xf32, #tpu.memory_space<vmem>>) target(%dma_start3A_121 : memref<128x32xf32, #tpu.memory_space<vmem_shared>>) target_semaphore(%run_scoped3A_118 : memref<!tpu.dma_semaphore, #tpu.memory_space<semaphore_mem>>)
        %dma_wait3A = arith.constant 0 : i32
        %dma_wait3A_122 = tpu.memref_slice %arg27[%add3A_116, %dma_wait3A] : memref<10240x32xf32, #tpu.memory_space<vmem_shared>> -> memref<128x32xf32, #tpu.memory_space<vmem_shared>>
        %dma_wait3A_123 = arith.constant 0 : i32
        %dma_wait3A_124 = tpu.memref_slice %arg27[%add3A_116, %dma_wait3A_123] : memref<10240x32xf32, #tpu.memory_space<vmem_shared>> -> memref<128x32xf32, #tpu.memory_space<vmem_shared>>
        tpu.wait_dma2 semaphore(%run_scoped3A_118 : memref<!tpu.dma_semaphore, #tpu.memory_space<semaphore_mem>>) src(%arg26 : memref<128x32xf32, #tpu.memory_space<vmem>>) dst(%dma_wait3A_124 : memref<128x32xf32, #tpu.memory_space<vmem_shared>>)
        tpu.yield
      }) : () -> ()
      %scan3A_117 = arith.constant 0 : i32
      scf.yield %scan3A_117 : i32
    }
    %scan3A_50 = arith.constant 5 : i32
    %barrier3A_51 = arith.constant 0 : index
    tpu.barrier barrier_id(%barrier3A_51)
    %scan3A_52 = arith.constant 0 : i32
    %scan3A_53 = arith.constant 0 : i32
    %scan3A_54 = arith.constant 80 : i32
    %scan3A_55 = arith.addi %scan3A_53, %scan3A_54 : i32
    %scan3A_56 = arith.constant 1 : i32
    %scan3A_57 = scf.for %scan3A_110 = %scan3A_53 to %scan3A_55 step %scan3A_56 iter_args(%scan3A_111 = %scan3A_52) -> (i32)  : i32 {
      %mul3A_112 = arith.constant 128 : i32
      %mul3A_113 = arith.muli %scan3A_110, %mul3A_112 : i32
      %lt3A = arith.cmpi slt, %mul3A_113, %scan3A_15#0 : i32
      %convert_element_type3A = arith.extui %lt3A : i1 to i32
      %cond3A = arith.constant 0 : i32
      %cond3A_114 = arith.cmpi ne, %convert_element_type3A, %cond3A : i32
      scf.if %cond3A_114 {
        %scan3A_116 = arith.constant 0 : i32
        %scan3A_117 = arith.constant 0 : i32
        %scan3A_118 = arith.constant 8 : i32
        %scan3A_119 = arith.addi %scan3A_117, %scan3A_118 : i32
        %scan3A_120 = arith.constant 1 : i32
        %scan3A_121 = scf.for %scan3A_149 = %scan3A_117 to %scan3A_119 step %scan3A_120 iter_args(%scan3A_150 = %scan3A_116) -> (i32)  : i32 {
          %mul3A_151 = arith.constant 128 : i32
          %mul3A_152 = arith.muli %scan3A_110, %mul3A_151 : i32
          %mul3A_153 = arith.constant 16 : i32
          %mul3A_154 = arith.muli %scan3A_149, %mul3A_153 : i32
          %add3A_155 = arith.addi %mul3A_152, %mul3A_154 : i32
          %get3A = arith.index_cast %add3A_155 : i32 to index
          %get3A_156 = tpu.vector_load %arg21[%get3A] {strides = array<i32>} : memref<10384xi32, #tpu.memory_space<vmem>>, vector<16xi32>,
          %mul3A_157 = arith.constant 16 : i32
          %mul3A_158 = arith.muli %scan3A_149, %mul3A_157 : i32
          %swap3A = arith.index_cast %mul3A_158 : i32 to index
          %swap3A_159 = tpu.vector_load %arg23[%swap3A] {strides = array<i32>} : memref<128xi32, #tpu.memory_space<vmem>>, vector<16xi32>,
          tpu.vector_store %arg23[%swap3A], %get3A_156 {strides = array<i32>} : memref<128xi32, #tpu.memory_space<vmem>>, vector<16xi32>,
          %scan3A_160 = arith.constant 0 : i32
          scf.yield %scan3A_160 : i32
        }
        %scan3A_122 = arith.constant 8 : i32
        %mul3A_123 = arith.constant 128 : i32
        %mul3A_124 = arith.muli %scan3A_110, %mul3A_123 : i32
        %dma_start3A = tpu.memref_slice %arg20[%mul3A_124] : memref<10384xi32, #tpu.memory_space<vmem>> -> memref<128xi32, #tpu.memory_space<vmem>>
        %dma_start3A_125 = arith.constant 0 : i32
        %dma_start3A_126 = arith.constant 0 : i32
        %dma_start3A_127 = tpu.memref_slice %arg3[%dma_start3A_125, %dma_start3A_126] : memref<10000x32xf32, #tpu.memory_space<hbm>> -> memref<10000x32xf32, #tpu.memory_space<hbm>>
        tpu.enqueue_indirect_dma source(%dma_start3A_127 : memref<10000x32xf32, #tpu.memory_space<hbm>>) target(%arg24 : memref<128x32xf32, #tpu.memory_space<vmem>>) offsets(%dma_start3A : memref<128xi32, #tpu.memory_space<vmem>>) semaphore(%arg28 : memref<!tpu.dma_semaphore, #tpu.memory_space<semaphore_mem>>)
        %mul3A_128 = arith.constant 128 : i32
        %mul3A_129 = arith.muli %scan3A_110, %mul3A_128 : i32
        %dma_start3A_130 = tpu.memref_slice %arg22[%mul3A_129] : memref<10384xi32, #tpu.memory_space<vmem>> -> memref<128xi32, #tpu.memory_space<vmem>>
        %dma_start3A_131 = arith.constant 0 : i32
        %dma_start3A_132 = arith.constant 0 : i32
        %dma_start3A_133 = tpu.memref_slice %arg7[%dma_start3A_131, %dma_start3A_132] : memref<327680x32xf32, #tpu.memory_space<hbm>> -> memref<327680x32xf32, #tpu.memory_space<hbm>>
        tpu.enqueue_indirect_dma source(%dma_start3A_133 : memref<327680x32xf32, #tpu.memory_space<hbm>>) target(%arg25 : memref<128x32xf32, #tpu.memory_space<vmem>>) offsets(%dma_start3A_130 : memref<128xi32, #tpu.memory_space<vmem>>) semaphore(%arg29 : memref<!tpu.dma_semaphore, #tpu.memory_space<semaphore_mem>>)
        %dma_wait3A = tpu.memref_slice %arg20[%mul3A_124] : memref<10384xi32, #tpu.memory_space<vmem>> -> memref<128xi32, #tpu.memory_space<vmem>>
        %dma_wait3A_134 = arith.constant 0 : i32
        %dma_wait3A_135 = arith.constant 0 : i32
        %dma_wait3A_136 = tpu.memref_slice %arg3[%dma_wait3A_134, %dma_wait3A_135] : memref<10000x32xf32, #tpu.memory_space<hbm>> -> memref<10000x32xf32, #tpu.memory_space<hbm>>
        tpu.wait_indirect_dma semaphore(%arg28 : memref<!tpu.dma_semaphore, #tpu.memory_space<semaphore_mem>>) src(%dma_wait3A_136 : memref<10000x32xf32, #tpu.memory_space<hbm>>) dst(%arg24 : memref<128x32xf32, #tpu.memory_space<vmem>>)
        %dma_wait3A_137 = tpu.memref_slice %arg22[%mul3A_129] : memref<10384xi32, #tpu.memory_space<vmem>> -> memref<128xi32, #tpu.memory_space<vmem>>
        %dma_wait3A_138 = arith.constant 0 : i32
        %dma_wait3A_139 = arith.constant 0 : i32
        %dma_wait3A_140 = tpu.memref_slice %arg7[%dma_wait3A_138, %dma_wait3A_139] : memref<327680x32xf32, #tpu.memory_space<hbm>> -> memref<327680x32xf32, #tpu.memory_space<hbm>>
        tpu.wait_indirect_dma semaphore(%arg29 : memref<!tpu.dma_semaphore, #tpu.memory_space<semaphore_mem>>) src(%dma_wait3A_140 : memref<327680x32xf32, #tpu.memory_space<hbm>>) dst(%arg25 : memref<128x32xf32, #tpu.memory_space<vmem>>)
        %broadcast_in_dim3A_141 = arith.constant 0 : i32
        %broadcast_in_dim3A_142 = vector.broadcast %broadcast_in_dim3A_141 : i32 to vector<16xi32>
        %scan3A_143 = arith.constant 0 : i32
        %scan3A_144 = arith.constant 128 : i32
        %scan3A_145 = arith.addi %scan3A_143, %scan3A_144 : i32
        %scan3A_146 = arith.constant 1 : i32
        %scan3A_147 = scf.for %scan3A_149 = %scan3A_143 to %scan3A_145 step %scan3A_146 iter_args(%scan3A_150 = %broadcast_in_dim3A_142) -> (vector<16xi32>)  : i32 {
          %mul3A_151 = arith.constant 128 : i32
          %mul3A_152 = arith.muli %scan3A_110, %mul3A_151 : i32
          %gather3A = tpu.memref_slice %arg19[%mul3A_152] : memref<10384xf32, #tpu.memory_space<vmem>> -> memref<128xf32, #tpu.memory_space<vmem>>
          %gather3A_153 = tpu.vector_load_idx %gather3A[%scan3A_150] : memref<128xf32, #tpu.memory_space<vmem>>[vector<16xi32>], vector<16xf32>,
          %scan3A_154 = arith.constant 0 : i32
          %scan3A_155 = arith.constant 0 : i32
          %scan3A_156 = arith.constant 2 : i32
          %scan3A_157 = arith.addi %scan3A_155, %scan3A_156 : i32
          %scan3A_158 = arith.constant 1 : i32
          %scan3A_159 = scf.for %scan3A_164 = %scan3A_155 to %scan3A_157 step %scan3A_158 iter_args(%scan3A_165 = %scan3A_154) -> (i32)  : i32 {
            %mul3A_166 = arith.constant 16 : i32
            %mul3A_167 = arith.muli %scan3A_164, %mul3A_166 : i32
            %get3A = arith.index_cast %scan3A_149 : i32 to index
            %get3A_168 = arith.index_cast %mul3A_167 : i32 to index
            %get3A_169 = tpu.vector_load %arg24[%get3A, %get3A_168] {strides = array<i32>} : memref<128x32xf32, #tpu.memory_space<vmem>>, vector<16xf32>,
            %mul3A_170 = arith.constant 16 : i32
            %mul3A_171 = arith.muli %scan3A_164, %mul3A_170 : i32
            %get3A_172 = arith.index_cast %scan3A_149 : i32 to index
            %get3A_173 = arith.index_cast %mul3A_171 : i32 to index
            %get3A_174 = tpu.vector_load %arg25[%get3A_172, %get3A_173] {strides = array<i32>} : memref<128x32xf32, #tpu.memory_space<vmem>>, vector<16xf32>,
            %add3A_175 = arith.addf %get3A_169, %get3A_174 : vector<16xf32>
            %max3A = arith.constant 0.000000e+00 : f32
            %max3A_176 = vector.broadcast %max3A : f32 to vector<16xf32>
            %max3A_177 = arith.maximumf %add3A_175, %max3A_176 : vector<16xf32>
            %mul3A_178 = arith.mulf %max3A_177, %gather3A_153 : vector<16xf32>
            %mul3A_179 = arith.constant 16 : i32
            %mul3A_180 = arith.muli %scan3A_164, %mul3A_179 : i32
            %swap3A = arith.index_cast %scan3A_149 : i32 to index
            %swap3A_181 = arith.index_cast %mul3A_180 : i32 to index
            %swap3A_182 = tpu.vector_load %arg24[%swap3A, %swap3A_181] {strides = array<i32>} : memref<128x32xf32, #tpu.memory_space<vmem>>, vector<16xf32>,
            tpu.vector_store %arg24[%swap3A, %swap3A_181], %mul3A_178 {strides = array<i32>} : memref<128x32xf32, #tpu.memory_space<vmem>>, vector<16xf32>,
            %scan3A_183 = arith.constant 0 : i32
            scf.yield %scan3A_183 : i32
          }
          %scan3A_160 = arith.constant 2 : i32
          %add3A_161 = arith.constant 1 : i32
          %add3A_162 = vector.broadcast %add3A_161 : i32 to vector<16xi32>
          %add3A_163 = arith.addi %scan3A_150, %add3A_162 : vector<16xi32>
          scf.yield %add3A_163 : vector<16xi32>
        }
        %scan3A_148 = arith.constant 128 : i32
        "tpu.region"() ({
          %run_scoped3A_149 = tpu.sem_alloc : memref<!tpu.dma_semaphore, #tpu.memory_space<semaphore_mem>>
          %dma_start3A_150 = arith.constant 0 : i32
          %dma_start3A_151 = arith.constant 0 : i32
          %dma_start3A_152 = tpu.memref_slice %arg27[%dma_start3A_150, %dma_start3A_151] : memref<10240x32xf32, #tpu.memory_space<vmem_shared>> -> memref<10240x32xf32, #tpu.memory_space<vmem_shared>>
          tpu.enqueue_indirect_dma source(%arg24 : memref<128x32xf32, #tpu.memory_space<vmem>>) target(%dma_start3A_152 : memref<10240x32xf32, #tpu.memory_space<vmem_shared>>) offsets(%arg23 : memref<128xi32, #tpu.memory_space<vmem>>) semaphore(%run_scoped3A_149 : memref<!tpu.dma_semaphore, #tpu.memory_space<semaphore_mem>>) {add = true}
          %dma_wait3A_153 = arith.constant 0 : i32
          %dma_wait3A_154 = arith.constant 0 : i32
          %dma_wait3A_155 = tpu.memref_slice %arg27[%dma_wait3A_153, %dma_wait3A_154] : memref<10240x32xf32, #tpu.memory_space<vmem_shared>> -> memref<10240x32xf32, #tpu.memory_space<vmem_shared>>
          tpu.wait_indirect_dma semaphore(%run_scoped3A_149 : memref<!tpu.dma_semaphore, #tpu.memory_space<semaphore_mem>>) src(%arg24 : memref<128x32xf32, #tpu.memory_space<vmem>>) dst(%dma_wait3A_155 : memref<10240x32xf32, #tpu.memory_space<vmem_shared>>)
          tpu.yield
        }) : () -> ()
      } else {
      }
      %scan3A_115 = arith.constant 0 : i32
      scf.yield %scan3A_115 : i32
    }
    %scan3A_58 = arith.constant 80 : i32
    %barrier3A_59 = arith.constant 0 : index
    tpu.barrier barrier_id(%barrier3A_59)
    %mul3A_60 = arith.constant 640 : i32
    %mul3A_61 = arith.muli %arg1, %mul3A_60 : i32
    %mul3A_62 = arith.constant 640 : i32
    %mul3A_63 = arith.muli %arg1, %mul3A_62 : i32
    %run_scoped3A_64 = arith.constant 1 : i32
    "tpu.region"() ({
      %run_scoped3A_110 = tpu.sem_alloc : memref<!tpu.dma_semaphore, #tpu.memory_space<semaphore_mem>>
      %dma_start3A = arith.constant 0 : i32
      %dma_start3A_111 = tpu.memref_slice %arg14[%arg0, %run_scoped3A_64, %mul3A_63, %dma_start3A] : memref<2x4x10240x32xf32, #tpu.memory_space<hbm>> -> memref<1x1x640x32xf32, #tpu.memory_space<hbm>>
      %dma_start3A_112 = tpu.memref_squeeze %dma_start3A_111 : memref<1x1x640x32xf32, #tpu.memory_space<hbm>> -> memref<640x32xf32, #tpu.memory_space<hbm>>
      %dma_start3A_113 = arith.constant 0 : i32
      %dma_start3A_114 = tpu.memref_slice %arg27[%mul3A_61, %dma_start3A_113] : memref<10240x32xf32, #tpu.memory_space<vmem_shared>> -> memref<640x32xf32, #tpu.memory_space<vmem_shared>>
      tpu.enqueue_dma source(%dma_start3A_114 : memref<640x32xf32, #tpu.memory_space<vmem_shared>>) target(%dma_start3A_112 : memref<640x32xf32, #tpu.memory_space<hbm>>) target_semaphore(%run_scoped3A_110 : memref<!tpu.dma_semaphore, #tpu.memory_space<semaphore_mem>>)
      %dma_wait3A = arith.constant 0 : i32
      %dma_wait3A_115 = tpu.memref_slice %arg14[%arg0, %run_scoped3A_64, %mul3A_63, %dma_wait3A] : memref<2x4x10240x32xf32, #tpu.memory_space<hbm>> -> memref<1x1x640x32xf32, #tpu.memory_space<hbm>>
      %dma_wait3A_116 = tpu.memref_squeeze %dma_wait3A_115 : memref<1x1x640x32xf32, #tpu.memory_space<hbm>> -> memref<640x32xf32, #tpu.memory_space<hbm>>
      %dma_wait3A_117 = arith.constant 0 : i32
      %dma_wait3A_118 = tpu.memref_slice %arg27[%mul3A_61, %dma_wait3A_117] : memref<10240x32xf32, #tpu.memory_space<vmem_shared>> -> memref<640x32xf32, #tpu.memory_space<vmem_shared>>
      tpu.wait_dma2 semaphore(%run_scoped3A_110 : memref<!tpu.dma_semaphore, #tpu.memory_space<semaphore_mem>>) src(%dma_wait3A_118 : memref<640x32xf32, #tpu.memory_space<vmem_shared>>) dst(%dma_wait3A_116 : memref<640x32xf32, #tpu.memory_space<hbm>>)
      tpu.yield
    }) : () -> ()
    %barrier3A_65 = arith.constant 0 : index
    tpu.barrier barrier_id(%barrier3A_65)
    %scan3A_66 = arith.constant 0 : i32
    %scan3A_67 = arith.constant 0 : i32
    %scan3A_68 = arith.constant 5 : i32
    %scan3A_69 = arith.addi %scan3A_67, %scan3A_68 : i32
    %scan3A_70 = arith.constant 1 : i32
    %scan3A_71 = scf.for %scan3A_110 = %scan3A_67 to %scan3A_69 step %scan3A_70 iter_args(%scan3A_111 = %scan3A_66) -> (i32)  : i32 {
      %mul3A_112 = arith.constant 640 : i32
      %mul3A_113 = arith.muli %arg1, %mul3A_112 : i32
      %mul3A_114 = arith.constant 128 : i32
      %mul3A_115 = arith.muli %scan3A_110, %mul3A_114 : i32
      %add3A_116 = arith.addi %mul3A_113, %mul3A_115 : i32
      "tpu.region"() ({
        %run_scoped3A_118 = tpu.sem_alloc : memref<!tpu.dma_semaphore, #tpu.memory_space<semaphore_mem>>
        %dma_start3A = arith.constant 0 : i32
        %dma_start3A_119 = tpu.memref_slice %arg27[%add3A_116, %dma_start3A] : memref<10240x32xf32, #tpu.memory_space<vmem_shared>> -> memref<128x32xf32, #tpu.memory_space<vmem_shared>>
        %dma_start3A_120 = arith.constant 0 : i32
        %dma_start3A_121 = tpu.memref_slice %arg27[%add3A_116, %dma_start3A_120] : memref<10240x32xf32, #tpu.memory_space<vmem_shared>> -> memref<128x32xf32, #tpu.memory_space<vmem_shared>>
        tpu.enqueue_dma source(%arg26 : memref<128x32xf32, #tpu.memory_space<vmem>>) target(%dma_start3A_121 : memref<128x32xf32, #tpu.memory_space<vmem_shared>>) target_semaphore(%run_scoped3A_118 : memref<!tpu.dma_semaphore, #tpu.memory_space<semaphore_mem>>)
        %dma_wait3A = arith.constant 0 : i32
        %dma_wait3A_122 = tpu.memref_slice %arg27[%add3A_116, %dma_wait3A] : memref<10240x32xf32, #tpu.memory_space<vmem_shared>> -> memref<128x32xf32, #tpu.memory_space<vmem_shared>>
        %dma_wait3A_123 = arith.constant 0 : i32
        %dma_wait3A_124 = tpu.memref_slice %arg27[%add3A_116, %dma_wait3A_123] : memref<10240x32xf32, #tpu.memory_space<vmem_shared>> -> memref<128x32xf32, #tpu.memory_space<vmem_shared>>
        tpu.wait_dma2 semaphore(%run_scoped3A_118 : memref<!tpu.dma_semaphore, #tpu.memory_space<semaphore_mem>>) src(%arg26 : memref<128x32xf32, #tpu.memory_space<vmem>>) dst(%dma_wait3A_124 : memref<128x32xf32, #tpu.memory_space<vmem_shared>>)
        tpu.yield
      }) : () -> ()
      %scan3A_117 = arith.constant 0 : i32
      scf.yield %scan3A_117 : i32
    }
    %scan3A_72 = arith.constant 5 : i32
    %barrier3A_73 = arith.constant 0 : index
    tpu.barrier barrier_id(%barrier3A_73)
    %scan3A_74 = arith.constant 0 : i32
    %scan3A_75 = arith.constant 0 : i32
    %scan3A_76 = arith.constant 80 : i32
    %scan3A_77 = arith.addi %scan3A_75, %scan3A_76 : i32
    %scan3A_78 = arith.constant 1 : i32
    %scan3A_79 = scf.for %scan3A_110 = %scan3A_75 to %scan3A_77 step %scan3A_78 iter_args(%scan3A_111 = %scan3A_74) -> (i32)  : i32 {
      %mul3A_112 = arith.constant 128 : i32
      %mul3A_113 = arith.muli %scan3A_110, %mul3A_112 : i32
      %lt3A = arith.cmpi slt, %mul3A_113, %scan3A_15#0 : i32
      %convert_element_type3A = arith.extui %lt3A : i1 to i32
      %cond3A = arith.constant 0 : i32
      %cond3A_114 = arith.cmpi ne, %convert_element_type3A, %cond3A : i32
      scf.if %cond3A_114 {
        %scan3A_116 = arith.constant 0 : i32
        %scan3A_117 = arith.constant 0 : i32
        %scan3A_118 = arith.constant 8 : i32
        %scan3A_119 = arith.addi %scan3A_117, %scan3A_118 : i32
        %scan3A_120 = arith.constant 1 : i32
        %scan3A_121 = scf.for %scan3A_149 = %scan3A_117 to %scan3A_119 step %scan3A_120 iter_args(%scan3A_150 = %scan3A_116) -> (i32)  : i32 {
          %mul3A_151 = arith.constant 128 : i32
          %mul3A_152 = arith.muli %scan3A_110, %mul3A_151 : i32
          %mul3A_153 = arith.constant 16 : i32
          %mul3A_154 = arith.muli %scan3A_149, %mul3A_153 : i32
          %add3A_155 = arith.addi %mul3A_152, %mul3A_154 : i32
          %get3A = arith.index_cast %add3A_155 : i32 to index
          %get3A_156 = tpu.vector_load %arg21[%get3A] {strides = array<i32>} : memref<10384xi32, #tpu.memory_space<vmem>>, vector<16xi32>,
          %mul3A_157 = arith.constant 16 : i32
          %mul3A_158 = arith.muli %scan3A_149, %mul3A_157 : i32
          %swap3A = arith.index_cast %mul3A_158 : i32 to index
          %swap3A_159 = tpu.vector_load %arg23[%swap3A] {strides = array<i32>} : memref<128xi32, #tpu.memory_space<vmem>>, vector<16xi32>,
          tpu.vector_store %arg23[%swap3A], %get3A_156 {strides = array<i32>} : memref<128xi32, #tpu.memory_space<vmem>>, vector<16xi32>,
          %scan3A_160 = arith.constant 0 : i32
          scf.yield %scan3A_160 : i32
        }
        %scan3A_122 = arith.constant 8 : i32
        %mul3A_123 = arith.constant 128 : i32
        %mul3A_124 = arith.muli %scan3A_110, %mul3A_123 : i32
        %dma_start3A = tpu.memref_slice %arg20[%mul3A_124] : memref<10384xi32, #tpu.memory_space<vmem>> -> memref<128xi32, #tpu.memory_space<vmem>>
        %dma_start3A_125 = arith.constant 0 : i32
        %dma_start3A_126 = arith.constant 0 : i32
        %dma_start3A_127 = tpu.memref_slice %arg4[%dma_start3A_125, %dma_start3A_126] : memref<10000x32xf32, #tpu.memory_space<hbm>> -> memref<10000x32xf32, #tpu.memory_space<hbm>>
        tpu.enqueue_indirect_dma source(%dma_start3A_127 : memref<10000x32xf32, #tpu.memory_space<hbm>>) target(%arg24 : memref<128x32xf32, #tpu.memory_space<vmem>>) offsets(%dma_start3A : memref<128xi32, #tpu.memory_space<vmem>>) semaphore(%arg28 : memref<!tpu.dma_semaphore, #tpu.memory_space<semaphore_mem>>)
        %mul3A_128 = arith.constant 128 : i32
        %mul3A_129 = arith.muli %scan3A_110, %mul3A_128 : i32
        %dma_start3A_130 = tpu.memref_slice %arg22[%mul3A_129] : memref<10384xi32, #tpu.memory_space<vmem>> -> memref<128xi32, #tpu.memory_space<vmem>>
        %dma_start3A_131 = arith.constant 0 : i32
        %dma_start3A_132 = arith.constant 0 : i32
        %dma_start3A_133 = tpu.memref_slice %arg8[%dma_start3A_131, %dma_start3A_132] : memref<327680x32xf32, #tpu.memory_space<hbm>> -> memref<327680x32xf32, #tpu.memory_space<hbm>>
        tpu.enqueue_indirect_dma source(%dma_start3A_133 : memref<327680x32xf32, #tpu.memory_space<hbm>>) target(%arg25 : memref<128x32xf32, #tpu.memory_space<vmem>>) offsets(%dma_start3A_130 : memref<128xi32, #tpu.memory_space<vmem>>) semaphore(%arg29 : memref<!tpu.dma_semaphore, #tpu.memory_space<semaphore_mem>>)
        %dma_wait3A = tpu.memref_slice %arg20[%mul3A_124] : memref<10384xi32, #tpu.memory_space<vmem>> -> memref<128xi32, #tpu.memory_space<vmem>>
        %dma_wait3A_134 = arith.constant 0 : i32
        %dma_wait3A_135 = arith.constant 0 : i32
        %dma_wait3A_136 = tpu.memref_slice %arg4[%dma_wait3A_134, %dma_wait3A_135] : memref<10000x32xf32, #tpu.memory_space<hbm>> -> memref<10000x32xf32, #tpu.memory_space<hbm>>
        tpu.wait_indirect_dma semaphore(%arg28 : memref<!tpu.dma_semaphore, #tpu.memory_space<semaphore_mem>>) src(%dma_wait3A_136 : memref<10000x32xf32, #tpu.memory_space<hbm>>) dst(%arg24 : memref<128x32xf32, #tpu.memory_space<vmem>>)
        %dma_wait3A_137 = tpu.memref_slice %arg22[%mul3A_129] : memref<10384xi32, #tpu.memory_space<vmem>> -> memref<128xi32, #tpu.memory_space<vmem>>
        %dma_wait3A_138 = arith.constant 0 : i32
        %dma_wait3A_139 = arith.constant 0 : i32
        %dma_wait3A_140 = tpu.memref_slice %arg8[%dma_wait3A_138, %dma_wait3A_139] : memref<327680x32xf32, #tpu.memory_space<hbm>> -> memref<327680x32xf32, #tpu.memory_space<hbm>>
        tpu.wait_indirect_dma semaphore(%arg29 : memref<!tpu.dma_semaphore, #tpu.memory_space<semaphore_mem>>) src(%dma_wait3A_140 : memref<327680x32xf32, #tpu.memory_space<hbm>>) dst(%arg25 : memref<128x32xf32, #tpu.memory_space<vmem>>)
        %broadcast_in_dim3A_141 = arith.constant 0 : i32
        %broadcast_in_dim3A_142 = vector.broadcast %broadcast_in_dim3A_141 : i32 to vector<16xi32>
        %scan3A_143 = arith.constant 0 : i32
        %scan3A_144 = arith.constant 128 : i32
        %scan3A_145 = arith.addi %scan3A_143, %scan3A_144 : i32
        %scan3A_146 = arith.constant 1 : i32
        %scan3A_147 = scf.for %scan3A_149 = %scan3A_143 to %scan3A_145 step %scan3A_146 iter_args(%scan3A_150 = %broadcast_in_dim3A_142) -> (vector<16xi32>)  : i32 {
          %mul3A_151 = arith.constant 128 : i32
          %mul3A_152 = arith.muli %scan3A_110, %mul3A_151 : i32
          %gather3A = tpu.memref_slice %arg19[%mul3A_152] : memref<10384xf32, #tpu.memory_space<vmem>> -> memref<128xf32, #tpu.memory_space<vmem>>
          %gather3A_153 = tpu.vector_load_idx %gather3A[%scan3A_150] : memref<128xf32, #tpu.memory_space<vmem>>[vector<16xi32>], vector<16xf32>,
          %scan3A_154 = arith.constant 0 : i32
          %scan3A_155 = arith.constant 0 : i32
          %scan3A_156 = arith.constant 2 : i32
          %scan3A_157 = arith.addi %scan3A_155, %scan3A_156 : i32
          %scan3A_158 = arith.constant 1 : i32
          %scan3A_159 = scf.for %scan3A_164 = %scan3A_155 to %scan3A_157 step %scan3A_158 iter_args(%scan3A_165 = %scan3A_154) -> (i32)  : i32 {
            %mul3A_166 = arith.constant 16 : i32
            %mul3A_167 = arith.muli %scan3A_164, %mul3A_166 : i32
            %get3A = arith.index_cast %scan3A_149 : i32 to index
            %get3A_168 = arith.index_cast %mul3A_167 : i32 to index
            %get3A_169 = tpu.vector_load %arg24[%get3A, %get3A_168] {strides = array<i32>} : memref<128x32xf32, #tpu.memory_space<vmem>>, vector<16xf32>,
            %mul3A_170 = arith.constant 16 : i32
            %mul3A_171 = arith.muli %scan3A_164, %mul3A_170 : i32
            %get3A_172 = arith.index_cast %scan3A_149 : i32 to index
            %get3A_173 = arith.index_cast %mul3A_171 : i32 to index
            %get3A_174 = tpu.vector_load %arg25[%get3A_172, %get3A_173] {strides = array<i32>} : memref<128x32xf32, #tpu.memory_space<vmem>>, vector<16xf32>,
            %add3A_175 = arith.addf %get3A_169, %get3A_174 : vector<16xf32>
            %max3A = arith.constant 0.000000e+00 : f32
            %max3A_176 = vector.broadcast %max3A : f32 to vector<16xf32>
            %max3A_177 = arith.maximumf %add3A_175, %max3A_176 : vector<16xf32>
            %mul3A_178 = arith.mulf %max3A_177, %gather3A_153 : vector<16xf32>
            %mul3A_179 = arith.constant 16 : i32
            %mul3A_180 = arith.muli %scan3A_164, %mul3A_179 : i32
            %swap3A = arith.index_cast %scan3A_149 : i32 to index
            %swap3A_181 = arith.index_cast %mul3A_180 : i32 to index
            %swap3A_182 = tpu.vector_load %arg24[%swap3A, %swap3A_181] {strides = array<i32>} : memref<128x32xf32, #tpu.memory_space<vmem>>, vector<16xf32>,
            tpu.vector_store %arg24[%swap3A, %swap3A_181], %mul3A_178 {strides = array<i32>} : memref<128x32xf32, #tpu.memory_space<vmem>>, vector<16xf32>,
            %scan3A_183 = arith.constant 0 : i32
            scf.yield %scan3A_183 : i32
          }
          %scan3A_160 = arith.constant 2 : i32
          %add3A_161 = arith.constant 1 : i32
          %add3A_162 = vector.broadcast %add3A_161 : i32 to vector<16xi32>
          %add3A_163 = arith.addi %scan3A_150, %add3A_162 : vector<16xi32>
          scf.yield %add3A_163 : vector<16xi32>
        }
        %scan3A_148 = arith.constant 128 : i32
        "tpu.region"() ({
          %run_scoped3A_149 = tpu.sem_alloc : memref<!tpu.dma_semaphore, #tpu.memory_space<semaphore_mem>>
          %dma_start3A_150 = arith.constant 0 : i32
          %dma_start3A_151 = arith.constant 0 : i32
          %dma_start3A_152 = tpu.memref_slice %arg27[%dma_start3A_150, %dma_start3A_151] : memref<10240x32xf32, #tpu.memory_space<vmem_shared>> -> memref<10240x32xf32, #tpu.memory_space<vmem_shared>>
          tpu.enqueue_indirect_dma source(%arg24 : memref<128x32xf32, #tpu.memory_space<vmem>>) target(%dma_start3A_152 : memref<10240x32xf32, #tpu.memory_space<vmem_shared>>) offsets(%arg23 : memref<128xi32, #tpu.memory_space<vmem>>) semaphore(%run_scoped3A_149 : memref<!tpu.dma_semaphore, #tpu.memory_space<semaphore_mem>>) {add = true}
          %dma_wait3A_153 = arith.constant 0 : i32
          %dma_wait3A_154 = arith.constant 0 : i32
          %dma_wait3A_155 = tpu.memref_slice %arg27[%dma_wait3A_153, %dma_wait3A_154] : memref<10240x32xf32, #tpu.memory_space<vmem_shared>> -> memref<10240x32xf32, #tpu.memory_space<vmem_shared>>
          tpu.wait_indirect_dma semaphore(%run_scoped3A_149 : memref<!tpu.dma_semaphore, #tpu.memory_space<semaphore_mem>>) src(%arg24 : memref<128x32xf32, #tpu.memory_space<vmem>>) dst(%dma_wait3A_155 : memref<10240x32xf32, #tpu.memory_space<vmem_shared>>)
          tpu.yield
        }) : () -> ()
      } else {
      }
      %scan3A_115 = arith.constant 0 : i32
      scf.yield %scan3A_115 : i32
    }
    %scan3A_80 = arith.constant 80 : i32
    %barrier3A_81 = arith.constant 0 : index
    tpu.barrier barrier_id(%barrier3A_81)
    %mul3A_82 = arith.constant 640 : i32
    %mul3A_83 = arith.muli %arg1, %mul3A_82 : i32
    %mul3A_84 = arith.constant 640 : i32
    %mul3A_85 = arith.muli %arg1, %mul3A_84 : i32
    %run_scoped3A_86 = arith.constant 2 : i32
    "tpu.region"() ({
      %run_scoped3A_110 = tpu.sem_alloc : memref<!tpu.dma_semaphore, #tpu.memory_space<semaphore_mem>>
      %dma_start3A = arith.constant 0 : i32
      %dma_start3A_111 = tpu.memref_slice %arg14[%arg0, %run_scoped3A_86, %mul3A_85, %dma_start3A] : memref<2x4x10240x32xf32, #tpu.memory_space<hbm>> -> memref<1x1x640x32xf32, #tpu.memory_space<hbm>>
      %dma_start3A_112 = tpu.memref_squeeze %dma_start3A_111 : memref<1x1x640x32xf32, #tpu.memory_space<hbm>> -> memref<640x32xf32, #tpu.memory_space<hbm>>
      %dma_start3A_113 = arith.constant 0 : i32
      %dma_start3A_114 = tpu.memref_slice %arg27[%mul3A_83, %dma_start3A_113] : memref<10240x32xf32, #tpu.memory_space<vmem_shared>> -> memref<640x32xf32, #tpu.memory_space<vmem_shared>>
      tpu.enqueue_dma source(%dma_start3A_114 : memref<640x32xf32, #tpu.memory_space<vmem_shared>>) target(%dma_start3A_112 : memref<640x32xf32, #tpu.memory_space<hbm>>) target_semaphore(%run_scoped3A_110 : memref<!tpu.dma_semaphore, #tpu.memory_space<semaphore_mem>>)
      %dma_wait3A = arith.constant 0 : i32
      %dma_wait3A_115 = tpu.memref_slice %arg14[%arg0, %run_scoped3A_86, %mul3A_85, %dma_wait3A] : memref<2x4x10240x32xf32, #tpu.memory_space<hbm>> -> memref<1x1x640x32xf32, #tpu.memory_space<hbm>>
      %dma_wait3A_116 = tpu.memref_squeeze %dma_wait3A_115 : memref<1x1x640x32xf32, #tpu.memory_space<hbm>> -> memref<640x32xf32, #tpu.memory_space<hbm>>
      %dma_wait3A_117 = arith.constant 0 : i32
      %dma_wait3A_118 = tpu.memref_slice %arg27[%mul3A_83, %dma_wait3A_117] : memref<10240x32xf32, #tpu.memory_space<vmem_shared>> -> memref<640x32xf32, #tpu.memory_space<vmem_shared>>
      tpu.wait_dma2 semaphore(%run_scoped3A_110 : memref<!tpu.dma_semaphore, #tpu.memory_space<semaphore_mem>>) src(%dma_wait3A_118 : memref<640x32xf32, #tpu.memory_space<vmem_shared>>) dst(%dma_wait3A_116 : memref<640x32xf32, #tpu.memory_space<hbm>>)
      tpu.yield
    }) : () -> ()
    %barrier3A_87 = arith.constant 0 : index
    tpu.barrier barrier_id(%barrier3A_87)
    %scan3A_88 = arith.constant 0 : i32
    %scan3A_89 = arith.constant 0 : i32
    %scan3A_90 = arith.constant 5 : i32
    %scan3A_91 = arith.addi %scan3A_89, %scan3A_90 : i32
    %scan3A_92 = arith.constant 1 : i32
    %scan3A_93 = scf.for %scan3A_110 = %scan3A_89 to %scan3A_91 step %scan3A_92 iter_args(%scan3A_111 = %scan3A_88) -> (i32)  : i32 {
      %mul3A_112 = arith.constant 640 : i32
      %mul3A_113 = arith.muli %arg1, %mul3A_112 : i32
      %mul3A_114 = arith.constant 128 : i32
      %mul3A_115 = arith.muli %scan3A_110, %mul3A_114 : i32
      %add3A_116 = arith.addi %mul3A_113, %mul3A_115 : i32
      "tpu.region"() ({
        %run_scoped3A_118 = tpu.sem_alloc : memref<!tpu.dma_semaphore, #tpu.memory_space<semaphore_mem>>
        %dma_start3A = arith.constant 0 : i32
        %dma_start3A_119 = tpu.memref_slice %arg27[%add3A_116, %dma_start3A] : memref<10240x32xf32, #tpu.memory_space<vmem_shared>> -> memref<128x32xf32, #tpu.memory_space<vmem_shared>>
        %dma_start3A_120 = arith.constant 0 : i32
        %dma_start3A_121 = tpu.memref_slice %arg27[%add3A_116, %dma_start3A_120] : memref<10240x32xf32, #tpu.memory_space<vmem_shared>> -> memref<128x32xf32, #tpu.memory_space<vmem_shared>>
        tpu.enqueue_dma source(%arg26 : memref<128x32xf32, #tpu.memory_space<vmem>>) target(%dma_start3A_121 : memref<128x32xf32, #tpu.memory_space<vmem_shared>>) target_semaphore(%run_scoped3A_118 : memref<!tpu.dma_semaphore, #tpu.memory_space<semaphore_mem>>)
        %dma_wait3A = arith.constant 0 : i32
        %dma_wait3A_122 = tpu.memref_slice %arg27[%add3A_116, %dma_wait3A] : memref<10240x32xf32, #tpu.memory_space<vmem_shared>> -> memref<128x32xf32, #tpu.memory_space<vmem_shared>>
        %dma_wait3A_123 = arith.constant 0 : i32
        %dma_wait3A_124 = tpu.memref_slice %arg27[%add3A_116, %dma_wait3A_123] : memref<10240x32xf32, #tpu.memory_space<vmem_shared>> -> memref<128x32xf32, #tpu.memory_space<vmem_shared>>
        tpu.wait_dma2 semaphore(%run_scoped3A_118 : memref<!tpu.dma_semaphore, #tpu.memory_space<semaphore_mem>>) src(%arg26 : memref<128x32xf32, #tpu.memory_space<vmem>>) dst(%dma_wait3A_124 : memref<128x32xf32, #tpu.memory_space<vmem_shared>>)
        tpu.yield
      }) : () -> ()
      %scan3A_117 = arith.constant 0 : i32
      scf.yield %scan3A_117 : i32
    }
    %scan3A_94 = arith.constant 5 : i32
    %barrier3A_95 = arith.constant 0 : index
    tpu.barrier barrier_id(%barrier3A_95)
    %scan3A_96 = arith.constant 0 : i32
    %scan3A_97 = arith.constant 0 : i32
    %scan3A_98 = arith.constant 80 : i32
    %scan3A_99 = arith.addi %scan3A_97, %scan3A_98 : i32
    %scan3A_100 = arith.constant 1 : i32
    %scan3A_101 = scf.for %scan3A_110 = %scan3A_97 to %scan3A_99 step %scan3A_100 iter_args(%scan3A_111 = %scan3A_96) -> (i32)  : i32 {
      %mul3A_112 = arith.constant 128 : i32
      %mul3A_113 = arith.muli %scan3A_110, %mul3A_112 : i32
      %lt3A = arith.cmpi slt, %mul3A_113, %scan3A_15#0 : i32
      %convert_element_type3A = arith.extui %lt3A : i1 to i32
      %cond3A = arith.constant 0 : i32
      %cond3A_114 = arith.cmpi ne, %convert_element_type3A, %cond3A : i32
      scf.if %cond3A_114 {
        %scan3A_116 = arith.constant 0 : i32
        %scan3A_117 = arith.constant 0 : i32
        %scan3A_118 = arith.constant 8 : i32
        %scan3A_119 = arith.addi %scan3A_117, %scan3A_118 : i32
        %scan3A_120 = arith.constant 1 : i32
        %scan3A_121 = scf.for %scan3A_149 = %scan3A_117 to %scan3A_119 step %scan3A_120 iter_args(%scan3A_150 = %scan3A_116) -> (i32)  : i32 {
          %mul3A_151 = arith.constant 128 : i32
          %mul3A_152 = arith.muli %scan3A_110, %mul3A_151 : i32
          %mul3A_153 = arith.constant 16 : i32
          %mul3A_154 = arith.muli %scan3A_149, %mul3A_153 : i32
          %add3A_155 = arith.addi %mul3A_152, %mul3A_154 : i32
          %get3A = arith.index_cast %add3A_155 : i32 to index
          %get3A_156 = tpu.vector_load %arg21[%get3A] {strides = array<i32>} : memref<10384xi32, #tpu.memory_space<vmem>>, vector<16xi32>,
          %mul3A_157 = arith.constant 16 : i32
          %mul3A_158 = arith.muli %scan3A_149, %mul3A_157 : i32
          %swap3A = arith.index_cast %mul3A_158 : i32 to index
          %swap3A_159 = tpu.vector_load %arg23[%swap3A] {strides = array<i32>} : memref<128xi32, #tpu.memory_space<vmem>>, vector<16xi32>,
          tpu.vector_store %arg23[%swap3A], %get3A_156 {strides = array<i32>} : memref<128xi32, #tpu.memory_space<vmem>>, vector<16xi32>,
          %scan3A_160 = arith.constant 0 : i32
          scf.yield %scan3A_160 : i32
        }
        %scan3A_122 = arith.constant 8 : i32
        %mul3A_123 = arith.constant 128 : i32
        %mul3A_124 = arith.muli %scan3A_110, %mul3A_123 : i32
        %dma_start3A = tpu.memref_slice %arg20[%mul3A_124] : memref<10384xi32, #tpu.memory_space<vmem>> -> memref<128xi32, #tpu.memory_space<vmem>>
        %dma_start3A_125 = arith.constant 0 : i32
        %dma_start3A_126 = arith.constant 0 : i32
        %dma_start3A_127 = tpu.memref_slice %arg5[%dma_start3A_125, %dma_start3A_126] : memref<10000x32xf32, #tpu.memory_space<hbm>> -> memref<10000x32xf32, #tpu.memory_space<hbm>>
        tpu.enqueue_indirect_dma source(%dma_start3A_127 : memref<10000x32xf32, #tpu.memory_space<hbm>>) target(%arg24 : memref<128x32xf32, #tpu.memory_space<vmem>>) offsets(%dma_start3A : memref<128xi32, #tpu.memory_space<vmem>>) semaphore(%arg28 : memref<!tpu.dma_semaphore, #tpu.memory_space<semaphore_mem>>)
        %mul3A_128 = arith.constant 128 : i32
        %mul3A_129 = arith.muli %scan3A_110, %mul3A_128 : i32
        %dma_start3A_130 = tpu.memref_slice %arg22[%mul3A_129] : memref<10384xi32, #tpu.memory_space<vmem>> -> memref<128xi32, #tpu.memory_space<vmem>>
        %dma_start3A_131 = arith.constant 0 : i32
        %dma_start3A_132 = arith.constant 0 : i32
        %dma_start3A_133 = tpu.memref_slice %arg9[%dma_start3A_131, %dma_start3A_132] : memref<327680x32xf32, #tpu.memory_space<hbm>> -> memref<327680x32xf32, #tpu.memory_space<hbm>>
        tpu.enqueue_indirect_dma source(%dma_start3A_133 : memref<327680x32xf32, #tpu.memory_space<hbm>>) target(%arg25 : memref<128x32xf32, #tpu.memory_space<vmem>>) offsets(%dma_start3A_130 : memref<128xi32, #tpu.memory_space<vmem>>) semaphore(%arg29 : memref<!tpu.dma_semaphore, #tpu.memory_space<semaphore_mem>>)
        %dma_wait3A = tpu.memref_slice %arg20[%mul3A_124] : memref<10384xi32, #tpu.memory_space<vmem>> -> memref<128xi32, #tpu.memory_space<vmem>>
        %dma_wait3A_134 = arith.constant 0 : i32
        %dma_wait3A_135 = arith.constant 0 : i32
        %dma_wait3A_136 = tpu.memref_slice %arg5[%dma_wait3A_134, %dma_wait3A_135] : memref<10000x32xf32, #tpu.memory_space<hbm>> -> memref<10000x32xf32, #tpu.memory_space<hbm>>
        tpu.wait_indirect_dma semaphore(%arg28 : memref<!tpu.dma_semaphore, #tpu.memory_space<semaphore_mem>>) src(%dma_wait3A_136 : memref<10000x32xf32, #tpu.memory_space<hbm>>) dst(%arg24 : memref<128x32xf32, #tpu.memory_space<vmem>>)
        %dma_wait3A_137 = tpu.memref_slice %arg22[%mul3A_129] : memref<10384xi32, #tpu.memory_space<vmem>> -> memref<128xi32, #tpu.memory_space<vmem>>
        %dma_wait3A_138 = arith.constant 0 : i32
        %dma_wait3A_139 = arith.constant 0 : i32
        %dma_wait3A_140 = tpu.memref_slice %arg9[%dma_wait3A_138, %dma_wait3A_139] : memref<327680x32xf32, #tpu.memory_space<hbm>> -> memref<327680x32xf32, #tpu.memory_space<hbm>>
        tpu.wait_indirect_dma semaphore(%arg29 : memref<!tpu.dma_semaphore, #tpu.memory_space<semaphore_mem>>) src(%dma_wait3A_140 : memref<327680x32xf32, #tpu.memory_space<hbm>>) dst(%arg25 : memref<128x32xf32, #tpu.memory_space<vmem>>)
        %broadcast_in_dim3A_141 = arith.constant 0 : i32
        %broadcast_in_dim3A_142 = vector.broadcast %broadcast_in_dim3A_141 : i32 to vector<16xi32>
        %scan3A_143 = arith.constant 0 : i32
        %scan3A_144 = arith.constant 128 : i32
        %scan3A_145 = arith.addi %scan3A_143, %scan3A_144 : i32
        %scan3A_146 = arith.constant 1 : i32
        %scan3A_147 = scf.for %scan3A_149 = %scan3A_143 to %scan3A_145 step %scan3A_146 iter_args(%scan3A_150 = %broadcast_in_dim3A_142) -> (vector<16xi32>)  : i32 {
          %mul3A_151 = arith.constant 128 : i32
          %mul3A_152 = arith.muli %scan3A_110, %mul3A_151 : i32
          %gather3A = tpu.memref_slice %arg19[%mul3A_152] : memref<10384xf32, #tpu.memory_space<vmem>> -> memref<128xf32, #tpu.memory_space<vmem>>
          %gather3A_153 = tpu.vector_load_idx %gather3A[%scan3A_150] : memref<128xf32, #tpu.memory_space<vmem>>[vector<16xi32>], vector<16xf32>,
          %scan3A_154 = arith.constant 0 : i32
          %scan3A_155 = arith.constant 0 : i32
          %scan3A_156 = arith.constant 2 : i32
          %scan3A_157 = arith.addi %scan3A_155, %scan3A_156 : i32
          %scan3A_158 = arith.constant 1 : i32
          %scan3A_159 = scf.for %scan3A_164 = %scan3A_155 to %scan3A_157 step %scan3A_158 iter_args(%scan3A_165 = %scan3A_154) -> (i32)  : i32 {
            %mul3A_166 = arith.constant 16 : i32
            %mul3A_167 = arith.muli %scan3A_164, %mul3A_166 : i32
            %get3A = arith.index_cast %scan3A_149 : i32 to index
            %get3A_168 = arith.index_cast %mul3A_167 : i32 to index
            %get3A_169 = tpu.vector_load %arg24[%get3A, %get3A_168] {strides = array<i32>} : memref<128x32xf32, #tpu.memory_space<vmem>>, vector<16xf32>,
            %mul3A_170 = arith.constant 16 : i32
            %mul3A_171 = arith.muli %scan3A_164, %mul3A_170 : i32
            %get3A_172 = arith.index_cast %scan3A_149 : i32 to index
            %get3A_173 = arith.index_cast %mul3A_171 : i32 to index
            %get3A_174 = tpu.vector_load %arg25[%get3A_172, %get3A_173] {strides = array<i32>} : memref<128x32xf32, #tpu.memory_space<vmem>>, vector<16xf32>,
            %add3A_175 = arith.addf %get3A_169, %get3A_174 : vector<16xf32>
            %max3A = arith.constant 0.000000e+00 : f32
            %max3A_176 = vector.broadcast %max3A : f32 to vector<16xf32>
            %max3A_177 = arith.maximumf %add3A_175, %max3A_176 : vector<16xf32>
            %mul3A_178 = arith.mulf %max3A_177, %gather3A_153 : vector<16xf32>
            %mul3A_179 = arith.constant 16 : i32
            %mul3A_180 = arith.muli %scan3A_164, %mul3A_179 : i32
            %swap3A = arith.index_cast %scan3A_149 : i32 to index
            %swap3A_181 = arith.index_cast %mul3A_180 : i32 to index
            %swap3A_182 = tpu.vector_load %arg24[%swap3A, %swap3A_181] {strides = array<i32>} : memref<128x32xf32, #tpu.memory_space<vmem>>, vector<16xf32>,
            tpu.vector_store %arg24[%swap3A, %swap3A_181], %mul3A_178 {strides = array<i32>} : memref<128x32xf32, #tpu.memory_space<vmem>>, vector<16xf32>,
            %scan3A_183 = arith.constant 0 : i32
            scf.yield %scan3A_183 : i32
          }
          %scan3A_160 = arith.constant 2 : i32
          %add3A_161 = arith.constant 1 : i32
          %add3A_162 = vector.broadcast %add3A_161 : i32 to vector<16xi32>
          %add3A_163 = arith.addi %scan3A_150, %add3A_162 : vector<16xi32>
          scf.yield %add3A_163 : vector<16xi32>
        }
        %scan3A_148 = arith.constant 128 : i32
        "tpu.region"() ({
          %run_scoped3A_149 = tpu.sem_alloc : memref<!tpu.dma_semaphore, #tpu.memory_space<semaphore_mem>>
          %dma_start3A_150 = arith.constant 0 : i32
          %dma_start3A_151 = arith.constant 0 : i32
          %dma_start3A_152 = tpu.memref_slice %arg27[%dma_start3A_150, %dma_start3A_151] : memref<10240x32xf32, #tpu.memory_space<vmem_shared>> -> memref<10240x32xf32, #tpu.memory_space<vmem_shared>>
          tpu.enqueue_indirect_dma source(%arg24 : memref<128x32xf32, #tpu.memory_space<vmem>>) target(%dma_start3A_152 : memref<10240x32xf32, #tpu.memory_space<vmem_shared>>) offsets(%arg23 : memref<128xi32, #tpu.memory_space<vmem>>) semaphore(%run_scoped3A_149 : memref<!tpu.dma_semaphore, #tpu.memory_space<semaphore_mem>>) {add = true}
          %dma_wait3A_153 = arith.constant 0 : i32
          %dma_wait3A_154 = arith.constant 0 : i32
          %dma_wait3A_155 = tpu.memref_slice %arg27[%dma_wait3A_153, %dma_wait3A_154] : memref<10240x32xf32, #tpu.memory_space<vmem_shared>> -> memref<10240x32xf32, #tpu.memory_space<vmem_shared>>
          tpu.wait_indirect_dma semaphore(%run_scoped3A_149 : memref<!tpu.dma_semaphore, #tpu.memory_space<semaphore_mem>>) src(%arg24 : memref<128x32xf32, #tpu.memory_space<vmem>>) dst(%dma_wait3A_155 : memref<10240x32xf32, #tpu.memory_space<vmem_shared>>)
          tpu.yield
        }) : () -> ()
      } else {
      }
      %scan3A_115 = arith.constant 0 : i32
      scf.yield %scan3A_115 : i32
    }
    %scan3A_102 = arith.constant 80 : i32
    %barrier3A_103 = arith.constant 0 : index
    tpu.barrier barrier_id(%barrier3A_103)
    %mul3A_104 = arith.constant 640 : i32
    %mul3A_105 = arith.muli %arg1, %mul3A_104 : i32
    %mul3A_106 = arith.constant 640 : i32
    %mul3A_107 = arith.muli %arg1, %mul3A_106 : i32
    %run_scoped3A_108 = arith.constant 3 : i32
    "tpu.region"() ({
      %run_scoped3A_110 = tpu.sem_alloc : memref<!tpu.dma_semaphore, #tpu.memory_space<semaphore_mem>>
      %dma_start3A = arith.constant 0 : i32
      %dma_start3A_111 = tpu.memref_slice %arg14[%arg0, %run_scoped3A_108, %mul3A_107, %dma_start3A] : memref<2x4x10240x32xf32, #tpu.memory_space<hbm>> -> memref<1x1x640x32xf32, #tpu.memory_space<hbm>>
      %dma_start3A_112 = tpu.memref_squeeze %dma_start3A_111 : memref<1x1x640x32xf32, #tpu.memory_space<hbm>> -> memref<640x32xf32, #tpu.memory_space<hbm>>
      %dma_start3A_113 = arith.constant 0 : i32
      %dma_start3A_114 = tpu.memref_slice %arg27[%mul3A_105, %dma_start3A_113] : memref<10240x32xf32, #tpu.memory_space<vmem_shared>> -> memref<640x32xf32, #tpu.memory_space<vmem_shared>>
      tpu.enqueue_dma source(%dma_start3A_114 : memref<640x32xf32, #tpu.memory_space<vmem_shared>>) target(%dma_start3A_112 : memref<640x32xf32, #tpu.memory_space<hbm>>) target_semaphore(%run_scoped3A_110 : memref<!tpu.dma_semaphore, #tpu.memory_space<semaphore_mem>>)
      %dma_wait3A = arith.constant 0 : i32
      %dma_wait3A_115 = tpu.memref_slice %arg14[%arg0, %run_scoped3A_108, %mul3A_107, %dma_wait3A] : memref<2x4x10240x32xf32, #tpu.memory_space<hbm>> -> memref<1x1x640x32xf32, #tpu.memory_space<hbm>>
      %dma_wait3A_116 = tpu.memref_squeeze %dma_wait3A_115 : memref<1x1x640x32xf32, #tpu.memory_space<hbm>> -> memref<640x32xf32, #tpu.memory_space<hbm>>
      %dma_wait3A_117 = arith.constant 0 : i32
      %dma_wait3A_118 = tpu.memref_slice %arg27[%mul3A_105, %dma_wait3A_117] : memref<10240x32xf32, #tpu.memory_space<vmem_shared>> -> memref<640x32xf32, #tpu.memory_space<vmem_shared>>
      tpu.wait_dma2 semaphore(%run_scoped3A_110 : memref<!tpu.dma_semaphore, #tpu.memory_space<semaphore_mem>>) src(%dma_wait3A_118 : memref<640x32xf32, #tpu.memory_space<vmem_shared>>) dst(%dma_wait3A_116 : memref<640x32xf32, #tpu.memory_space<hbm>>)
      tpu.yield
    }) : () -> ()
    %barrier3A_109 = arith.constant 0 : index
    tpu.barrier barrier_id(%barrier3A_109)
    return
  }
}

#map = affine_map<(d0, d1) -> (0, 0)>
module attributes {stable_mosaic.version = 14 : i64} {
  func.func @_bisect_kernel(%arg0: i32, %arg1: i32, %arg2: memref<20480x16xf32, #tpu.memory_space<hbm>>, %arg3: memref<20480x16xi32, #tpu.memory_space<hbm>>, %arg4: memref<640x16xf32, #tpu.memory_space<hbm>>, %arg5: memref<1280x16xf32, #tpu.memory_space<vmem>>, %arg6: memref<1280x16xi32, #tpu.memory_space<vmem>>, %arg7: memref<1280x16xi32, #tpu.memory_space<vmem>>, %arg8: memref<640x16xf32, #tpu.memory_space<vmem>>, %arg9: memref<640x16xf32, #tpu.memory_space<vmem>>, %arg10: memref<640x16xf32, #tpu.memory_space<vmem>>, %arg11: memref<640x16xf32, #tpu.memory_space<vmem>>, %arg12: memref<640x16xf32, #tpu.memory_space<vmem>>, %arg13: memref<640xi32, #tpu.memory_space<vmem>>, %arg14: memref<40x16xf32, #tpu.memory_space<vmem>>, %arg15: memref<1x16xf32, #tpu.memory_space<vmem>>, %arg16: memref<16x16xf32, #tpu.memory_space<vmem>>, %arg17: memref<640x16xf32, #tpu.memory_space<vmem_shared>>, %arg18: memref<640x16xf32, #tpu.memory_space<vmem_shared>>, %arg19: memref<16x16xf32, #tpu.memory_space<vmem_shared>>) attributes {dimension_semantics = [#tpu.dimension_semantics<core_parallel>, #tpu.dimension_semantics<subcore_parallel>], iteration_bounds = array<i64: 2, 16>, scalar_prefetch = 0 : i64, scratch_operands = 15 : i64, tpu.core_type = #tpu.core_type<sc_vector_subcore>, window_params = [{transform_indices = #map}, {transform_indices = #map}, {transform_indices = #map}]} {
    %iota3A = tpu.iota {dimensions = array<i32: 0>} : vector<16xi32>
    %mul3A = arith.constant 1280 : i32
    %mul3A_0 = arith.muli %arg1, %mul3A : i32
    "tpu.region"() ({
      %run_scoped3A = tpu.sem_alloc : memref<!tpu.dma_semaphore, #tpu.memory_space<semaphore_mem>>
      %dma_start3A = arith.constant 0 : i32
      %dma_start3A_103 = tpu.memref_slice %arg2[%mul3A_0, %dma_start3A] : memref<20480x16xf32, #tpu.memory_space<hbm>> -> memref<1280x16xf32, #tpu.memory_space<hbm>>
      %dma_start3A_104 = arith.constant 0 : i32
      %dma_start3A_105 = tpu.memref_slice %arg2[%mul3A_0, %dma_start3A_104] : memref<20480x16xf32, #tpu.memory_space<hbm>> -> memref<1280x16xf32, #tpu.memory_space<hbm>>
      tpu.enqueue_dma source(%dma_start3A_105 : memref<1280x16xf32, #tpu.memory_space<hbm>>) target(%arg5 : memref<1280x16xf32, #tpu.memory_space<vmem>>) target_semaphore(%run_scoped3A : memref<!tpu.dma_semaphore, #tpu.memory_space<semaphore_mem>>)
      %dma_wait3A = arith.constant 0 : i32
      %dma_wait3A_106 = tpu.memref_slice %arg2[%mul3A_0, %dma_wait3A] : memref<20480x16xf32, #tpu.memory_space<hbm>> -> memref<1280x16xf32, #tpu.memory_space<hbm>>
      %dma_wait3A_107 = arith.constant 0 : i32
      %dma_wait3A_108 = tpu.memref_slice %arg2[%mul3A_0, %dma_wait3A_107] : memref<20480x16xf32, #tpu.memory_space<hbm>> -> memref<1280x16xf32, #tpu.memory_space<hbm>>
      tpu.wait_dma2 semaphore(%run_scoped3A : memref<!tpu.dma_semaphore, #tpu.memory_space<semaphore_mem>>) src(%dma_wait3A_108 : memref<1280x16xf32, #tpu.memory_space<hbm>>) dst(%arg5 : memref<1280x16xf32, #tpu.memory_space<vmem>>)
      tpu.yield
    }) : () -> ()
    %mul3A_1 = arith.constant 1280 : i32
    %mul3A_2 = arith.muli %arg1, %mul3A_1 : i32
    "tpu.region"() ({
      %run_scoped3A = tpu.sem_alloc : memref<!tpu.dma_semaphore, #tpu.memory_space<semaphore_mem>>
      %dma_start3A = arith.constant 0 : i32
      %dma_start3A_103 = tpu.memref_slice %arg3[%mul3A_2, %dma_start3A] : memref<20480x16xi32, #tpu.memory_space<hbm>> -> memref<1280x16xi32, #tpu.memory_space<hbm>>
      %dma_start3A_104 = arith.constant 0 : i32
      %dma_start3A_105 = tpu.memref_slice %arg3[%mul3A_2, %dma_start3A_104] : memref<20480x16xi32, #tpu.memory_space<hbm>> -> memref<1280x16xi32, #tpu.memory_space<hbm>>
      tpu.enqueue_dma source(%dma_start3A_105 : memref<1280x16xi32, #tpu.memory_space<hbm>>) target(%arg6 : memref<1280x16xi32, #tpu.memory_space<vmem>>) target_semaphore(%run_scoped3A : memref<!tpu.dma_semaphore, #tpu.memory_space<semaphore_mem>>)
      %dma_wait3A = arith.constant 0 : i32
      %dma_wait3A_106 = tpu.memref_slice %arg3[%mul3A_2, %dma_wait3A] : memref<20480x16xi32, #tpu.memory_space<hbm>> -> memref<1280x16xi32, #tpu.memory_space<hbm>>
      %dma_wait3A_107 = arith.constant 0 : i32
      %dma_wait3A_108 = tpu.memref_slice %arg3[%mul3A_2, %dma_wait3A_107] : memref<20480x16xi32, #tpu.memory_space<hbm>> -> memref<1280x16xi32, #tpu.memory_space<hbm>>
      tpu.wait_dma2 semaphore(%run_scoped3A : memref<!tpu.dma_semaphore, #tpu.memory_space<semaphore_mem>>) src(%dma_wait3A_108 : memref<1280x16xi32, #tpu.memory_space<hbm>>) dst(%arg6 : memref<1280x16xi32, #tpu.memory_space<vmem>>)
      tpu.yield
    }) : () -> ()
    %scan3A = arith.constant 0 : i32
    %scan3A_3 = arith.constant 0 : i32
    %scan3A_4 = arith.constant 640 : i32
    %scan3A_5 = arith.addi %scan3A_3, %scan3A_4 : i32
    %scan3A_6 = arith.constant 1 : i32
    %scan3A_7 = scf.for %scan3A_103 = %scan3A_3 to %scan3A_5 step %scan3A_6 iter_args(%scan3A_104 = %scan3A) -> (i32)  : i32 {
      %broadcast_in_dim3A_105 = arith.constant 0.000000e+00 : f32
      %broadcast_in_dim3A_106 = vector.broadcast %broadcast_in_dim3A_105 : f32 to vector<16xf32>
      %swap3A_107 = arith.index_cast %scan3A_103 : i32 to index
      %swap3A_108 = arith.constant 0 : index
      %swap3A_109 = tpu.vector_load %arg12[%swap3A_107, %swap3A_108] {strides = array<i32>} : memref<640x16xf32, #tpu.memory_space<vmem>>, vector<16xf32>,
      tpu.vector_store %arg12[%swap3A_107, %swap3A_108], %broadcast_in_dim3A_106 {strides = array<i32>} : memref<640x16xf32, #tpu.memory_space<vmem>>, vector<16xf32>,
      %scan3A_110 = arith.constant 0 : i32
      scf.yield %scan3A_110 : i32
    }
    %scan3A_8 = arith.constant 640 : i32
    %scan3A_9 = arith.constant 0 : i32
    %scan3A_10 = arith.constant 0 : i32
    %scan3A_11 = arith.constant 1280 : i32
    %scan3A_12 = arith.addi %scan3A_10, %scan3A_11 : i32
    %scan3A_13 = arith.constant 1 : i32
    %scan3A_14 = scf.for %scan3A_103 = %scan3A_10 to %scan3A_12 step %scan3A_13 iter_args(%scan3A_104 = %scan3A_9) -> (i32)  : i32 {
      %get3A = arith.index_cast %scan3A_103 : i32 to index
      %get3A_105 = arith.constant 0 : index
      %get3A_106 = tpu.vector_load %arg6[%get3A, %get3A_105] {strides = array<i32>} : memref<1280x16xi32, #tpu.memory_space<vmem>>, vector<16xi32>,
      %shift_right_logical3A = arith.constant 4 : i32
      %shift_right_logical3A_107 = vector.broadcast %shift_right_logical3A : i32 to vector<16xi32>
      %shift_right_logical3A_108 = arith.shrui %get3A_106, %shift_right_logical3A_107 : vector<16xi32>
      %swap3A_109 = arith.index_cast %scan3A_103 : i32 to index
      %swap3A_110 = arith.constant 0 : index
      %swap3A_111 = tpu.vector_load %arg6[%swap3A_109, %swap3A_110] {strides = array<i32>} : memref<1280x16xi32, #tpu.memory_space<vmem>>, vector<16xi32>,
      tpu.vector_store %arg6[%swap3A_109, %swap3A_110], %shift_right_logical3A_108 {strides = array<i32>} : memref<1280x16xi32, #tpu.memory_space<vmem>>, vector<16xi32>,
      %and3A = arith.constant 15 : i32
      %and3A_112 = vector.broadcast %and3A : i32 to vector<16xi32>
      %and3A_113 = arith.andi %get3A_106, %and3A_112 : vector<16xi32>
      %swap3A_114 = arith.index_cast %scan3A_103 : i32 to index
      %swap3A_115 = arith.constant 0 : index
      %swap3A_116 = tpu.vector_load %arg7[%swap3A_114, %swap3A_115] {strides = array<i32>} : memref<1280x16xi32, #tpu.memory_space<vmem>>, vector<16xi32>,
      tpu.vector_store %arg7[%swap3A_114, %swap3A_115], %and3A_113 {strides = array<i32>} : memref<1280x16xi32, #tpu.memory_space<vmem>>, vector<16xi32>,
      %scan3A_117 = arith.constant 0 : i32
      scf.yield %scan3A_117 : i32
    }
    %scan3A_15 = arith.constant 1280 : i32
    %scan3A_16 = arith.constant 0 : i32
    %scan3A_17 = arith.constant 40 : i32
    %scan3A_18 = arith.addi %scan3A_16, %scan3A_17 : i32
    %scan3A_19 = arith.constant 1 : i32
    %scan3A_20 = scf.for %scan3A_103 = %scan3A_16 to %scan3A_18 step %scan3A_19 iter_args(%scan3A_104 = %iota3A) -> (vector<16xi32>)  : i32 {
      %mul3A_105 = arith.constant 16 : i32
      %mul3A_106 = arith.muli %scan3A_103, %mul3A_105 : i32
      %swap3A_107 = arith.index_cast %mul3A_106 : i32 to index
      %swap3A_108 = tpu.vector_load %arg13[%swap3A_107] {strides = array<i32>} : memref<640xi32, #tpu.memory_space<vmem>>, vector<16xi32>,
      tpu.vector_store %arg13[%swap3A_107], %scan3A_104 {strides = array<i32>} : memref<640xi32, #tpu.memory_space<vmem>>, vector<16xi32>,
      %add3A = arith.constant 16 : i32
      %add3A_109 = vector.broadcast %add3A : i32 to vector<16xi32>
      %add3A_110 = arith.addi %scan3A_104, %add3A_109 : vector<16xi32>
      scf.yield %add3A_110 : vector<16xi32>
    }
    %scan3A_21 = arith.constant 40 : i32
    %broadcast_in_dim3A = arith.constant 0x7F800000 : f32
    %broadcast_in_dim3A_22 = vector.broadcast %broadcast_in_dim3A : f32 to vector<16xf32>
    %broadcast_in_dim3A_23 = arith.constant 0xFF800000 : f32
    %broadcast_in_dim3A_24 = vector.broadcast %broadcast_in_dim3A_23 : f32 to vector<16xf32>
    %scan3A_25 = arith.constant 0 : i32
    %scan3A_26 = arith.constant 1280 : i32
    %scan3A_27 = arith.addi %scan3A_25, %scan3A_26 : i32
    %scan3A_28 = arith.constant 1 : i32
    %scan3A_29:2 = scf.for %scan3A_103 = %scan3A_25 to %scan3A_27 step %scan3A_28 iter_args(%scan3A_104 = %broadcast_in_dim3A_22, %scan3A_105 = %broadcast_in_dim3A_24) -> (vector<16xf32>, vector<16xf32>)  : i32 {
      %get3A = arith.index_cast %scan3A_103 : i32 to index
      %get3A_106 = arith.constant 0 : index
      %get3A_107 = tpu.vector_load %arg5[%get3A, %get3A_106] {strides = array<i32>} : memref<1280x16xf32, #tpu.memory_space<vmem>>, vector<16xf32>,
      %min3A = arith.minimumf %scan3A_104, %get3A_107 : vector<16xf32>
      %max3A = arith.maximumf %scan3A_105, %get3A_107 : vector<16xf32>
      scf.yield %min3A, %max3A : vector<16xf32>, vector<16xf32>
    }
    %scan3A_30 = arith.constant 1280 : i32
    %reduce_min3A = arith.constant true
    %reduce_min3A_31 = vector.broadcast %reduce_min3A : i1 to vector<16xi1>
    %reduce_min3A_32 = tpu.scan <min>, %scan3A_29#0 masked %reduce_min3A_31 : vector<16xf32>, vector<16xi1> -> vector<16xf32>
    %reduce_min3A_33 = vector.extract %reduce_min3A_32[15] : f32 from vector<16xf32>
    %reduce_max3A = arith.constant true
    %reduce_max3A_34 = vector.broadcast %reduce_max3A : i1 to vector<16xi1>
    %reduce_max3A_35 = tpu.scan <max>, %scan3A_29#1 masked %reduce_max3A_34 : vector<16xf32>, vector<16xi1> -> vector<16xf32>
    %reduce_max3A_36 = vector.extract %reduce_max3A_35[15] : f32 from vector<16xf32>
    %eq3A = arith.constant 0 : i32
    %eq3A_37 = vector.broadcast %eq3A : i32 to vector<16xi32>
    %eq3A_38 = arith.cmpi eq, %iota3A, %eq3A_37 : vector<16xi32>
    %neg3A = arith.constant 0.000000e+00 : f32
    %neg3A_39 = arith.subf %neg3A, %reduce_max3A_36 : f32
    %broadcast_in_dim3A_40 = vector.broadcast %reduce_min3A_33 : f32 to vector<16xf32>
    %broadcast_in_dim3A_41 = vector.broadcast %neg3A_39 : f32 to vector<16xf32>
    %select_n3A = arith.select %eq3A_38, %broadcast_in_dim3A_40, %broadcast_in_dim3A_41 : vector<16xi1>, vector<16xf32>
    %swap3A = arith.constant 0 : i32
    %swap3A_42 = arith.index_cast %swap3A : i32 to index
    %swap3A_43 = arith.constant 0 : index
    %swap3A_44 = tpu.vector_load %arg15[%swap3A_42, %swap3A_43] {strides = array<i32>} : memref<1x16xf32, #tpu.memory_space<vmem>>, vector<16xf32>,
    tpu.vector_store %arg15[%swap3A_42, %swap3A_43], %select_n3A {strides = array<i32>} : memref<1x16xf32, #tpu.memory_space<vmem>>, vector<16xf32>,
    "tpu.region"() ({
      %run_scoped3A = tpu.sem_alloc : memref<!tpu.dma_semaphore, #tpu.memory_space<semaphore_mem>>
      %dma_start3A = arith.constant 0 : i32
      %dma_start3A_103 = tpu.memref_slice %arg19[%arg1, %dma_start3A] : memref<16x16xf32, #tpu.memory_space<vmem_shared>> -> memref<1x16xf32, #tpu.memory_space<vmem_shared>>
      %dma_start3A_104 = arith.constant 0 : i32
      %dma_start3A_105 = tpu.memref_slice %arg19[%arg1, %dma_start3A_104] : memref<16x16xf32, #tpu.memory_space<vmem_shared>> -> memref<1x16xf32, #tpu.memory_space<vmem_shared>>
      tpu.enqueue_dma source(%arg15 : memref<1x16xf32, #tpu.memory_space<vmem>>) target(%dma_start3A_105 : memref<1x16xf32, #tpu.memory_space<vmem_shared>>) target_semaphore(%run_scoped3A : memref<!tpu.dma_semaphore, #tpu.memory_space<semaphore_mem>>)
      %dma_wait3A = arith.constant 0 : i32
      %dma_wait3A_106 = tpu.memref_slice %arg19[%arg1, %dma_wait3A] : memref<16x16xf32, #tpu.memory_space<vmem_shared>> -> memref<1x16xf32, #tpu.memory_space<vmem_shared>>
      %dma_wait3A_107 = arith.constant 0 : i32
      %dma_wait3A_108 = tpu.memref_slice %arg19[%arg1, %dma_wait3A_107] : memref<16x16xf32, #tpu.memory_space<vmem_shared>> -> memref<1x16xf32, #tpu.memory_space<vmem_shared>>
      tpu.wait_dma2 semaphore(%run_scoped3A : memref<!tpu.dma_semaphore, #tpu.memory_space<semaphore_mem>>) src(%arg15 : memref<1x16xf32, #tpu.memory_space<vmem>>) dst(%dma_wait3A_108 : memref<1x16xf32, #tpu.memory_space<vmem_shared>>)
      tpu.yield
    }) : () -> ()
    %barrier3A = arith.constant 0 : index
    tpu.barrier barrier_id(%barrier3A)
    "tpu.region"() ({
      %run_scoped3A = tpu.sem_alloc : memref<!tpu.dma_semaphore, #tpu.memory_space<semaphore_mem>>
      tpu.enqueue_dma source(%arg19 : memref<16x16xf32, #tpu.memory_space<vmem_shared>>) target(%arg16 : memref<16x16xf32, #tpu.memory_space<vmem>>) target_semaphore(%run_scoped3A : memref<!tpu.dma_semaphore, #tpu.memory_space<semaphore_mem>>)
      tpu.wait_dma2 semaphore(%run_scoped3A : memref<!tpu.dma_semaphore, #tpu.memory_space<semaphore_mem>>) src(%arg19 : memref<16x16xf32, #tpu.memory_space<vmem_shared>>) dst(%arg16 : memref<16x16xf32, #tpu.memory_space<vmem>>)
      tpu.yield
    }) : () -> ()
    %broadcast_in_dim3A_45 = arith.constant 0x7F800000 : f32
    %broadcast_in_dim3A_46 = vector.broadcast %broadcast_in_dim3A_45 : f32 to vector<16xf32>
    %scan3A_47 = arith.constant 0 : i32
    %scan3A_48 = arith.constant 16 : i32
    %scan3A_49 = arith.addi %scan3A_47, %scan3A_48 : i32
    %scan3A_50 = arith.constant 1 : i32
    %scan3A_51 = scf.for %scan3A_103 = %scan3A_47 to %scan3A_49 step %scan3A_50 iter_args(%scan3A_104 = %broadcast_in_dim3A_46) -> (vector<16xf32>)  : i32 {
      %get3A = arith.index_cast %scan3A_103 : i32 to index
      %get3A_105 = arith.constant 0 : index
      %get3A_106 = tpu.vector_load %arg16[%get3A, %get3A_105] {strides = array<i32>} : memref<16x16xf32, #tpu.memory_space<vmem>>, vector<16xf32>,
      %min3A = arith.minimumf %scan3A_104, %get3A_106 : vector<16xf32>
      scf.yield %min3A : vector<16xf32>
    }
    %scan3A_52 = arith.constant 16 : i32
    %eq3A_53 = arith.constant 0 : i32
    %eq3A_54 = vector.broadcast %eq3A_53 : i32 to vector<16xi32>
    %eq3A_55 = arith.cmpi eq, %iota3A, %eq3A_54 : vector<16xi32>
    %jit3A = arith.constant 0x7F800000 : f32
    %broadcast_in_dim3A_56 = vector.broadcast %jit3A : f32 to vector<16xf32>
    %select_n3A_57 = arith.select %eq3A_55, %scan3A_51, %broadcast_in_dim3A_56 : vector<16xi1>, vector<16xf32>
    %reduce_min3A_58 = arith.constant true
    %reduce_min3A_59 = vector.broadcast %reduce_min3A_58 : i1 to vector<16xi1>
    %reduce_min3A_60 = tpu.scan <min>, %select_n3A_57 masked %reduce_min3A_59 : vector<16xf32>, vector<16xi1> -> vector<16xf32>
    %reduce_min3A_61 = vector.extract %reduce_min3A_60[15] : f32 from vector<16xf32>
    %eq3A_62 = arith.constant 1 : i32
    %eq3A_63 = vector.broadcast %eq3A_62 : i32 to vector<16xi32>
    %eq3A_64 = arith.cmpi eq, %iota3A, %eq3A_63 : vector<16xi32>
    %jit3A_65 = arith.constant 0x7F800000 : f32
    %broadcast_in_dim3A_66 = vector.broadcast %jit3A_65 : f32 to vector<16xf32>
    %select_n3A_67 = arith.select %eq3A_64, %scan3A_51, %broadcast_in_dim3A_66 : vector<16xi1>, vector<16xf32>
    %reduce_min3A_68 = arith.constant true
    %reduce_min3A_69 = vector.broadcast %reduce_min3A_68 : i1 to vector<16xi1>
    %reduce_min3A_70 = tpu.scan <min>, %select_n3A_67 masked %reduce_min3A_69 : vector<16xf32>, vector<16xi1> -> vector<16xf32>
    %reduce_min3A_71 = vector.extract %reduce_min3A_70[15] : f32 from vector<16xf32>
    %neg3A_72 = arith.constant 0.000000e+00 : f32
    %neg3A_73 = arith.subf %neg3A_72, %reduce_min3A_71 : f32
    %scan3A_74 = arith.constant 0 : i32
    %scan3A_75 = arith.constant 0 : i32
    %scan3A_76 = arith.constant 640 : i32
    %scan3A_77 = arith.addi %scan3A_75, %scan3A_76 : i32
    %scan3A_78 = arith.constant 1 : i32
    %scan3A_79 = scf.for %scan3A_103 = %scan3A_75 to %scan3A_77 step %scan3A_78 iter_args(%scan3A_104 = %scan3A_74) -> (i32)  : i32 {
      %sub3A = arith.constant 1.000000e+00 : f32
      %sub3A_105 = arith.subf %reduce_min3A_61, %sub3A : f32
      %broadcast_in_dim3A_106 = vector.broadcast %sub3A_105 : f32 to vector<16xf32>
      %swap3A_107 = arith.index_cast %scan3A_103 : i32 to index
      %swap3A_108 = arith.constant 0 : index
      %swap3A_109 = tpu.vector_load %arg10[%swap3A_107, %swap3A_108] {strides = array<i32>} : memref<640x16xf32, #tpu.memory_space<vmem>>, vector<16xf32>,
      tpu.vector_store %arg10[%swap3A_107, %swap3A_108], %broadcast_in_dim3A_106 {strides = array<i32>} : memref<640x16xf32, #tpu.memory_space<vmem>>, vector<16xf32>,
      %broadcast_in_dim3A_110 = vector.broadcast %neg3A_73 : f32 to vector<16xf32>
      %swap3A_111 = arith.index_cast %scan3A_103 : i32 to index
      %swap3A_112 = arith.constant 0 : index
      %swap3A_113 = tpu.vector_load %arg11[%swap3A_111, %swap3A_112] {strides = array<i32>} : memref<640x16xf32, #tpu.memory_space<vmem>>, vector<16xf32>,
      tpu.vector_store %arg11[%swap3A_111, %swap3A_112], %broadcast_in_dim3A_110 {strides = array<i32>} : memref<640x16xf32, #tpu.memory_space<vmem>>, vector<16xf32>,
      %sub3A_114 = arith.constant 1.000000e+00 : f32
      %sub3A_115 = arith.subf %reduce_min3A_61, %sub3A_114 : f32
      %add3A = arith.addf %sub3A_115, %neg3A_73 : f32
      %mul3A_116 = arith.constant 5.000000e-01 : f32
      %mul3A_117 = arith.mulf %mul3A_116, %add3A : f32
      %broadcast_in_dim3A_118 = vector.broadcast %mul3A_117 : f32 to vector<16xf32>
      %swap3A_119 = arith.index_cast %scan3A_103 : i32 to index
      %swap3A_120 = arith.constant 0 : index
      %swap3A_121 = tpu.vector_load %arg8[%swap3A_119, %swap3A_120] {strides = array<i32>} : memref<640x16xf32, #tpu.memory_space<vmem>>, vector<16xf32>,
      tpu.vector_store %arg8[%swap3A_119, %swap3A_120], %broadcast_in_dim3A_118 {strides = array<i32>} : memref<640x16xf32, #tpu.memory_space<vmem>>, vector<16xf32>,
      %broadcast_in_dim3A_122 = arith.constant 0.000000e+00 : f32
      %broadcast_in_dim3A_123 = vector.broadcast %broadcast_in_dim3A_122 : f32 to vector<16xf32>
      %swap3A_124 = arith.index_cast %scan3A_103 : i32 to index
      %swap3A_125 = arith.constant 0 : index
      %swap3A_126 = tpu.vector_load %arg9[%swap3A_124, %swap3A_125] {strides = array<i32>} : memref<640x16xf32, #tpu.memory_space<vmem>>, vector<16xf32>,
      tpu.vector_store %arg9[%swap3A_124, %swap3A_125], %broadcast_in_dim3A_123 {strides = array<i32>} : memref<640x16xf32, #tpu.memory_space<vmem>>, vector<16xf32>,
      %scan3A_127 = arith.constant 0 : i32
      scf.yield %scan3A_127 : i32
    }
    %scan3A_80 = arith.constant 640 : i32
    %eq3A_81 = arith.constant 0 : i32
    %eq3A_82 = arith.cmpi eq, %arg1, %eq3A_81 : i32
    %convert_element_type3A = arith.extui %eq3A_82 : i1 to i32
    %cond3A = arith.constant 0 : i32
    %cond3A_83 = arith.cmpi ne, %convert_element_type3A, %cond3A : i32
    scf.if %cond3A_83 {
      "tpu.region"() ({
        %run_scoped3A = tpu.sem_alloc : memref<!tpu.dma_semaphore, #tpu.memory_space<semaphore_mem>>
        tpu.enqueue_dma source(%arg12 : memref<640x16xf32, #tpu.memory_space<vmem>>) target(%arg17 : memref<640x16xf32, #tpu.memory_space<vmem_shared>>) target_semaphore(%run_scoped3A : memref<!tpu.dma_semaphore, #tpu.memory_space<semaphore_mem>>)
        tpu.wait_dma2 semaphore(%run_scoped3A : memref<!tpu.dma_semaphore, #tpu.memory_space<semaphore_mem>>) src(%arg12 : memref<640x16xf32, #tpu.memory_space<vmem>>) dst(%arg17 : memref<640x16xf32, #tpu.memory_space<vmem_shared>>)
        tpu.yield
      }) : () -> ()
    } else {
    }
    %scan3A_84 = arith.constant 0 : i32
    %scan3A_85 = arith.constant 0 : i32
    %scan3A_86 = arith.constant 18 : i32
    %scan3A_87 = arith.addi %scan3A_85, %scan3A_86 : i32
    %scan3A_88 = arith.constant 1 : i32
    %scan3A_89 = scf.for %scan3A_103 = %scan3A_85 to %scan3A_87 step %scan3A_88 iter_args(%scan3A_104 = %scan3A_84) -> (i32)  : i32 {
      %scan3A_105 = arith.constant 0 : i32
      %scan3A_106 = arith.constant 0 : i32
      %scan3A_107 = arith.constant 1280 : i32
      %scan3A_108 = arith.addi %scan3A_106, %scan3A_107 : i32
      %scan3A_109 = arith.constant 1 : i32
      %scan3A_110 = scf.for %scan3A_154 = %scan3A_106 to %scan3A_108 step %scan3A_109 iter_args(%scan3A_155 = %scan3A_105) -> (i32)  : i32 {
        %get3A = arith.index_cast %scan3A_154 : i32 to index
        %get3A_156 = arith.constant 0 : index
        %get3A_157 = tpu.vector_load %arg6[%get3A, %get3A_156] {strides = array<i32>} : memref<1280x16xi32, #tpu.memory_space<vmem>>, vector<16xi32>,
        %get3A_158 = arith.index_cast %scan3A_154 : i32 to index
        %get3A_159 = arith.constant 0 : index
        %get3A_160 = tpu.vector_load %arg7[%get3A_158, %get3A_159] {strides = array<i32>} : memref<1280x16xi32, #tpu.memory_space<vmem>>, vector<16xi32>,
        %get3A_161 = arith.index_cast %scan3A_154 : i32 to index
        %get3A_162 = arith.constant 0 : index
        %get3A_163 = tpu.vector_load %arg5[%get3A_161, %get3A_162] {strides = array<i32>} : memref<1280x16xf32, #tpu.memory_space<vmem>>, vector<16xf32>,
        %gather3A = tpu.vector_load_idx %arg8[%get3A_157, %get3A_160] : memref<640x16xf32, #tpu.memory_space<vmem>>[vector<16xi32>, vector<16xi32>], vector<16xf32>,
        %sub3A = arith.subf %get3A_163, %gather3A : vector<16xf32>
        %max3A = arith.constant 0.000000e+00 : f32
        %max3A_164 = vector.broadcast %max3A : f32 to vector<16xf32>
        %max3A_165 = arith.maximumf %sub3A, %max3A_164 : vector<16xf32>
        tpu.vector_store_idx %arg9[%get3A_157, %get3A_160], %max3A_165 {add = true} : memref<640x16xf32, #tpu.memory_space<vmem>>[vector<16xi32>, vector<16xi32>], vector<16xf32>,
        %scan3A_166 = arith.constant 0 : i32
        scf.yield %scan3A_166 : i32
      }
      %scan3A_111 = arith.constant 1280 : i32
      %and3A = arith.constant 1 : i32
      %and3A_112 = arith.andi %scan3A_103, %and3A : i32
      %eq3A_113 = arith.constant 0 : i32
      %eq3A_114 = arith.cmpi eq, %and3A_112, %eq3A_113 : i32
      %barrier3A_115 = arith.constant 0 : index
      tpu.barrier barrier_id(%barrier3A_115)
      %convert_element_type3A_116 = arith.extui %eq3A_114 : i1 to i32
      %cond3A_117 = arith.constant 0 : i32
      %cond3A_118 = arith.cmpi ne, %convert_element_type3A_116, %cond3A_117 : i32
      scf.if %cond3A_118 {
        "tpu.region"() ({
          %run_scoped3A = tpu.sem_alloc : memref<!tpu.dma_semaphore, #tpu.memory_space<semaphore_mem>>
          %dma_start3A = arith.constant 0 : i32
          %dma_start3A_154 = arith.constant 0 : i32
          %dma_start3A_155 = tpu.memref_slice %arg17[%dma_start3A, %dma_start3A_154] : memref<640x16xf32, #tpu.memory_space<vmem_shared>> -> memref<640x16xf32, #tpu.memory_space<vmem_shared>>
          tpu.enqueue_indirect_dma source(%arg9 : memref<640x16xf32, #tpu.memory_space<vmem>>) target(%dma_start3A_155 : memref<640x16xf32, #tpu.memory_space<vmem_shared>>) offsets(%arg13 : memref<640xi32, #tpu.memory_space<vmem>>) semaphore(%run_scoped3A : memref<!tpu.dma_semaphore, #tpu.memory_space<semaphore_mem>>) {add = true}
          %dma_wait3A = arith.constant 0 : i32
          %dma_wait3A_156 = arith.constant 0 : i32
          %dma_wait3A_157 = tpu.memref_slice %arg17[%dma_wait3A, %dma_wait3A_156] : memref<640x16xf32, #tpu.memory_space<vmem_shared>> -> memref<640x16xf32, #tpu.memory_space<vmem_shared>>
          tpu.wait_indirect_dma semaphore(%run_scoped3A : memref<!tpu.dma_semaphore, #tpu.memory_space<semaphore_mem>>) src(%arg9 : memref<640x16xf32, #tpu.memory_space<vmem>>) dst(%dma_wait3A_157 : memref<640x16xf32, #tpu.memory_space<vmem_shared>>)
          tpu.yield
        }) : () -> ()
      } else {
      }
      %not3A = arith.constant true
      %not3A_119 = arith.xori %eq3A_114, %not3A : i1
      %convert_element_type3A_120 = arith.extui %not3A_119 : i1 to i32
      %cond3A_121 = arith.constant 0 : i32
      %cond3A_122 = arith.cmpi ne, %convert_element_type3A_120, %cond3A_121 : i32
      scf.if %cond3A_122 {
        "tpu.region"() ({
          %run_scoped3A = tpu.sem_alloc : memref<!tpu.dma_semaphore, #tpu.memory_space<semaphore_mem>>
          %dma_start3A = arith.constant 0 : i32
          %dma_start3A_154 = arith.constant 0 : i32
          %dma_start3A_155 = tpu.memref_slice %arg18[%dma_start3A, %dma_start3A_154] : memref<640x16xf32, #tpu.memory_space<vmem_shared>> -> memref<640x16xf32, #tpu.memory_space<vmem_shared>>
          tpu.enqueue_indirect_dma source(%arg9 : memref<640x16xf32, #tpu.memory_space<vmem>>) target(%dma_start3A_155 : memref<640x16xf32, #tpu.memory_space<vmem_shared>>) offsets(%arg13 : memref<640xi32, #tpu.memory_space<vmem>>) semaphore(%run_scoped3A : memref<!tpu.dma_semaphore, #tpu.memory_space<semaphore_mem>>) {add = true}
          %dma_wait3A = arith.constant 0 : i32
          %dma_wait3A_156 = arith.constant 0 : i32
          %dma_wait3A_157 = tpu.memref_slice %arg18[%dma_wait3A, %dma_wait3A_156] : memref<640x16xf32, #tpu.memory_space<vmem_shared>> -> memref<640x16xf32, #tpu.memory_space<vmem_shared>>
          tpu.wait_indirect_dma semaphore(%run_scoped3A : memref<!tpu.dma_semaphore, #tpu.memory_space<semaphore_mem>>) src(%arg9 : memref<640x16xf32, #tpu.memory_space<vmem>>) dst(%dma_wait3A_157 : memref<640x16xf32, #tpu.memory_space<vmem_shared>>)
          tpu.yield
        }) : () -> ()
      } else {
      }
      %barrier3A_123 = arith.constant 0 : index
      tpu.barrier barrier_id(%barrier3A_123)
      %convert_element_type3A_124 = arith.extui %eq3A_114 : i1 to i32
      %cond3A_125 = arith.constant 0 : i32
      %cond3A_126 = arith.cmpi ne, %convert_element_type3A_124, %cond3A_125 : i32
      scf.if %cond3A_126 {
        "tpu.region"() ({
          %run_scoped3A = tpu.sem_alloc : memref<!tpu.dma_semaphore, #tpu.memory_space<semaphore_mem>>
          tpu.enqueue_dma source(%arg17 : memref<640x16xf32, #tpu.memory_space<vmem_shared>>) target(%arg9 : memref<640x16xf32, #tpu.memory_space<vmem>>) target_semaphore(%run_scoped3A : memref<!tpu.dma_semaphore, #tpu.memory_space<semaphore_mem>>)
          tpu.wait_dma2 semaphore(%run_scoped3A : memref<!tpu.dma_semaphore, #tpu.memory_space<semaphore_mem>>) src(%arg17 : memref<640x16xf32, #tpu.memory_space<vmem_shared>>) dst(%arg9 : memref<640x16xf32, #tpu.memory_space<vmem>>)
          tpu.yield
        }) : () -> ()
      } else {
      }
      %not3A_127 = arith.constant true
      %not3A_128 = arith.xori %eq3A_114, %not3A_127 : i1
      %convert_element_type3A_129 = arith.extui %not3A_128 : i1 to i32
      %cond3A_130 = arith.constant 0 : i32
      %cond3A_131 = arith.cmpi ne, %convert_element_type3A_129, %cond3A_130 : i32
      scf.if %cond3A_131 {
        "tpu.region"() ({
          %run_scoped3A = tpu.sem_alloc : memref<!tpu.dma_semaphore, #tpu.memory_space<semaphore_mem>>
          tpu.enqueue_dma source(%arg18 : memref<640x16xf32, #tpu.memory_space<vmem_shared>>) target(%arg9 : memref<640x16xf32, #tpu.memory_space<vmem>>) target_semaphore(%run_scoped3A : memref<!tpu.dma_semaphore, #tpu.memory_space<semaphore_mem>>)
          tpu.wait_dma2 semaphore(%run_scoped3A : memref<!tpu.dma_semaphore, #tpu.memory_space<semaphore_mem>>) src(%arg18 : memref<640x16xf32, #tpu.memory_space<vmem_shared>>) dst(%arg9 : memref<640x16xf32, #tpu.memory_space<vmem>>)
          tpu.yield
        }) : () -> ()
      } else {
      }
      %eq3A_132 = arith.constant 0 : i32
      %eq3A_133 = arith.cmpi eq, %arg1, %eq3A_132 : i32
      %and3A_134 = arith.andi %eq3A_133, %eq3A_114 : i1
      %convert_element_type3A_135 = arith.extui %and3A_134 : i1 to i32
      %cond3A_136 = arith.constant 0 : i32
      %cond3A_137 = arith.cmpi ne, %convert_element_type3A_135, %cond3A_136 : i32
      scf.if %cond3A_137 {
        "tpu.region"() ({
          %run_scoped3A = tpu.sem_alloc : memref<!tpu.dma_semaphore, #tpu.memory_space<semaphore_mem>>
          tpu.enqueue_dma source(%arg12 : memref<640x16xf32, #tpu.memory_space<vmem>>) target(%arg18 : memref<640x16xf32, #tpu.memory_space<vmem_shared>>) target_semaphore(%run_scoped3A : memref<!tpu.dma_semaphore, #tpu.memory_space<semaphore_mem>>)
          tpu.wait_dma2 semaphore(%run_scoped3A : memref<!tpu.dma_semaphore, #tpu.memory_space<semaphore_mem>>) src(%arg12 : memref<640x16xf32, #tpu.memory_space<vmem>>) dst(%arg18 : memref<640x16xf32, #tpu.memory_space<vmem_shared>>)
          tpu.yield
        }) : () -> ()
      } else {
      }
      %eq3A_138 = arith.constant 0 : i32
      %eq3A_139 = arith.cmpi eq, %arg1, %eq3A_138 : i32
      %not3A_140 = arith.constant true
      %not3A_141 = arith.xori %eq3A_114, %not3A_140 : i1
      %and3A_142 = arith.andi %eq3A_139, %not3A_141 : i1
      %convert_element_type3A_143 = arith.extui %and3A_142 : i1 to i32
      %cond3A_144 = arith.constant 0 : i32
      %cond3A_145 = arith.cmpi ne, %convert_element_type3A_143, %cond3A_144 : i32
      scf.if %cond3A_145 {
        "tpu.region"() ({
          %run_scoped3A = tpu.sem_alloc : memref<!tpu.dma_semaphore, #tpu.memory_space<semaphore_mem>>
          tpu.enqueue_dma source(%arg12 : memref<640x16xf32, #tpu.memory_space<vmem>>) target(%arg17 : memref<640x16xf32, #tpu.memory_space<vmem_shared>>) target_semaphore(%run_scoped3A : memref<!tpu.dma_semaphore, #tpu.memory_space<semaphore_mem>>)
          tpu.wait_dma2 semaphore(%run_scoped3A : memref<!tpu.dma_semaphore, #tpu.memory_space<semaphore_mem>>) src(%arg12 : memref<640x16xf32, #tpu.memory_space<vmem>>) dst(%arg17 : memref<640x16xf32, #tpu.memory_space<vmem_shared>>)
          tpu.yield
        }) : () -> ()
      } else {
      }
      %scan3A_146 = arith.constant 0 : i32
      %scan3A_147 = arith.constant 0 : i32
      %scan3A_148 = arith.constant 640 : i32
      %scan3A_149 = arith.addi %scan3A_147, %scan3A_148 : i32
      %scan3A_150 = arith.constant 1 : i32
      %scan3A_151 = scf.for %scan3A_154 = %scan3A_147 to %scan3A_149 step %scan3A_150 iter_args(%scan3A_155 = %scan3A_146) -> (i32)  : i32 {
        %get3A = arith.index_cast %scan3A_154 : i32 to index
        %get3A_156 = arith.constant 0 : index
        %get3A_157 = tpu.vector_load %arg9[%get3A, %get3A_156] {strides = array<i32>} : memref<640x16xf32, #tpu.memory_space<vmem>>, vector<16xf32>,
        %ge3A = arith.constant 1.000000e+00 : f32
        %ge3A_158 = vector.broadcast %ge3A : f32 to vector<16xf32>
        %ge3A_159 = arith.cmpf oge, %get3A_157, %ge3A_158 : vector<16xf32>
        %get3A_160 = arith.index_cast %scan3A_154 : i32 to index
        %get3A_161 = arith.constant 0 : index
        %get3A_162 = tpu.vector_load %arg8[%get3A_160, %get3A_161] {strides = array<i32>} : memref<640x16xf32, #tpu.memory_space<vmem>>, vector<16xf32>,
        %get3A_163 = arith.index_cast %scan3A_154 : i32 to index
        %get3A_164 = arith.constant 0 : index
        %get3A_165 = tpu.vector_load %arg10[%get3A_163, %get3A_164] {strides = array<i32>} : memref<640x16xf32, #tpu.memory_space<vmem>>, vector<16xf32>,
        %select_n3A_166 = arith.select %ge3A_159, %get3A_162, %get3A_165 : vector<16xi1>, vector<16xf32>
        %get3A_167 = arith.index_cast %scan3A_154 : i32 to index
        %get3A_168 = arith.constant 0 : index
        %get3A_169 = tpu.vector_load %arg11[%get3A_167, %get3A_168] {strides = array<i32>} : memref<640x16xf32, #tpu.memory_space<vmem>>, vector<16xf32>,
        %select_n3A_170 = arith.select %ge3A_159, %get3A_169, %get3A_162 : vector<16xi1>, vector<16xf32>
        %swap3A_171 = arith.index_cast %scan3A_154 : i32 to index
        %swap3A_172 = arith.constant 0 : index
        %swap3A_173 = tpu.vector_load %arg10[%swap3A_171, %swap3A_172] {strides = array<i32>} : memref<640x16xf32, #tpu.memory_space<vmem>>, vector<16xf32>,
        tpu.vector_store %arg10[%swap3A_171, %swap3A_172], %select_n3A_166 {strides = array<i32>} : memref<640x16xf32, #tpu.memory_space<vmem>>, vector<16xf32>,
        %swap3A_174 = arith.index_cast %scan3A_154 : i32 to index
        %swap3A_175 = arith.constant 0 : index
        %swap3A_176 = tpu.vector_load %arg11[%swap3A_174, %swap3A_175] {strides = array<i32>} : memref<640x16xf32, #tpu.memory_space<vmem>>, vector<16xf32>,
        tpu.vector_store %arg11[%swap3A_174, %swap3A_175], %select_n3A_170 {strides = array<i32>} : memref<640x16xf32, #tpu.memory_space<vmem>>, vector<16xf32>,
        %add3A = arith.addf %select_n3A_166, %select_n3A_170 : vector<16xf32>
        %mul3A_177 = arith.constant 5.000000e-01 : f32
        %mul3A_178 = vector.broadcast %mul3A_177 : f32 to vector<16xf32>
        %mul3A_179 = arith.mulf %mul3A_178, %add3A : vector<16xf32>
        %swap3A_180 = arith.index_cast %scan3A_154 : i32 to index
        %swap3A_181 = arith.constant 0 : index
        %swap3A_182 = tpu.vector_load %arg8[%swap3A_180, %swap3A_181] {strides = array<i32>} : memref<640x16xf32, #tpu.memory_space<vmem>>, vector<16xf32>,
        tpu.vector_store %arg8[%swap3A_180, %swap3A_181], %mul3A_179 {strides = array<i32>} : memref<640x16xf32, #tpu.memory_space<vmem>>, vector<16xf32>,
        %broadcast_in_dim3A_183 = arith.constant 0.000000e+00 : f32
        %broadcast_in_dim3A_184 = vector.broadcast %broadcast_in_dim3A_183 : f32 to vector<16xf32>
        %swap3A_185 = arith.index_cast %scan3A_154 : i32 to index
        %swap3A_186 = arith.constant 0 : index
        %swap3A_187 = tpu.vector_load %arg9[%swap3A_185, %swap3A_186] {strides = array<i32>} : memref<640x16xf32, #tpu.memory_space<vmem>>, vector<16xf32>,
        tpu.vector_store %arg9[%swap3A_185, %swap3A_186], %broadcast_in_dim3A_184 {strides = array<i32>} : memref<640x16xf32, #tpu.memory_space<vmem>>, vector<16xf32>,
        %scan3A_188 = arith.constant 0 : i32
        scf.yield %scan3A_188 : i32
      }
      %scan3A_152 = arith.constant 640 : i32
      %scan3A_153 = arith.constant 0 : i32
      scf.yield %scan3A_153 : i32
    }
    %scan3A_90 = arith.constant 18 : i32
    %scan3A_91 = arith.constant 0 : i32
    %scan3A_92 = arith.constant 0 : i32
    %scan3A_93 = arith.constant 40 : i32
    %scan3A_94 = arith.addi %scan3A_92, %scan3A_93 : i32
    %scan3A_95 = arith.constant 1 : i32
    %scan3A_96 = scf.for %scan3A_103 = %scan3A_92 to %scan3A_94 step %scan3A_95 iter_args(%scan3A_104 = %scan3A_91) -> (i32)  : i32 {
      %mul3A_105 = arith.constant 40 : i32
      %mul3A_106 = arith.muli %arg1, %mul3A_105 : i32
      %add3A = arith.addi %mul3A_106, %scan3A_103 : i32
      %get3A = arith.index_cast %add3A : i32 to index
      %get3A_107 = arith.constant 0 : index
      %get3A_108 = tpu.vector_load %arg10[%get3A, %get3A_107] {strides = array<i32>} : memref<640x16xf32, #tpu.memory_space<vmem>>, vector<16xf32>,
      %get3A_109 = arith.index_cast %add3A : i32 to index
      %get3A_110 = arith.constant 0 : index
      %get3A_111 = tpu.vector_load %arg11[%get3A_109, %get3A_110] {strides = array<i32>} : memref<640x16xf32, #tpu.memory_space<vmem>>, vector<16xf32>,
      %add3A_112 = arith.addf %get3A_108, %get3A_111 : vector<16xf32>
      %mul3A_113 = arith.constant 5.000000e-01 : f32
      %mul3A_114 = vector.broadcast %mul3A_113 : f32 to vector<16xf32>
      %mul3A_115 = arith.mulf %mul3A_114, %add3A_112 : vector<16xf32>
      %swap3A_116 = arith.index_cast %scan3A_103 : i32 to index
      %swap3A_117 = arith.constant 0 : index
      %swap3A_118 = tpu.vector_load %arg14[%swap3A_116, %swap3A_117] {strides = array<i32>} : memref<40x16xf32, #tpu.memory_space<vmem>>, vector<16xf32>,
      tpu.vector_store %arg14[%swap3A_116, %swap3A_117], %mul3A_115 {strides = array<i32>} : memref<40x16xf32, #tpu.memory_space<vmem>>, vector<16xf32>,
      %scan3A_119 = arith.constant 0 : i32
      scf.yield %scan3A_119 : i32
    }
    %scan3A_97 = arith.constant 40 : i32
    %eq3A_98 = arith.constant 0 : i32
    %eq3A_99 = arith.cmpi eq, %arg0, %eq3A_98 : i32
    %convert_element_type3A_100 = arith.extui %eq3A_99 : i1 to i32
    %cond3A_101 = arith.constant 0 : i32
    %cond3A_102 = arith.cmpi ne, %convert_element_type3A_100, %cond3A_101 : i32
    scf.if %cond3A_102 {
      %mul3A_103 = arith.constant 40 : i32
      %mul3A_104 = arith.muli %arg1, %mul3A_103 : i32
      "tpu.region"() ({
        %run_scoped3A = tpu.sem_alloc : memref<!tpu.dma_semaphore, #tpu.memory_space<semaphore_mem>>
        %dma_start3A = arith.constant 0 : i32
        %dma_start3A_105 = tpu.memref_slice %arg4[%mul3A_104, %dma_start3A] : memref<640x16xf32, #tpu.memory_space<hbm>> -> memref<40x16xf32, #tpu.memory_space<hbm>>
        %dma_start3A_106 = arith.constant 0 : i32
        %dma_start3A_107 = tpu.memref_slice %arg4[%mul3A_104, %dma_start3A_106] : memref<640x16xf32, #tpu.memory_space<hbm>> -> memref<40x16xf32, #tpu.memory_space<hbm>>
        tpu.enqueue_dma source(%arg14 : memref<40x16xf32, #tpu.memory_space<vmem>>) target(%dma_start3A_107 : memref<40x16xf32, #tpu.memory_space<hbm>>) target_semaphore(%run_scoped3A : memref<!tpu.dma_semaphore, #tpu.memory_space<semaphore_mem>>)
        %dma_wait3A = arith.constant 0 : i32
        %dma_wait3A_108 = tpu.memref_slice %arg4[%mul3A_104, %dma_wait3A] : memref<640x16xf32, #tpu.memory_space<hbm>> -> memref<40x16xf32, #tpu.memory_space<hbm>>
        %dma_wait3A_109 = arith.constant 0 : i32
        %dma_wait3A_110 = tpu.memref_slice %arg4[%mul3A_104, %dma_wait3A_109] : memref<640x16xf32, #tpu.memory_space<hbm>> -> memref<40x16xf32, #tpu.memory_space<hbm>>
        tpu.wait_dma2 semaphore(%run_scoped3A : memref<!tpu.dma_semaphore, #tpu.memory_space<semaphore_mem>>) src(%arg14 : memref<40x16xf32, #tpu.memory_space<vmem>>) dst(%dma_wait3A_110 : memref<40x16xf32, #tpu.memory_space<hbm>>)
        tpu.yield
      }) : () -> ()
    } else {
    }
    return
  }
}

module attributes {stable_mosaic.version = 14 : i64} {
  func.func @_edge_kernel(%arg0: i32, %arg1: memref<4096x16xf32, #tpu.memory_space<vmem>>, %arg2: memref<16x128xf32, #tpu.memory_space<vmem>>, %arg3: memref<1x128xf32, #tpu.memory_space<vmem>>, %arg4: memref<128x128xf32, #tpu.memory_space<vmem>>, %arg5: memref<1x128xf32, #tpu.memory_space<vmem>>, %arg6: memref<16x128xf32, #tpu.memory_space<vmem>>, %arg7: memref<1x128xf32, #tpu.memory_space<vmem>>, %arg8: memref<1xf32, #tpu.memory_space<vmem>>, %arg9: memref<4096xf32, #tpu.memory_space<vmem>>, %arg10: memref<4096x32xf32, #tpu.memory_space<vmem>>, %arg11: memref<4096x32xf32, #tpu.memory_space<vmem>>, %arg12: memref<4096x32xf32, #tpu.memory_space<vmem>>, %arg13: memref<4096x32xf32, #tpu.memory_space<vmem>>) attributes {dimension_semantics = [#tpu.dimension_semantics<arbitrary>], iteration_bounds = array<i64: 80>, scalar_prefetch = 0 : i64, scratch_operands = 0 : i64, tpu.core_type = #tpu.core_type<tc>, window_params = [{transform_indices = @transform_0, window_bounds = array<i64: 4096, 16>}, {transform_indices = @transform_1, window_bounds = array<i64: 16, 128>}, {transform_indices = @transform_2, window_bounds = array<i64: 1, 128>}, {transform_indices = @transform_3, window_bounds = array<i64: 128, 128>}, {transform_indices = @transform_4, window_bounds = array<i64: 1, 128>}, {transform_indices = @transform_5, window_bounds = array<i64: 16, 128>}, {transform_indices = @transform_6, window_bounds = array<i64: 1, 128>}, {transform_indices = @transform_7, window_bounds = array<i64: 1>}, {transform_indices = @transform_8, window_bounds = array<i64: 4096>}, {transform_indices = @transform_9, window_bounds = array<i64: 4096, 32>}, {transform_indices = @transform_10, window_bounds = array<i64: 4096, 32>}, {transform_indices = @transform_11, window_bounds = array<i64: 4096, 32>}, {transform_indices = @transform_12, window_bounds = array<i64: 4096, 32>}]} {
    %get3A = arith.constant 0 : index
    %get3A_0 = arith.constant 0 : index
    %get3A_1 = vector.load %arg1[%get3A, %get3A_0] : memref<4096x16xf32, #tpu.memory_space<vmem>>, vector<4096x16xf32>
    %get3A_2 = arith.constant 0 : index
    %get3A_3 = arith.constant 0 : index
    %get3A_4 = vector.load %arg2[%get3A_2, %get3A_3] : memref<16x128xf32, #tpu.memory_space<vmem>>, vector<16x128xf32>
    %dot_general3A = arith.constant dense<0.000000e+00> : vector<4096x128xf32>
    %dot_general3A_5 = tpu.matmul %get3A_1, %get3A_4, %dot_general3A {dimension_numbers = #tpu.dot_dimension_numbers<[1], [0], [0], [1], [0, 0, 1, 1], [], []>, transpose_lhs_hint = false} : vector<4096x16xf32>, vector<16x128xf32>, vector<4096x128xf32> -> vector<4096x128xf32>
    %get3A_6 = arith.constant 0 : index
    %get3A_7 = arith.constant 0 : index
    %get3A_8 = vector.load %arg3[%get3A_6, %get3A_7] : memref<1x128xf32, #tpu.memory_space<vmem>>, vector<1x128xf32>
    %add3A = vector.broadcast %get3A_8 : vector<1x128xf32> to vector<4096x128xf32>
    %add3A_9 = arith.addf %dot_general3A_5, %add3A : vector<4096x128xf32>
    %max3A = arith.constant 0.000000e+00 : f32
    %max3A_10 = vector.broadcast %max3A : f32 to vector<4096x128xf32>
    %max3A_11 = arith.maximumf %add3A_9, %max3A_10 : vector<4096x128xf32>
    %get3A_12 = arith.constant 0 : index
    %get3A_13 = arith.constant 0 : index
    %get3A_14 = vector.load %arg4[%get3A_12, %get3A_13] : memref<128x128xf32, #tpu.memory_space<vmem>>, vector<128x128xf32>
    %dot_general3A_15 = arith.constant dense<0.000000e+00> : vector<4096x128xf32>
    %dot_general3A_16 = tpu.matmul %max3A_11, %get3A_14, %dot_general3A_15 {dimension_numbers = #tpu.dot_dimension_numbers<[1], [0], [0], [1], [0, 0, 1, 1], [], []>, transpose_lhs_hint = false} : vector<4096x128xf32>, vector<128x128xf32>, vector<4096x128xf32> -> vector<4096x128xf32>
    %get3A_17 = arith.constant 0 : index
    %get3A_18 = arith.constant 0 : index
    %get3A_19 = vector.load %arg5[%get3A_17, %get3A_18] : memref<1x128xf32, #tpu.memory_space<vmem>>, vector<1x128xf32>
    %add3A_20 = vector.broadcast %get3A_19 : vector<1x128xf32> to vector<4096x128xf32>
    %add3A_21 = arith.addf %dot_general3A_16, %add3A_20 : vector<4096x128xf32>
    %slice3A = vector.extract_strided_slice %add3A_21 {offsets = [0, 0], sizes = [4096, 32], strides = [1, 1]} : vector<4096x128xf32> to vector<4096x32xf32>
    %swap3A = arith.constant 0 : index
    %swap3A_22 = arith.constant 0 : index
    %swap3A_23 = vector.load %arg10[%swap3A, %swap3A_22] : memref<4096x32xf32, #tpu.memory_space<vmem>>, vector<4096x32xf32>
    tpu.vector_store %arg10[%swap3A, %swap3A_22], %slice3A {strides = array<i32>} : memref<4096x32xf32, #tpu.memory_space<vmem>>, vector<4096x32xf32>,
    %slice3A_24 = vector.extract_strided_slice %add3A_21 {offsets = [0, 32], sizes = [4096, 32], strides = [1, 1]} : vector<4096x128xf32> to vector<4096x32xf32>
    %swap3A_25 = arith.constant 0 : index
    %swap3A_26 = arith.constant 0 : index
    %swap3A_27 = vector.load %arg11[%swap3A_25, %swap3A_26] : memref<4096x32xf32, #tpu.memory_space<vmem>>, vector<4096x32xf32>
    tpu.vector_store %arg11[%swap3A_25, %swap3A_26], %slice3A_24 {strides = array<i32>} : memref<4096x32xf32, #tpu.memory_space<vmem>>, vector<4096x32xf32>,
    %slice3A_28 = vector.extract_strided_slice %add3A_21 {offsets = [0, 64], sizes = [4096, 32], strides = [1, 1]} : vector<4096x128xf32> to vector<4096x32xf32>
    %swap3A_29 = arith.constant 0 : index
    %swap3A_30 = arith.constant 0 : index
    %swap3A_31 = vector.load %arg12[%swap3A_29, %swap3A_30] : memref<4096x32xf32, #tpu.memory_space<vmem>>, vector<4096x32xf32>
    tpu.vector_store %arg12[%swap3A_29, %swap3A_30], %slice3A_28 {strides = array<i32>} : memref<4096x32xf32, #tpu.memory_space<vmem>>, vector<4096x32xf32>,
    %slice3A_32 = vector.extract_strided_slice %add3A_21 {offsets = [0, 96], sizes = [4096, 32], strides = [1, 1]} : vector<4096x128xf32> to vector<4096x32xf32>
    %swap3A_33 = arith.constant 0 : index
    %swap3A_34 = arith.constant 0 : index
    %swap3A_35 = vector.load %arg13[%swap3A_33, %swap3A_34] : memref<4096x32xf32, #tpu.memory_space<vmem>>, vector<4096x32xf32>
    tpu.vector_store %arg13[%swap3A_33, %swap3A_34], %slice3A_32 {strides = array<i32>} : memref<4096x32xf32, #tpu.memory_space<vmem>>, vector<4096x32xf32>,
    %get3A_36 = arith.constant 0 : index
    %get3A_37 = arith.constant 0 : index
    %get3A_38 = vector.load %arg6[%get3A_36, %get3A_37] : memref<16x128xf32, #tpu.memory_space<vmem>>, vector<16x128xf32>
    %get3A_39 = arith.constant 0 : index
    %get3A_40 = arith.constant 0 : index
    %get3A_41 = vector.load %arg7[%get3A_39, %get3A_40] : memref<1x128xf32, #tpu.memory_space<vmem>>, vector<1x128xf32>
    %mul3A = vector.broadcast %get3A_41 : vector<1x128xf32> to vector<16x128xf32>
    %mul3A_42 = arith.mulf %get3A_38, %mul3A : vector<16x128xf32>
    %reduce_sum3A = arith.constant dense<0.000000e+00> : vector<16xf32>
    %reduce_sum3A_43 = vector.multi_reduction <add>, %mul3A_42, %reduce_sum3A [1] : vector<16x128xf32> to vector<16xf32>
    %broadcast_in_dim3A = vector.shape_cast %reduce_sum3A_43 : vector<16xf32> to vector<1x16xf32>
    %mul3A_44 = vector.broadcast %broadcast_in_dim3A : vector<1x16xf32> to vector<4096x16xf32>
    %mul3A_45 = arith.mulf %get3A_1, %mul3A_44 : vector<4096x16xf32>
    %reduce_sum3A_46 = arith.constant dense<0.000000e+00> : vector<4096xf32>
    %reduce_sum3A_47 = vector.multi_reduction <add>, %mul3A_45, %reduce_sum3A_46 [1] : vector<4096x16xf32> to vector<4096xf32>
    %get3A_48 = arith.constant 0 : index
    %get3A_49 = vector.load %arg8[%get3A_48] : memref<1xf32, #tpu.memory_space<vmem>>, vector<1xf32>
    %get3A_50 = vector.extract %get3A_49[0] : f32 from vector<1xf32>
    %add3A_51 = vector.broadcast %get3A_50 : f32 to vector<4096xf32>
    %add3A_52 = arith.addf %reduce_sum3A_47, %add3A_51 : vector<4096xf32>
    %gt3A = arith.constant 0.000000e+00 : f32
    %gt3A_53 = vector.broadcast %gt3A : f32 to vector<4096xf32>
    %gt3A_54 = arith.cmpf ogt, %add3A_52, %gt3A_53 : vector<4096xf32>
    %mul3A_55 = arith.constant 0.00999999977 : f32
    %mul3A_56 = vector.broadcast %mul3A_55 : f32 to vector<4096xf32>
    %mul3A_57 = arith.mulf %mul3A_56, %add3A_52 : vector<4096xf32>
    %select_n3A = arith.select %gt3A_54, %add3A_52, %mul3A_57 : vector<4096xi1>, vector<4096xf32>
    %swap3A_58 = arith.constant 0 : index
    %swap3A_59 = vector.load %arg9[%swap3A_58] : memref<4096xf32, #tpu.memory_space<vmem>>, vector<4096xf32>
    tpu.vector_store %arg9[%swap3A_58], %select_n3A {strides = array<i32>} : memref<4096xf32, #tpu.memory_space<vmem>>, vector<4096xf32>,
    return
  }
  func.func @transform_0(%arg0: i32) -> (i32, i32) {
    %mul3A = arith.constant 0 : i32
    %mul3A_0 = arith.muli %arg0, %mul3A : i32
    %c0_i32 = arith.constant 0 : i32
    return %arg0, %mul3A_0 : i32, i32
  }
  func.func @transform_1(%arg0: i32) -> (i32, i32) {
    %mul3A = arith.constant 0 : i32
    %mul3A_0 = arith.muli %arg0, %mul3A : i32
    %mul3A_1 = arith.constant 0 : i32
    %mul3A_2 = arith.muli %arg0, %mul3A_1 : i32
    %c0_i32 = arith.constant 0 : i32
    return %mul3A_0, %mul3A_2 : i32, i32
  }
  func.func @transform_2(%arg0: i32) -> (i32, i32) {
    %mul3A = arith.constant 0 : i32
    %mul3A_0 = arith.muli %arg0, %mul3A : i32
    %mul3A_1 = arith.constant 0 : i32
    %mul3A_2 = arith.muli %arg0, %mul3A_1 : i32
    %c0_i32 = arith.constant 0 : i32
    return %mul3A_0, %mul3A_2 : i32, i32
  }
  func.func @transform_3(%arg0: i32) -> (i32, i32) {
    %mul3A = arith.constant 0 : i32
    %mul3A_0 = arith.muli %arg0, %mul3A : i32
    %mul3A_1 = arith.constant 0 : i32
    %mul3A_2 = arith.muli %arg0, %mul3A_1 : i32
    %c0_i32 = arith.constant 0 : i32
    return %mul3A_0, %mul3A_2 : i32, i32
  }
  func.func @transform_4(%arg0: i32) -> (i32, i32) {
    %mul3A = arith.constant 0 : i32
    %mul3A_0 = arith.muli %arg0, %mul3A : i32
    %mul3A_1 = arith.constant 0 : i32
    %mul3A_2 = arith.muli %arg0, %mul3A_1 : i32
    %c0_i32 = arith.constant 0 : i32
    return %mul3A_0, %mul3A_2 : i32, i32
  }
  func.func @transform_5(%arg0: i32) -> (i32, i32) {
    %mul3A = arith.constant 0 : i32
    %mul3A_0 = arith.muli %arg0, %mul3A : i32
    %mul3A_1 = arith.constant 0 : i32
    %mul3A_2 = arith.muli %arg0, %mul3A_1 : i32
    %c0_i32 = arith.constant 0 : i32
    return %mul3A_0, %mul3A_2 : i32, i32
  }
  func.func @transform_6(%arg0: i32) -> (i32, i32) {
    %mul3A = arith.constant 0 : i32
    %mul3A_0 = arith.muli %arg0, %mul3A : i32
    %mul3A_1 = arith.constant 0 : i32
    %mul3A_2 = arith.muli %arg0, %mul3A_1 : i32
    %c0_i32 = arith.constant 0 : i32
    return %mul3A_0, %mul3A_2 : i32, i32
  }
  func.func @transform_7(%arg0: i32) -> i32 {
    %mul3A = arith.constant 0 : i32
    %mul3A_0 = arith.muli %arg0, %mul3A : i32
    %c0_i32 = arith.constant 0 : i32
    return %mul3A_0 : i32
  }
  func.func @transform_8(%arg0: i32) -> i32 {
    %c0_i32 = arith.constant 0 : i32
    return %arg0 : i32
  }
  func.func @transform_9(%arg0: i32) -> (i32, i32) {
    %mul3A = arith.constant 0 : i32
    %mul3A_0 = arith.muli %arg0, %mul3A : i32
    %c0_i32 = arith.constant 0 : i32
    return %arg0, %mul3A_0 : i32, i32
  }
  func.func @transform_10(%arg0: i32) -> (i32, i32) {
    %mul3A = arith.constant 0 : i32
    %mul3A_0 = arith.muli %arg0, %mul3A : i32
    %c0_i32 = arith.constant 0 : i32
    return %arg0, %mul3A_0 : i32, i32
  }
  func.func @transform_11(%arg0: i32) -> (i32, i32) {
    %mul3A = arith.constant 0 : i32
    %mul3A_0 = arith.muli %arg0, %mul3A : i32
    %c0_i32 = arith.constant 0 : i32
    return %arg0, %mul3A_0 : i32, i32
  }
  func.func @transform_12(%arg0: i32) -> (i32, i32) {
    %mul3A = arith.constant 0 : i32
    %mul3A_0 = arith.muli %arg0, %mul3A : i32
    %c0_i32 = arith.constant 0 : i32
    return %arg0, %mul3A_0 : i32, i32
  }
}

module attributes {stable_mosaic.version = 14 : i64} {
  func.func @_matmul_bias_kernel(%arg0: i32, %arg1: memref<2000x128xf32, #tpu.memory_space<vmem>>, %arg2: memref<128x32xf32, #tpu.memory_space<vmem>>, %arg3: memref<1x32xf32, #tpu.memory_space<vmem>>, %arg4: memref<2000x32xf32, #tpu.memory_space<vmem>>) attributes {dimension_semantics = [#tpu.dimension_semantics<arbitrary>], iteration_bounds = array<i64: 5>, scalar_prefetch = 0 : i64, scratch_operands = 0 : i64, tpu.core_type = #tpu.core_type<tc>, window_params = [{transform_indices = @transform_0, window_bounds = array<i64: 2000, 128>}, {transform_indices = @transform_1, window_bounds = array<i64: 128, 32>}, {transform_indices = @transform_2, window_bounds = array<i64: 1, 32>}, {transform_indices = @transform_3, window_bounds = array<i64: 2000, 32>}]} {
    %get3A = arith.constant 0 : index
    %get3A_0 = arith.constant 0 : index
    %get3A_1 = vector.load %arg1[%get3A, %get3A_0] : memref<2000x128xf32, #tpu.memory_space<vmem>>, vector<2000x128xf32>
    %get3A_2 = arith.constant 0 : index
    %get3A_3 = arith.constant 0 : index
    %get3A_4 = vector.load %arg2[%get3A_2, %get3A_3] : memref<128x32xf32, #tpu.memory_space<vmem>>, vector<128x32xf32>
    %dot_general3A = arith.constant dense<0.000000e+00> : vector<2000x32xf32>
    %dot_general3A_5 = tpu.matmul %get3A_1, %get3A_4, %dot_general3A {dimension_numbers = #tpu.dot_dimension_numbers<[1], [0], [0], [1], [0, 0, 1, 1], [], []>, transpose_lhs_hint = false} : vector<2000x128xf32>, vector<128x32xf32>, vector<2000x32xf32> -> vector<2000x32xf32>
    %get3A_6 = arith.constant 0 : index
    %get3A_7 = arith.constant 0 : index
    %get3A_8 = vector.load %arg3[%get3A_6, %get3A_7] : memref<1x32xf32, #tpu.memory_space<vmem>>, vector<1x32xf32>
    %add3A = vector.broadcast %get3A_8 : vector<1x32xf32> to vector<2000x32xf32>
    %add3A_9 = arith.addf %dot_general3A_5, %add3A : vector<2000x32xf32>
    %swap3A = arith.constant 0 : index
    %swap3A_10 = arith.constant 0 : index
    %swap3A_11 = vector.load %arg4[%swap3A, %swap3A_10] : memref<2000x32xf32, #tpu.memory_space<vmem>>, vector<2000x32xf32>
    tpu.vector_store %arg4[%swap3A, %swap3A_10], %add3A_9 {strides = array<i32>} : memref<2000x32xf32, #tpu.memory_space<vmem>>, vector<2000x32xf32>,
    return
  }
  func.func @transform_0(%arg0: i32) -> (i32, i32) {
    %mul3A = arith.constant 0 : i32
    %mul3A_0 = arith.muli %arg0, %mul3A : i32
    %c0_i32 = arith.constant 0 : i32
    return %arg0, %mul3A_0 : i32, i32
  }
  func.func @transform_1(%arg0: i32) -> (i32, i32) {
    %mul3A = arith.constant 0 : i32
    %mul3A_0 = arith.muli %arg0, %mul3A : i32
    %mul3A_1 = arith.constant 0 : i32
    %mul3A_2 = arith.muli %arg0, %mul3A_1 : i32
    %c0_i32 = arith.constant 0 : i32
    return %mul3A_0, %mul3A_2 : i32, i32
  }
  func.func @transform_2(%arg0: i32) -> (i32, i32) {
    %mul3A = arith.constant 0 : i32
    %mul3A_0 = arith.muli %arg0, %mul3A : i32
    %mul3A_1 = arith.constant 0 : i32
    %mul3A_2 = arith.muli %arg0, %mul3A_1 : i32
    %c0_i32 = arith.constant 0 : i32
    return %mul3A_0, %mul3A_2 : i32, i32
  }
  func.func @transform_3(%arg0: i32) -> (i32, i32) {
    %mul3A = arith.constant 0 : i32
    %mul3A_0 = arith.muli %arg0, %mul3A : i32
    %c0_i32 = arith.constant 0 : i32
    return %arg0, %mul3A_0 : i32, i32
  }
}

module attributes {stable_mosaic.version = 14 : i64} {
  func.func @_final_kernel(%arg0: i32, %arg1: memref<2000x128xf32, #tpu.memory_space<vmem>>, %arg2: memref<1x1x2000x32xf32, #tpu.memory_space<vmem>>, %arg3: memref<1x1x2000x32xf32, #tpu.memory_space<vmem>>, %arg4: memref<1x1x2000x32xf32, #tpu.memory_space<vmem>>, %arg5: memref<1x1x2000x32xf32, #tpu.memory_space<vmem>>, %arg6: memref<1x1x2000x32xf32, #tpu.memory_space<vmem>>, %arg7: memref<1x1x2000x32xf32, #tpu.memory_space<vmem>>, %arg8: memref<1x1x2000x32xf32, #tpu.memory_space<vmem>>, %arg9: memref<1x1x2000x32xf32, #tpu.memory_space<vmem>>, %arg10: memref<32x128xf32, #tpu.memory_space<vmem>>, %arg11: memref<32x128xf32, #tpu.memory_space<vmem>>, %arg12: memref<32x128xf32, #tpu.memory_space<vmem>>, %arg13: memref<32x128xf32, #tpu.memory_space<vmem>>, %arg14: memref<128x128xf32, #tpu.memory_space<vmem>>, %arg15: memref<1x128xf32, #tpu.memory_space<vmem>>, %arg16: memref<2000x128xf32, #tpu.memory_space<vmem>>) attributes {dimension_semantics = [#tpu.dimension_semantics<arbitrary>], iteration_bounds = array<i64: 5>, scalar_prefetch = 0 : i64, scratch_operands = 0 : i64, tpu.core_type = #tpu.core_type<tc>, window_params = [{transform_indices = @transform_0, window_bounds = array<i64: 2000, 128>}, {transform_indices = @transform_1, window_bounds = array<i64: 1, 1, 2000, 32>}, {transform_indices = @transform_2, window_bounds = array<i64: 1, 1, 2000, 32>}, {transform_indices = @transform_3, window_bounds = array<i64: 1, 1, 2000, 32>}, {transform_indices = @transform_4, window_bounds = array<i64: 1, 1, 2000, 32>}, {transform_indices = @transform_5, window_bounds = array<i64: 1, 1, 2000, 32>}, {transform_indices = @transform_6, window_bounds = array<i64: 1, 1, 2000, 32>}, {transform_indices = @transform_7, window_bounds = array<i64: 1, 1, 2000, 32>}, {transform_indices = @transform_8, window_bounds = array<i64: 1, 1, 2000, 32>}, {transform_indices = @transform_9, window_bounds = array<i64: 32, 128>}, {transform_indices = @transform_10, window_bounds = array<i64: 32, 128>}, {transform_indices = @transform_11, window_bounds = array<i64: 32, 128>}, {transform_indices = @transform_12, window_bounds = array<i64: 32, 128>}, {transform_indices = @transform_13, window_bounds = array<i64: 128, 128>}, {transform_indices = @transform_14, window_bounds = array<i64: 1, 128>}, {transform_indices = @transform_15, window_bounds = array<i64: 2000, 128>}]} {
    %get3A = arith.constant 0 : index
    %get3A_0 = arith.constant 0 : index
    %get3A_1 = vector.load %arg1[%get3A, %get3A_0] : memref<2000x128xf32, #tpu.memory_space<vmem>>, vector<2000x128xf32>
    %get3A_2 = arith.constant 0 : index
    %get3A_3 = arith.constant 0 : index
    %get3A_4 = vector.load %arg14[%get3A_2, %get3A_3] : memref<128x128xf32, #tpu.memory_space<vmem>>, vector<128x128xf32>
    %dot_general3A = arith.constant dense<0.000000e+00> : vector<2000x128xf32>
    %dot_general3A_5 = tpu.matmul %get3A_1, %get3A_4, %dot_general3A {dimension_numbers = #tpu.dot_dimension_numbers<[1], [0], [0], [1], [0, 0, 1, 1], [], []>, transpose_lhs_hint = false} : vector<2000x128xf32>, vector<128x128xf32>, vector<2000x128xf32> -> vector<2000x128xf32>
    %get3A_6 = arith.constant 0 : index
    %get3A_7 = arith.constant 0 : index
    %get3A_8 = arith.constant 0 : index
    %get3A_9 = arith.constant 0 : index
    %get3A_10 = vector.load %arg2[%get3A_6, %get3A_7, %get3A_8, %get3A_9] : memref<1x1x2000x32xf32, #tpu.memory_space<vmem>>, vector<1x1x2000x32xf32>
    %get3A_11 = vector.shape_cast %get3A_10 : vector<1x1x2000x32xf32> to vector<2000x32xf32>
    %get3A_12 = arith.constant 0 : index
    %get3A_13 = arith.constant 0 : index
    %get3A_14 = arith.constant 0 : index
    %get3A_15 = arith.constant 0 : index
    %get3A_16 = vector.load %arg6[%get3A_12, %get3A_13, %get3A_14, %get3A_15] : memref<1x1x2000x32xf32, #tpu.memory_space<vmem>>, vector<1x1x2000x32xf32>
    %get3A_17 = vector.shape_cast %get3A_16 : vector<1x1x2000x32xf32> to vector<2000x32xf32>
    %add3A = arith.addf %get3A_11, %get3A_17 : vector<2000x32xf32>
    %get3A_18 = arith.constant 0 : index
    %get3A_19 = arith.constant 0 : index
    %get3A_20 = vector.load %arg10[%get3A_18, %get3A_19] : memref<32x128xf32, #tpu.memory_space<vmem>>, vector<32x128xf32>
    %dot_general3A_21 = arith.constant dense<0.000000e+00> : vector<2000x128xf32>
    %dot_general3A_22 = tpu.matmul %add3A, %get3A_20, %dot_general3A_21 {dimension_numbers = #tpu.dot_dimension_numbers<[1], [0], [0], [1], [0, 0, 1, 1], [], []>, transpose_lhs_hint = false} : vector<2000x32xf32>, vector<32x128xf32>, vector<2000x128xf32> -> vector<2000x128xf32>
    %add3A_23 = arith.addf %dot_general3A_5, %dot_general3A_22 : vector<2000x128xf32>
    %get3A_24 = arith.constant 0 : index
    %get3A_25 = arith.constant 0 : index
    %get3A_26 = arith.constant 0 : index
    %get3A_27 = arith.constant 0 : index
    %get3A_28 = vector.load %arg3[%get3A_24, %get3A_25, %get3A_26, %get3A_27] : memref<1x1x2000x32xf32, #tpu.memory_space<vmem>>, vector<1x1x2000x32xf32>
    %get3A_29 = vector.shape_cast %get3A_28 : vector<1x1x2000x32xf32> to vector<2000x32xf32>
    %get3A_30 = arith.constant 0 : index
    %get3A_31 = arith.constant 0 : index
    %get3A_32 = arith.constant 0 : index
    %get3A_33 = arith.constant 0 : index
    %get3A_34 = vector.load %arg7[%get3A_30, %get3A_31, %get3A_32, %get3A_33] : memref<1x1x2000x32xf32, #tpu.memory_space<vmem>>, vector<1x1x2000x32xf32>
    %get3A_35 = vector.shape_cast %get3A_34 : vector<1x1x2000x32xf32> to vector<2000x32xf32>
    %add3A_36 = arith.addf %get3A_29, %get3A_35 : vector<2000x32xf32>
    %get3A_37 = arith.constant 0 : index
    %get3A_38 = arith.constant 0 : index
    %get3A_39 = vector.load %arg11[%get3A_37, %get3A_38] : memref<32x128xf32, #tpu.memory_space<vmem>>, vector<32x128xf32>
    %dot_general3A_40 = arith.constant dense<0.000000e+00> : vector<2000x128xf32>
    %dot_general3A_41 = tpu.matmul %add3A_36, %get3A_39, %dot_general3A_40 {dimension_numbers = #tpu.dot_dimension_numbers<[1], [0], [0], [1], [0, 0, 1, 1], [], []>, transpose_lhs_hint = false} : vector<2000x32xf32>, vector<32x128xf32>, vector<2000x128xf32> -> vector<2000x128xf32>
    %add3A_42 = arith.addf %add3A_23, %dot_general3A_41 : vector<2000x128xf32>
    %get3A_43 = arith.constant 0 : index
    %get3A_44 = arith.constant 0 : index
    %get3A_45 = arith.constant 0 : index
    %get3A_46 = arith.constant 0 : index
    %get3A_47 = vector.load %arg4[%get3A_43, %get3A_44, %get3A_45, %get3A_46] : memref<1x1x2000x32xf32, #tpu.memory_space<vmem>>, vector<1x1x2000x32xf32>
    %get3A_48 = vector.shape_cast %get3A_47 : vector<1x1x2000x32xf32> to vector<2000x32xf32>
    %get3A_49 = arith.constant 0 : index
    %get3A_50 = arith.constant 0 : index
    %get3A_51 = arith.constant 0 : index
    %get3A_52 = arith.constant 0 : index
    %get3A_53 = vector.load %arg8[%get3A_49, %get3A_50, %get3A_51, %get3A_52] : memref<1x1x2000x32xf32, #tpu.memory_space<vmem>>, vector<1x1x2000x32xf32>
    %get3A_54 = vector.shape_cast %get3A_53 : vector<1x1x2000x32xf32> to vector<2000x32xf32>
    %add3A_55 = arith.addf %get3A_48, %get3A_54 : vector<2000x32xf32>
    %get3A_56 = arith.constant 0 : index
    %get3A_57 = arith.constant 0 : index
    %get3A_58 = vector.load %arg12[%get3A_56, %get3A_57] : memref<32x128xf32, #tpu.memory_space<vmem>>, vector<32x128xf32>
    %dot_general3A_59 = arith.constant dense<0.000000e+00> : vector<2000x128xf32>
    %dot_general3A_60 = tpu.matmul %add3A_55, %get3A_58, %dot_general3A_59 {dimension_numbers = #tpu.dot_dimension_numbers<[1], [0], [0], [1], [0, 0, 1, 1], [], []>, transpose_lhs_hint = false} : vector<2000x32xf32>, vector<32x128xf32>, vector<2000x128xf32> -> vector<2000x128xf32>
    %add3A_61 = arith.addf %add3A_42, %dot_general3A_60 : vector<2000x128xf32>
    %get3A_62 = arith.constant 0 : index
    %get3A_63 = arith.constant 0 : index
    %get3A_64 = arith.constant 0 : index
    %get3A_65 = arith.constant 0 : index
    %get3A_66 = vector.load %arg5[%get3A_62, %get3A_63, %get3A_64, %get3A_65] : memref<1x1x2000x32xf32, #tpu.memory_space<vmem>>, vector<1x1x2000x32xf32>
    %get3A_67 = vector.shape_cast %get3A_66 : vector<1x1x2000x32xf32> to vector<2000x32xf32>
    %get3A_68 = arith.constant 0 : index
    %get3A_69 = arith.constant 0 : index
    %get3A_70 = arith.constant 0 : index
    %get3A_71 = arith.constant 0 : index
    %get3A_72 = vector.load %arg9[%get3A_68, %get3A_69, %get3A_70, %get3A_71] : memref<1x1x2000x32xf32, #tpu.memory_space<vmem>>, vector<1x1x2000x32xf32>
    %get3A_73 = vector.shape_cast %get3A_72 : vector<1x1x2000x32xf32> to vector<2000x32xf32>
    %add3A_74 = arith.addf %get3A_67, %get3A_73 : vector<2000x32xf32>
    %get3A_75 = arith.constant 0 : index
    %get3A_76 = arith.constant 0 : index
    %get3A_77 = vector.load %arg13[%get3A_75, %get3A_76] : memref<32x128xf32, #tpu.memory_space<vmem>>, vector<32x128xf32>
    %dot_general3A_78 = arith.constant dense<0.000000e+00> : vector<2000x128xf32>
    %dot_general3A_79 = tpu.matmul %add3A_74, %get3A_77, %dot_general3A_78 {dimension_numbers = #tpu.dot_dimension_numbers<[1], [0], [0], [1], [0, 0, 1, 1], [], []>, transpose_lhs_hint = false} : vector<2000x32xf32>, vector<32x128xf32>, vector<2000x128xf32> -> vector<2000x128xf32>
    %add3A_80 = arith.addf %add3A_61, %dot_general3A_79 : vector<2000x128xf32>
    %get3A_81 = arith.constant 0 : index
    %get3A_82 = arith.constant 0 : index
    %get3A_83 = vector.load %arg15[%get3A_81, %get3A_82] : memref<1x128xf32, #tpu.memory_space<vmem>>, vector<1x128xf32>
    %add3A_84 = vector.broadcast %get3A_83 : vector<1x128xf32> to vector<2000x128xf32>
    %add3A_85 = arith.addf %add3A_80, %add3A_84 : vector<2000x128xf32>
    %max3A = arith.constant 0.000000e+00 : f32
    %max3A_86 = vector.broadcast %max3A : f32 to vector<2000x128xf32>
    %max3A_87 = arith.maximumf %add3A_85, %max3A_86 : vector<2000x128xf32>
    %swap3A = arith.constant 0 : index
    %swap3A_88 = arith.constant 0 : index
    %swap3A_89 = vector.load %arg16[%swap3A, %swap3A_88] : memref<2000x128xf32, #tpu.memory_space<vmem>>, vector<2000x128xf32>
    tpu.vector_store %arg16[%swap3A, %swap3A_88], %max3A_87 {strides = array<i32>} : memref<2000x128xf32, #tpu.memory_space<vmem>>, vector<2000x128xf32>,
    return
  }
  func.func @transform_0(%arg0: i32) -> (i32, i32) {
    %mul3A = arith.constant 0 : i32
    %mul3A_0 = arith.muli %arg0, %mul3A : i32
    %c0_i32 = arith.constant 0 : i32
    return %arg0, %mul3A_0 : i32, i32
  }
  func.func @transform_1(%arg0: i32) -> (i32, i32, i32, i32) {
    %mul3A = arith.constant 0 : i32
    %mul3A_0 = arith.muli %arg0, %mul3A : i32
    %add3A = arith.constant 0 : i32
    %add3A_1 = arith.addi %add3A, %mul3A_0 : i32
    %mul3A_2 = arith.constant 0 : i32
    %mul3A_3 = arith.muli %arg0, %mul3A_2 : i32
    %add3A_4 = arith.constant 0 : i32
    %add3A_5 = arith.addi %add3A_4, %mul3A_3 : i32
    %mul3A_6 = arith.constant 0 : i32
    %mul3A_7 = arith.muli %arg0, %mul3A_6 : i32
    %c0_i32 = arith.constant 0 : i32
    return %add3A_1, %add3A_5, %arg0, %mul3A_7 : i32, i32, i32, i32
  }
  func.func @transform_2(%arg0: i32) -> (i32, i32, i32, i32) {
    %mul3A = arith.constant 0 : i32
    %mul3A_0 = arith.muli %arg0, %mul3A : i32
    %add3A = arith.constant 0 : i32
    %add3A_1 = arith.addi %add3A, %mul3A_0 : i32
    %mul3A_2 = arith.constant 0 : i32
    %mul3A_3 = arith.muli %arg0, %mul3A_2 : i32
    %add3A_4 = arith.constant 1 : i32
    %add3A_5 = arith.addi %add3A_4, %mul3A_3 : i32
    %mul3A_6 = arith.constant 0 : i32
    %mul3A_7 = arith.muli %arg0, %mul3A_6 : i32
    %c0_i32 = arith.constant 0 : i32
    return %add3A_1, %add3A_5, %arg0, %mul3A_7 : i32, i32, i32, i32
  }
  func.func @transform_3(%arg0: i32) -> (i32, i32, i32, i32) {
    %mul3A = arith.constant 0 : i32
    %mul3A_0 = arith.muli %arg0, %mul3A : i32
    %add3A = arith.constant 0 : i32
    %add3A_1 = arith.addi %add3A, %mul3A_0 : i32
    %mul3A_2 = arith.constant 0 : i32
    %mul3A_3 = arith.muli %arg0, %mul3A_2 : i32
    %add3A_4 = arith.constant 2 : i32
    %add3A_5 = arith.addi %add3A_4, %mul3A_3 : i32
    %mul3A_6 = arith.constant 0 : i32
    %mul3A_7 = arith.muli %arg0, %mul3A_6 : i32
    %c0_i32 = arith.constant 0 : i32
    return %add3A_1, %add3A_5, %arg0, %mul3A_7 : i32, i32, i32, i32
  }
  func.func @transform_4(%arg0: i32) -> (i32, i32, i32, i32) {
    %mul3A = arith.constant 0 : i32
    %mul3A_0 = arith.muli %arg0, %mul3A : i32
    %add3A = arith.constant 0 : i32
    %add3A_1 = arith.addi %add3A, %mul3A_0 : i32
    %mul3A_2 = arith.constant 0 : i32
    %mul3A_3 = arith.muli %arg0, %mul3A_2 : i32
    %add3A_4 = arith.constant 3 : i32
    %add3A_5 = arith.addi %add3A_4, %mul3A_3 : i32
    %mul3A_6 = arith.constant 0 : i32
    %mul3A_7 = arith.muli %arg0, %mul3A_6 : i32
    %c0_i32 = arith.constant 0 : i32
    return %add3A_1, %add3A_5, %arg0, %mul3A_7 : i32, i32, i32, i32
  }
  func.func @transform_5(%arg0: i32) -> (i32, i32, i32, i32) {
    %mul3A = arith.constant 0 : i32
    %mul3A_0 = arith.muli %arg0, %mul3A : i32
    %add3A = arith.constant 1 : i32
    %add3A_1 = arith.addi %add3A, %mul3A_0 : i32
    %mul3A_2 = arith.constant 0 : i32
    %mul3A_3 = arith.muli %arg0, %mul3A_2 : i32
    %add3A_4 = arith.constant 0 : i32
    %add3A_5 = arith.addi %add3A_4, %mul3A_3 : i32
    %mul3A_6 = arith.constant 0 : i32
    %mul3A_7 = arith.muli %arg0, %mul3A_6 : i32
    %c0_i32 = arith.constant 0 : i32
    return %add3A_1, %add3A_5, %arg0, %mul3A_7 : i32, i32, i32, i32
  }
  func.func @transform_6(%arg0: i32) -> (i32, i32, i32, i32) {
    %mul3A = arith.constant 0 : i32
    %mul3A_0 = arith.muli %arg0, %mul3A : i32
    %add3A = arith.constant 1 : i32
    %add3A_1 = arith.addi %add3A, %mul3A_0 : i32
    %mul3A_2 = arith.constant 0 : i32
    %mul3A_3 = arith.muli %arg0, %mul3A_2 : i32
    %add3A_4 = arith.constant 1 : i32
    %add3A_5 = arith.addi %add3A_4, %mul3A_3 : i32
    %mul3A_6 = arith.constant 0 : i32
    %mul3A_7 = arith.muli %arg0, %mul3A_6 : i32
    %c0_i32 = arith.constant 0 : i32
    return %add3A_1, %add3A_5, %arg0, %mul3A_7 : i32, i32, i32, i32
  }
  func.func @transform_7(%arg0: i32) -> (i32, i32, i32, i32) {
    %mul3A = arith.constant 0 : i32
    %mul3A_0 = arith.muli %arg0, %mul3A : i32
    %add3A = arith.constant 1 : i32
    %add3A_1 = arith.addi %add3A, %mul3A_0 : i32
    %mul3A_2 = arith.constant 0 : i32
    %mul3A_3 = arith.muli %arg0, %mul3A_2 : i32
    %add3A_4 = arith.constant 2 : i32
    %add3A_5 = arith.addi %add3A_4, %mul3A_3 : i32
    %mul3A_6 = arith.constant 0 : i32
    %mul3A_7 = arith.muli %arg0, %mul3A_6 : i32
    %c0_i32 = arith.constant 0 : i32
    return %add3A_1, %add3A_5, %arg0, %mul3A_7 : i32, i32, i32, i32
  }
  func.func @transform_8(%arg0: i32) -> (i32, i32, i32, i32) {
    %mul3A = arith.constant 0 : i32
    %mul3A_0 = arith.muli %arg0, %mul3A : i32
    %add3A = arith.constant 1 : i32
    %add3A_1 = arith.addi %add3A, %mul3A_0 : i32
    %mul3A_2 = arith.constant 0 : i32
    %mul3A_3 = arith.muli %arg0, %mul3A_2 : i32
    %add3A_4 = arith.constant 3 : i32
    %add3A_5 = arith.addi %add3A_4, %mul3A_3 : i32
    %mul3A_6 = arith.constant 0 : i32
    %mul3A_7 = arith.muli %arg0, %mul3A_6 : i32
    %c0_i32 = arith.constant 0 : i32
    return %add3A_1, %add3A_5, %arg0, %mul3A_7 : i32, i32, i32, i32
  }
  func.func @transform_9(%arg0: i32) -> (i32, i32) {
    %mul3A = arith.constant 0 : i32
    %mul3A_0 = arith.muli %arg0, %mul3A : i32
    %mul3A_1 = arith.constant 0 : i32
    %mul3A_2 = arith.muli %arg0, %mul3A_1 : i32
    %c0_i32 = arith.constant 0 : i32
    return %mul3A_0, %mul3A_2 : i32, i32
  }
  func.func @transform_10(%arg0: i32) -> (i32, i32) {
    %mul3A = arith.constant 0 : i32
    %mul3A_0 = arith.muli %arg0, %mul3A : i32
    %mul3A_1 = arith.constant 0 : i32
    %mul3A_2 = arith.muli %arg0, %mul3A_1 : i32
    %c0_i32 = arith.constant 0 : i32
    return %mul3A_0, %mul3A_2 : i32, i32
  }
  func.func @transform_11(%arg0: i32) -> (i32, i32) {
    %mul3A = arith.constant 0 : i32
    %mul3A_0 = arith.muli %arg0, %mul3A : i32
    %mul3A_1 = arith.constant 0 : i32
    %mul3A_2 = arith.muli %arg0, %mul3A_1 : i32
    %c0_i32 = arith.constant 0 : i32
    return %mul3A_0, %mul3A_2 : i32, i32
  }
  func.func @transform_12(%arg0: i32) -> (i32, i32) {
    %mul3A = arith.constant 0 : i32
    %mul3A_0 = arith.muli %arg0, %mul3A : i32
    %mul3A_1 = arith.constant 0 : i32
    %mul3A_2 = arith.muli %arg0, %mul3A_1 : i32
    %c0_i32 = arith.constant 0 : i32
    return %mul3A_0, %mul3A_2 : i32, i32
  }
  func.func @transform_13(%arg0: i32) -> (i32, i32) {
    %mul3A = arith.constant 0 : i32
    %mul3A_0 = arith.muli %arg0, %mul3A : i32
    %mul3A_1 = arith.constant 0 : i32
    %mul3A_2 = arith.muli %arg0, %mul3A_1 : i32
    %c0_i32 = arith.constant 0 : i32
    return %mul3A_0, %mul3A_2 : i32, i32
  }
  func.func @transform_14(%arg0: i32) -> (i32, i32) {
    %mul3A = arith.constant 0 : i32
    %mul3A_0 = arith.muli %arg0, %mul3A : i32
    %mul3A_1 = arith.constant 0 : i32
    %mul3A_2 = arith.muli %arg0, %mul3A_1 : i32
    %c0_i32 = arith.constant 0 : i32
    return %mul3A_0, %mul3A_2 : i32, i32
  }
  func.func @transform_15(%arg0: i32) -> (i32, i32) {
    %mul3A = arith.constant 0 : i32
    %mul3A_0 = arith.muli %arg0, %mul3A : i32
    %c0_i32 = arith.constant 0 : i32
    return %arg0, %mul3A_0 : i32, i32
  }
}

</mosaic_0001>

<sc_bundles>
// kernel: kernel.10.cloned.1.call-start
scs
__scs_entry_jumppad:
0x0: {  	(pc) =	sbr.rel $0x88, $3  }
0x1: {  	(tag) =	ssettag $0x0;
	lr =	simm.s32 $0x1  }
0x2: {  	[smem:$0x3F95] =	sst lr;
	_ =	strace $0xD0000000  }
0x3: {  	_ = 	snop  }
0x4: {  	_ = 	snop  }
0x5: {  	_ = 	snop  }
0x6: {  	_ = 	snop  }
0x7: {  	_ = 	snop  }
__scs_overlays_trampoline_lowered:
0x8: {  	[smem:$0x3FA4] =	sst s0  }
0x9: {  	[smem:$0x3FA5] =	sst s1  }
0xa: {  	[smem:$0x3FA6] =	sst s2  }
0xb: {  	[smem:$0x3FA7] =	sst s3  }
0xc: {  	[smem:$0x3FA8] =	sst s4  }
0xd: {  	[smem:$0x3FA9] =	sst s5  }
0xe: {  	[smem:$0x3FAA] =	sst s6  }
0xf: {  	[smem:$0x3FAB] =	sst s7  }
0x10: {  	[smem:$0x3FAC] =	sst s8  }
0x11: {  	[smem:$0x3FAD] =	sst s9;
	s0 =	simm.s32 @!p0 $0x0  }
0x12: {  	s1 =	sld [smem:$0x3F93];
	s0 =	simm.s32 @p0 $0x1  }
0x13: {  	[smem:$0x3FAE] =	sst s0;
	s0 =	simm.s32 @!p1 $0x0  }
0x14: {  	s2 =	sld [smem:$0x3F92];
	s0 =	simm.s32 @p1 $0x1  }
0x15: {  	[smem:$0x3FAF] =	sst s0;
	s0 =	simm.s32 @!p2 $0x0  }
0x16: {  	s3 =	sld [smem:$0x3FDB];
	s0 =	simm.s32 @p2 $0x1  }
0x17: {  	s4 =	simm.s32 $0x1BF5;
	[smem:$0x3FB1] =	sst s0  }
0x18: {  	s0 =	sld [smem:$0x3F94];
	_ =	swait.ge [sflag:s4], $0x0  }
0x19: {  	s7 =	sld [smem:$0x3F95]  }
0x1a: {  	s8 =	sadd.s32 $0xFFFFE003, lr  }
0x1b: {  	s9 =	sadd.s32 $0xFFFFFEF7, lr;
	s5 =	simm.s32 $0xFFFFFFFF;
	p2 =	slt.u32 s8, $0xFFFFF086  }
0x1c: {  	p1 =	slt.u32 s9, $0xF7A;
	s5 =	simm.s32 @!p2 $0x0  }
0x1d: {  	s5 =	simm.s32 @p1 $0x1;
	p0 =	seq.s32 s7, s2  }
0x1e: {  	s7 =	smul.u32 @!p0 $0xF7A, s2;
	p2 =	seq.s32 @!p0 s5, $0x0  }
0x1f: {  	s9 =	smul.u32 $0xF7A, s1;
	s8 =	simm.s32 @!p0 $0x1BF5;
	p2 =	por !p2, p0  }
0x20: {  	[sflag:s8] =	ssyncset.s32 @!p0 $0xFFFFF086;
	s6 =	sadd.s32 @!p0 s3, s7;
	s7 =	simm.s32 @!p0 $0x108  }
0x21: {  	s3 =	sadd.s32 s3, s9;
	s6 =	sadd.s32 @!p0 $0x88, s6;
	s7 =	simm.s32 @p2 $0x1082  }
0x22: {  	[simem:s7], [sflag:s8] =	dma.local @!p0 [hbm:s6], $0xF7A  }
0x23: {  	s9 =	sor.u32 $0xD0000000, s2;
	s6 =	simm.s32 $0x108;
	_ =	swait.ge @!p0 [sflag:s8], $0x0  }
0x24: {  	s3 =	sadd.s32 $0x88, s3;
	s6 =	simm.s32 @!p1 $0x1082;
	[sflag:s4] =	ssyncset.s32 $0xFFFFF086  }
0x25: {  	[simem:s6], [sflag:s4] =	dma.local [hbm:s3], $0xF7A  }
0x26: {  	[smem:$0x3F95] =	sst s1;
	(tag) =	ssettag s2;
	_ =	strace s9  }
0x27: {  	s1 =	sld [smem:$0x3FA5]  }
0x28: {  	s2 =	sld [smem:$0x3FA6]  }
0x29: {  	s4 =	sld [smem:$0x3FA8]  }
0x2a: {  	p0 =	seq.s32 s5, $0x0;
	s5 =	sld [smem:$0x3FA9]  }
0x2b: {  	s6 =	sld [smem:$0x3FAA]  }
0x2c: {  	s7 =	sld [smem:$0x3FAB]  }
0x2d: {  	s3 =	simm.s32 $0x108;
	s8 =	sld [smem:$0x3FAC]  }
0x2e: {  	s3 =	simm.s32 @!p0 $0x1082;
	s9 =	sld [smem:$0x3FAD]  }
0x2f: {  	lr =	sadd.s32 s0, s3;
	s0 =	sld [smem:$0x3FA4]  }
0x30: {  	s3 =	sld [smem:$0x3FA7]  }
0x31: {  	[smem:$0x3FB0] =	sst s10  }
0x32: {  	s10 =	sld [smem:$0x3FAE];
	_ =	sdelay $0x3  }
0x33: {  	p0 =	seq.s32 s10, $0x1;
	s10 =	sld [smem:$0x3FB0];
	_ =	sdelay $0x3  }
0x34: {  	[smem:$0x3FB0] =	sst s10  }
0x35: {  	s10 =	sld [smem:$0x3FAF];
	_ =	sdelay $0x3  }
0x36: {  	p1 =	seq.s32 s10, $0x1;
	s10 =	sld [smem:$0x3FB0];
	_ =	sdelay $0x3  }
0x37: {  	[smem:$0x3FB0] =	sst s10  }
0x38: {  	s10 =	sld [smem:$0x3FB1]  }
0x39: {  	_ = 	snop;
	(pc) =	sbr.ind lr, $3  }
0x3a: {  	_ = 	snop  }
0x3b: {  	_ = 	snop  }
0x3c: {  	p2 =	seq.s32 s10, $0x1;
	s10 =	sld [smem:$0x3FB0]  }
0x3d: {  	_ =	shalt  }
0x3e: {  	_ =	shalt  }
0x3f: {  	_ =	shalt  }
0x40: {  	_ =	shalt  }
0x41: {  	_ =	shalt  }
0x42: {  	_ =	shalt  }
0x43: {  	_ =	shalt  }
0x44: {  	_ =	shalt  }
0x45: {  	_ =	shalt  }
0x46: {  	_ =	shalt  }
0x47: {  	_ =	shalt  }
0x48: {  	_ =	shalt  }
0x49: {  	_ =	shalt  }
0x4a: {  	_ =	shalt  }
0x4b: {  	_ =	shalt  }
0x4c: {  	_ =	shalt  }
0x4d: {  	_ =	shalt  }
0x4e: {  	_ =	shalt  }
0x4f: {  	_ =	shalt  }
0x50: {  	_ =	shalt  }
0x51: {  	_ =	shalt  }
0x52: {  	_ =	shalt  }
0x53: {  	_ =	shalt  }
0x54: {  	_ =	shalt  }
0x55: {  	_ =	shalt  }
0x56: {  	_ =	shalt  }
0x57: {  	_ =	shalt  }
0x58: {  	_ =	shalt  }
0x59: {  	_ =	shalt  }
0x5a: {  	_ =	shalt  }
0x5b: {  	_ =	shalt  }
0x5c: {  	_ =	shalt  }
0x5d: {  	_ =	shalt  }
0x5e: {  	_ =	shalt  }
0x5f: {  	_ =	shalt  }
0x60: {  	_ =	shalt  }
0x61: {  	_ =	shalt  }
0x62: {  	_ =	shalt  }
0x63: {  	_ =	shalt  }
0x64: {  	_ =	shalt  }
0x65: {  	_ =	shalt  }
0x66: {  	_ =	shalt  }
0x67: {  	_ =	shalt  }
0x68: {  	_ =	shalt  }
0x69: {  	_ =	shalt  }
0x6a: {  	_ =	shalt  }
0x6b: {  	_ =	shalt  }
0x6c: {  	_ =	shalt  }
0x6d: {  	_ =	shalt  }
0x6e: {  	_ =	shalt  }
0x6f: {  	_ =	shalt  }
0x70: {  	_ =	shalt  }
0x71: {  	_ =	shalt  }
0x72: {  	_ =	shalt  }
0x73: {  	_ =	shalt  }
0x74: {  	_ =	shalt  }
0x75: {  	_ =	shalt  }
0x76: {  	_ =	shalt  }
0x77: {  	_ =	shalt  }
0x78: {  	_ =	shalt  }
0x79: {  	_ =	shalt  }
0x7a: {  	_ =	shalt  }
0x7b: {  	_ =	shalt  }
0x7c: {  	_ =	shalt  }
0x7d: {  	_ =	shalt  }
0x7e: {  	_ =	shalt  }
0x7f: {  	_ =	shalt  }
0x80: {  	_ =	shalt  }
0x81: {  	_ =	shalt  }
0x82: {  	_ =	shalt  }
0x83: {  	_ =	shalt  }
0x84: {  	_ =	shalt  }
0x85: {  	_ =	shalt  }
0x86: {  	_ =	shalt  }
0x87: {  	_ =	shalt  }
.Lfunc_end0:
.L_simem_size_0:
called_computation_lowered:
.L_overlay_start_0:
0x88: {  	s2 =	sld [smem:$0x3FD9]  }
0x89: {  	s3 =	sld [smem:$0x3FFE];
	_ =	sdelay $0x1  }
0x8a: {  	s1 =	srdreg.scid  }
0x8b: {  	s0 =	sand.u32 $0x1, s1  }
0x8c: {  	s17 =	sshll.u32 s0, $0xA;
	s2 =	sadd.s32 s3, s2  }
0x8d: {  	s2 =	sadd.s32 s2, s17  }
0x8e: {  	[smem:$0x3FBC] =	sst s2  }
0x8f: {  	_ = 	snop  }
0x90: {  	s2 =	sld [smem:$0x3FD0];
	(tm) =	ssettm $0x1  }
0x91: {  	s18 =	sld [smem:$0x3FFB];
	_ =	sdelay $0x3  }
0x92: {  	_ =	strace s18  }
0x93: {  	s3 =	sld [smem:$0x3FFC];
	_ =	sdelay $0x3  }
0x94: {  	_ =	strace s3  }
0x95: {  	s3 =	sld [smem:$0x3FFD];
	_ =	sdelay $0x3  }
0x96: {  	_ =	strace s3  }
0x97: {  	_ =	strace $0x8FFFFFFF  }
0x98: {  	s19 =	sld [smem:$0x3FDB];
	_ =	sdelay $0x1  }
0x99: {  	s4 =	simm.s32 $_scs_section_size  }
0x9a: {  	s5 =	simm.s32 $_size__tile_overlayer_lowered;
	s6 =	simm.s32 $_tile_overlayer_lowered  }
0x9b: {  	s22 =	simm.s32 $0x1BFF;
	s21 =	sshll.u32 s6, $0x1;
	s3 =	sadd.s32 s4, s19  }
0x9c: {  	s7 =	simm.s32 $0x0;
	s20 =	sshll.u32 s5, $0x1;
	s5 =	sadd.s32 s21, s3  }
0x9d: {  	[timem:s7], [sflag:s22] =	dma.local [hbm:s5], s20  }
0x9e: {  	_ =	swait.ge [sflag:s22], s20  }
0x9f: {  	s4 =	ssub.s32 $0x0, s20;
	[sflag:s22] =	ssyncset.done $0x0  }
0xa0: {  	[sflag:s22] =	ssyncadd.s32 s4;
	_ =	sdelay $0x1  }
0xa1: {  	s23 =	simm.s32 $0x1B8B  }
0xa2: {  	_ =	swait.ge [sflag:s23], $0x1  }
0xa3: {  	[sflag:s23] =	ssyncset.done $0x0  }
0xa4: {  	s25 =	simm.s32 $0x1B8E;
	s24 =	sld [smem:$0x3FFE];
	[sflag:s23] =	ssyncadd.s32 $0xFFFFFFFF  }
0xa5: {  	s26 =	simm.s32 $execute0_lowered;
	[smem:$0x3FD2] =	sst s25  }
0xa6: {  	s5 =	sshll.u32 s26, $0x1;
	_ =	strace $0x80000046;
	[dreg:$0x1] =	wrdreg $0xFFFFFFFF  }
0xa7: {  	s28 =	simm.s32 $_size_execute0_lowered;
	s3 =	sadd.s32 s3, s5;
	[dreg:$0x0] =	wrdreg $0x0  }
0xa8: {  	s5 =	sshll.u32 s28, $0x1;
	[dreg:$0x2] =	wrdreg s3  }
0xa9: {  	[dreg:$0x3] =	wrdreg s5  }
0xaa: {  	[dreg:$0x4] =	wrdreg $0xC0  }
0xab: {  	_ =	task [dreg:s7], $0x5FFFF  }
0xac: {  	[dreg:$0x1] =	wrdreg $0xFFFFFFFF  }
0xad: {  	[dreg:$0x0] =	wrdreg $0x60  }
0xae: {  	[dreg:$0x2] =	wrdreg s2  }
0xaf: {  	[dreg:$0x3] =	wrdreg s24  }
0xb0: {  	[dreg:$0x4] =	wrdreg $0x1C3100  }
0xb1: {  	[dreg:$0x5] =	wrdreg $0x1BE100  }
0xb2: {  	[dreg:$0x6] =	wrdreg $0x1C0900  }
0xb3: {  	[dreg:$0x7] =	wrdreg $0x9  }
0xb4: {  	_ =	task.clear_ibuf [dreg:s7], $0x8FFFF;
	_ =	strace $0x90000046  }
0xb5: {  	s29 =	simm.s32 $0x9;
	_ =	strace $0x80000048  }
0xb6: {  	_ =	swait.ge [sflag:s29], $0x1  }
0xb7: {  	[sflag:s29] =	ssyncadd.s32 $0xFFFFFFFF  }
0xb8: {  	_ =	strace $0x90000048  }
0xb9: {  	_ =	sfence  }
0xba: {  	s30 =	sld [smem:$0x0];
	_ =	sdelay $0x2  }
0xbb: {  	s31 =	sshll.u32 s1, $0xD;
	s1 =	sshrl.u32 s1, $0x2  }
0xbc: {  	s3 =	sand.u32 $0x4000, s31;
	s1 =	sadd.s32 s1, s30  }
0xbd: {  	s0 =	sor.u32 s3, s0;
	s1 =	sshll.u32 s1, $0x11  }
0xbe: {  	s0 =	sor.u32 s1, s0  }
0xbf: {  	s0 =	sadd.s32 $0x8F2B, s0  }
0xc0: {  	[sflag:s0] =	ssyncadd.remote.s32 $0x1  }
0xc1: {  	_ =	sfence.sel $0xFFFF  }
0xc2: {  	[dreg:$0x0] =	wrdreg $0xFFFFFFFF;
	(pc) =	sbr.abs _section_cstart, $3  }
0xc3: {  	[dreg:$0x1] =	wrdreg $0xFFFFFFFF  }
0xc4: {  	_ =	task.clear_ibuf [dreg:s7], $0x2FFFF;
	_ =	strace $0x9FFFFFFF  }
0xc5: {  	(tm) =	ssettm $0x7FFFFFFF  }
tec
execute0_lowered:
.L_overlay_start_1:
0x0: {  	(tag) =	ssettag $0x1  }
0x1: {  	s6 =	rddreg [dreg:$0x0]  }
0x2: {  	s7 =	rddreg [dreg:$0x1]  }
0x3: {  	s1 =	rddreg [dreg:$0x2]  }
0x4: {  	s2 =	rddreg [dreg:$0x3]  }
0x5: {  	s3 =	rddreg [dreg:$0x4]  }
0x6: {  	s0 =	rddreg [dreg:$0x5];
	s4 =	stileid.u32  }
0x7: {  	s8 =	srdreg.scid;
	s5 =	simm.s32 $0x0;
	s14 =	simm.s32 $0x1BD10  }
0x8: {  	s15 =	simm.s32 $0xF000;
	s16 =	simm.s32 $0x11800;
	s10 =	smul.u32 $0xA00, s4  }
0x9: {  	s17 =	sand.u32 $0x1, s8;
	[smem:$0x7FF] =	sst s5;
	s29 =	smul.u32 $0x50, s4  }
0xa: {  	s30 =	sshll.u32 s4, $0x4;
	p0 =	sne.s32 s4, $0x0;
	s31 =	sshrl.u32 s10, $0x2  }
0xb: {  	s9 =	ssub.s32 $0x2, s17;
	_ =	strace $0x80000047;
	s18 =	sor.u32 $0x14000, s31  }
0xc: {  	s8 =	sadd.s32 s30, s1;
	p1 =	sne.s32 s17, $0x0;
	s17 =	simm.s32 $0x0;
	v1 =	vmov s18  }
0xd: {  	s11 =	sshrl.u32 s9, $0x1;
	s12 =	sadd.s32 s10, s7;
	s13 =	sadd.s32 s29, s7  }
0xe: {  	s6 =	sadd.s32 s6, s10;
	s11 =	ssub.s32 s9, s11;
	s7 =	sadd.s32 $0x2000, s12  }
0xf: {  	v0 =	vimm.f32 $0.0e+00;
	s9 =	sadd.s32 $0xC000, s13;
	s19 =	sadd.s32 $0x16800, s31;
	s12 =	simm.s32 $0x5000  }
0x10: {  	vm0 =	vmmov $0x1;
	vm1 =	vcmask $0x308;
	s13 =	simm.s32 $0x1BD00;
	s10 =	smax.u32 s11, $0x1;
	s11 =	simm.s32 $0x1;
	v2 =	vmov s19  }
.LBB2_1:
0x11: {  	[tilespmem:s5], [sflag:$0x1] =	stream.linear.gather [hbm4b:s6+s5], $0x5000, $0x38;
	[tilespmem:$0x1C320] =	vst v63  }
0x12: {  	_ =	swait.ge [sflag:s11], $0x5000  }
0x13: {  	[sflag:s11] =	ssyncset.done $0x0  }
0x14: {  	[sflag:s11] =	ssyncadd.s32 $0xFFFFB000  }
0x15: {  	[tilespmem:s12], [sflag:$0x1] =	stream.linear.gather [hbm4b:s7+s5], $0x5000, $0x38;
	[tilespmem:$0x1C320] =	vst v63  }
0x16: {  	_ =	swait.ge [sflag:s11], $0x5000  }
0x17: {  	[sflag:s11] =	ssyncset.done $0x0  }
0x18: {  	s18 =	simm.s32 $0x40;
	s19 =	simm.s32 $0x0;
	[sflag:s11] =	ssyncadd.s32 $0xFFFFB000  }
.LBB2_2:
0x19: {  	p2 =	sne.s32 s18, $0x9FC0;
	[tilespmem:s19+$0x19000] =	vst v0;
	s19 =	smov.u32 s18;
	s18 =	sadd.s32 $0x40, s18  }
.Ltmp0:
0x1a: {  	(pc) =	sbr.rel @p2 .LBB2_2-.Ltmp0, $2  }
0x1b: {  	_ =	sdelay $0x2  }
0x1c: {  	s19 =	sshra.s32 s19, $0x2  }
0x1d: {  	[tilespmem:s19+$0x19000] =	vst v0;
	s19 =	simm.s32 $0x0  }
0x1e: {  	v3 =	vld [tilespmem:s19+$0x5000];
	_ =	sdelay $0x4  }
0x1f: {  	v4 =	vshrl.u32 v3, $0x4  }
0x20: {  	s18 =	simm.s32 $0x0;
	s21 =	simm.s32 $0x10;
	s20 =	simm.s32 $0x80;
	v3 =	vand.u32 $0xF, v3;
	[tilespmem:s19+$0x5000] =	vst v4  }
.LBB2_4:
0x21: {  	p2 =	sne.s32 s20, $0x13FC0;
	v4 =	vld [tilespmem:s21+$0x5000];
	[tilespmem:s19+$0xA000] =	vst v3;
	s19 =	smov.u32 s21;
	_ =	sdelay $0x1  }
.Ltmp1:
0x22: {  	(pc) =	sbr.rel @p2 .LBB2_4-.Ltmp1, $3  }
0x23: {  	_ =	sdelay $0x1  }
0x24: {  	v5 =	vshrl.u32 v4, $0x4;
	v3 =	vand.u32 $0xF, v4  }
0x25: {  	s21 =	sshra.s32 s20, $0x2;
	s20 =	sadd.s32 $0x40, s20;
	[tilespmem:s19+$0x5000] =	vst v5  }
0x26: {  	v4 =	vld [tilespmem:s21+$0x5000];
	_ =	sdelay $0x4  }
0x27: {  	[tilespmem:s19+$0xA000] =	vst v3;
	v3 =	vshrl.u32 v4, $0x4  }
0x28: {  	v4 =	vand.u32 $0xF, v4;
	[tilespmem:s21+$0x5000] =	vst v3  }
0x29: {  	[tilespmem:s21+$0xA000] =	vst v4;
	v3 =	vlaneseq.u32  }
.LBB2_6:
0x2a: {  	p2 =	sne.s32 s18, $0x9C0  }
.Ltmp2:
0x2b: {  	_ = 	snop;
	(pc) =	sbr.rel @p2 .LBB2_6-.Ltmp2, $3  }
0x2c: {  	_ =	sdelay $0x1  }
0x2d: {  	s19 =	sshra.s32 s18, $0x2  }
0x2e: {  	s18 =	sadd.s32 $0x40, s18;
	[tilespmem:s19+$0x1B800] =	vst v3;
	v3 =	vadd.s32 $0x10, v3  }
0x2f: {  	s19 =	simm.s32 $0x0  }
0x30: {  	v3 =	vimm.f32 $+Inf;
	v4 =	vimm.f32 $-Inf;
	s18 =	simm.s32 $0x40;
	v5 =	vld [tilespmem:s19+$0x0]  }
.LBB2_8:
0x31: {  	p2 =	sne.s32 s18, $0x13FC0  }
.Ltmp3:
0x32: {  	_ = 	snop;
	(pc) =	sbr.rel @p2 .LBB2_8-.Ltmp3, $3  }
0x33: {  	_ =	sdelay $0x1  }
0x34: {  	s19 =	sshra.s32 s18, $0x2;
	s18 =	sadd.s32 $0x40, s18;
	v3 =	vmin.f32 v3, v5;
	v4 =	vmax.f32 v4, v5  }
0x35: {  	v5 =	vld [tilespmem:s19+$0x0]  }
0x36: {  	_ =	sdelay $0x3  }
0x37: {  	v3 =	vmin.f32 v3, v5  }
0x38: {  	v4 =	vmax.f32 v4, v5;
	(xrf0) =	vmin.scan.msk.f32 $0xffff, v3  }
0x39: {  	(xrf0) =	vmax.scan.msk.f32 $0xffff, v4;
	_ =	sdelay $0x4  }
0x3a: {  	v3, _, _ =	vpop (xrf0)  }
0x3b: {  	v4, _, _ =	vpop (xrf0)  }
0x3c: {  	(v2sf) =	vpush v4, $0xF;
	_ =	sdelay $0xe  }
0x3d: {  	s18 =	spop (v2sf)  }
0x3e: {  	v3 =	vbroadcast v3, $0xF;
	s18 =	ssub.f32 $0.0e+00, s18;
	_ =	sdelay $0x1  }
0x3f: {  	v3 =	vnsel vm0, s18, v3  }
0x40: {  	[tilespmem:$0x1BD00] =	vst v3  }
0x41: {  	[spmem:s8] =	stream.linear.scatter [tilespmem:s13], [sflag:$0x1], $0x10, $0x38;
	[tilespmem:$0x1C320] =	vst v63  }
0x42: {  	_ =	swait.ge [sflag:s11], $0x10  }
0x43: {  	[sflag:s11] =	ssyncset.done $0x0  }
0x44: {  	[sflag:s11] =	ssyncadd.s32 $0xFFFFFFF0  }
0x45: {  	[bflag:$0x0] =	sbarrier.arrive $0xFFFF  }
0x46: {  	[tilespmem:s14], [sflag:$0x1] =	stream.linear.gather [spmem:s1], $0x100, $0x38;
	[tilespmem:$0x1C320] =	vst v63  }
0x47: {  	_ =	swait.ge [sflag:s11], $0x100  }
0x48: {  	[sflag:s11] =	ssyncset.done $0x0  }
0x49: {  	[sflag:s11] =	ssyncadd.s32 $0xFFFFFF00  }
0x4a: {  	v3 =	vld [tilespmem:$0x1BD10]  }
0x4b: {  	v4 =	vld [tilespmem:$0x1BD20]  }
0x4c: {  	v5 =	vld [tilespmem:$0x1BD30]  }
0x4d: {  	v6 =	vld [tilespmem:$0x1BD40]  }
0x4e: {  	v7 =	vld [tilespmem:$0x1BD50]  }
0x4f: {  	v8 =	vld [tilespmem:$0x1BD60]  }
0x50: {  	v3 =	vmin.f32 v3, v4;
	v4 =	vld [tilespmem:$0x1BD70]  }
0x51: {  	v3 =	vmin.f32 v3, v5;
	v5 =	vld [tilespmem:$0x1BD80]  }
0x52: {  	v3 =	vmin.f32 v3, v6;
	v6 =	vld [tilespmem:$0x1BD90]  }
0x53: {  	v3 =	vmin.f32 v3, v7;
	v7 =	vld [tilespmem:$0x1BDA0]  }
0x54: {  	v62 =	vld [tilespmem:$0x1BDB0];
	v3 =	vmin.f32 v3, v8  }
0x55: {  	v3 =	vmin.f32 v3, v4;
	v4 =	vld [tilespmem:$0x1BDC0]  }
0x56: {  	v3 =	vmin.f32 v3, v5;
	v5 =	vld [tilespmem:$0x1BDD0]  }
0x57: {  	v3 =	vmin.f32 v3, v6;
	v6 =	vld [tilespmem:$0x1BDE0]  }
0x58: {  	v3 =	vmin.f32 v3, v7;
	v7 =	vld [tilespmem:$0x1BDF0]  }
0x59: {  	v63 =	vld [tilespmem:$0x1BE00];
	v3 =	vmin.f32 v3, v62  }
0x5a: {  	v3 =	vmin.f32 v3, v4  }
0x5b: {  	v3 =	vmin.f32 v3, v5  }
0x5c: {  	v3 =	vmin.f32 v3, v6  }
0x5d: {  	v3 =	vmin.f32 v3, v7  }
0x5e: {  	v3 =	vmin.f32 v3, v63  }
0x5f: {  	v4 =	vnsel vm0, $0x7F800000, v3  }
0x60: {  	v3 =	vsel vm1, $0x7F800000, v3;
	(xrf0) =	vmin.scan.msk.f32 $0xffff, v4  }
0x61: {  	(xrf0) =	vmin.scan.msk.f32 $0xffff, v3;
	_ =	sdelay $0x4  }
0x62: {  	v3, _, _ =	vpop (xrf0)  }
0x63: {  	(v2sf) =	vpush v3, $0xF;
	v3, _, _ =	vpop (xrf0)  }
0x64: {  	(v2sf) =	vpush v3, $0xF;
	_ =	sdelay $0xd  }
0x65: {  	s31 =	spop (v2sf)  }
0x66: {  	s19 =	spop (v2sf);
	s18 =	sadd.f32 $-1.000000000e+00, s31  }
0x67: {  	s19 =	ssub.f32 $0.0e+00, s19;
	_ =	sdelay $0x1  }
0x68: {  	s20 =	sadd.f32 s19, s18;
	_ =	sdelay $0x1  }
0x69: {  	s20 =	smul.f32 $5.000000000e-01, s20;
	_ =	sdelay $0x1  }
0x6a: {  	v3 =	vmov s18;
	v4 =	vmov s19;
	s19 =	simm.s32 $0x40;
	s18 =	simm.s32 $0x0;
	v5 =	vmov s20  }
.LBB2_10:
0x6b: {  	p2 =	sne.s32 s19, $0x9FC0;
	[tilespmem:s18+$0x11800] =	vst v0;
	s20 =	smov.u32 s19;
	s19 =	sadd.s32 $0x40, s19  }
.Ltmp4:
0x6c: {  	[tilespmem:s18+$0xF000] =	vst v5;
	(pc) =	sbr.rel @p2 .LBB2_10-.Ltmp4, $3  }
0x6d: {  	[tilespmem:s18+$0x14000] =	vst v3  }
0x6e: {  	[tilespmem:s18+$0x16800] =	vst v4;
	_ =	sdelay $0x1  }
0x6f: {  	s18 =	sshra.s32 s20, $0x2  }
0x70: {  	[tilespmem:s18+$0x11800] =	vst v0  }
0x71: {  	[tilespmem:s18+$0xF000] =	vst v5  }
0x72: {  	[tilespmem:s18+$0x14000] =	vst v3  }
0x73: {  	[tilespmem:s18+$0x16800] =	vst v4;
	s18 =	simm.s32 @!p0 $0x19000  }
0x74: {  	[spmem:s2] =	stream.linear.scatter @!p0 [tilespmem:s18], [sflag:$0x1], $0x2800, $0x38;
	[tilespmem:$0x1C320] =	vst v63  }
0x75: {  	s18 =	simm.s32 @!p0 $0x1  }
0x76: {  	_ =	swait.ge @!p0 [sflag:s18], $0x2800  }
0x77: {  	[sflag:s18] =	ssyncset.done @!p0 $0x0  }
0x78: {  	[sflag:s18] =	ssyncadd.s32 @!p0 $0xFFFFD800;
	s18 =	simm.s32 $0x0  }
.LBB2_12:
0x79: {  	s20 =	simm.s32 $0x0  }
0x7a: {  	s19 =	simm.s32 $0x40;
	v3 =	vld [tilespmem:s20+$0x5000]  }
.LBB2_13:
0x7b: {  	p2 =	sne.s32 s19, $0x13FC0;
	v4 =	vld [tilespmem:s20+$0xA000];
	_ =	sdelay $0x4  }
0x7c: {  	v3 =	vshll.u32 v3, $0x4;
	v5 =	vand.u32 $0xFFFFFFF8, v4  }
0x7d: {  	v4 =	vand.u32 $0x7, v4;
	v3 =	vadd.s32 v3, v5  }
0x7e: {  	v3 =	vor.u32 v4, v3;
	_ =	sdelay $0x4  }
0x7f: {  	v4 =	vld.idx.msk [tilespmem:v3+s15+$0x0], $0xffff  }
0x80: {  	v5 =	vld [tilespmem:s20+$0x0];
	_ =	sdelay $0x4  }
.Ltmp5:
0x81: {  	v4 =	vsub.f32 v5, v4;
	(pc) =	sbr.rel @p2 .LBB2_13-.Ltmp5, $4  }
0x82: {  	_ = 	snop  }
0x83: {  	v4 =	vmax.f32 v4, $0.0e+00  }
0x84: {  	s20 =	sshra.s32 s19, $0x2;
	[tilespmem:v3+s16+$0x0] =	vst.idx.add.f32.msk $0xffff, v4  }
0x85: {  	s19 =	sadd.s32 $0x40, s19;
	v3 =	vld [tilespmem:s20+$0x5000]  }
0x86: {  	v4 =	vld [tilespmem:s20+$0xA000];
	_ =	sdelay $0x4  }
0x87: {  	v3 =	vshll.u32 v3, $0x4;
	v5 =	vand.u32 $0xFFFFFFF8, v4  }
0x88: {  	v4 =	vand.u32 $0x7, v4;
	v3 =	vadd.s32 v3, v5  }
0x89: {  	v3 =	vor.u32 v4, v3;
	_ =	sdelay $0x3  }
0x8a: {  	v5 =	vld [tilespmem:s20+$0x0]  }
0x8b: {  	v4 =	vld.idx.msk [tilespmem:v3+s15+$0x0], $0xffff;
	_ =	sdelay $0x4  }
0x8c: {  	v4 =	vsub.f32 v5, v4  }
0x8d: {  	s19 =	sand.u32 $0x1, s18  }
0x8e: {  	p2 =	seq.s32 s19, $0x1;
	v4 =	vmax.f32 v4, $0.0e+00  }
0x8f: {  	s21 =	simm.s32 @!p2 $0x1B800;
	[tilespmem:v3+s16+$0x0] =	vst.idx.add.f32.msk $0xffff, v4  }
0x90: {  	s22 =	simm.s32 @!p2 $0x11800;
	s20 =	simm.s32 @!p2 $0x280;
	[bflag:$0x0] =	sbarrier.arrive $0xFFFF  }
0x91: {  	[spmem:s2] =	stream.indirect.scatter.add.f32 @!p2 [tilespmem:s22], [sflag:$0x1], $0x10, s21, s20, $0xb8;
	[tilespmem:$0x1C320] =	vst v63  }
0x92: {  	s20 =	simm.s32 @!p2 $0x1  }
0x93: {  	p3 =	seq.s32 s19, $0x0;
	_ =	swait.ge @!p2 [sflag:s20], $0x2800  }
0x94: {  	s21 =	simm.s32 @!p3 $0x1B800;
	[sflag:s20] =	ssyncset.done @!p2 $0x0  }
0x95: {  	s22 =	simm.s32 @!p3 $0x11800;
	[sflag:s20] =	ssyncadd.s32 @!p2 $0xFFFFD800;
	s20 =	simm.s32 @!p3 $0x280  }
0x96: {  	[spmem:s3] =	stream.indirect.scatter.add.f32 @!p3 [tilespmem:s22], [sflag:$0x1], $0x10, s21, s20, $0xb8;
	[tilespmem:$0x1C320] =	vst v63  }
0x97: {  	s20 =	simm.s32 @!p3 $0x1  }
0x98: {  	_ =	swait.ge @!p3 [sflag:s20], $0x2800  }
0x99: {  	[sflag:s20] =	ssyncset.done @!p3 $0x0  }
0x9a: {  	[sflag:s20] =	ssyncadd.s32 @!p3 $0xFFFFD800;
	p3 =	sne.s32 s19, $0x0  }
0x9b: {  	[bflag:$0x0] =	sbarrier.arrive $0xFFFF;
	s20 =	simm.s32 @!p3 $0x11800  }
0x9c: {  	[tilespmem:s20], [sflag:$0x1] =	stream.linear.gather @!p3 [spmem:s2], $0x2800, $0x38;
	[tilespmem:$0x1C320] =	vst v63  }
0x9d: {  	s20 =	simm.s32 @!p3 $0x1  }
0x9e: {  	_ =	swait.ge @!p3 [sflag:s20], $0x2800  }
0x9f: {  	[sflag:s20] =	ssyncset.done @!p3 $0x0  }
0xa0: {  	[sflag:s20] =	ssyncadd.s32 @!p3 $0xFFFFD800;
	s20 =	simm.s32 @p2 $0x11800  }
0xa1: {  	[tilespmem:s20], [sflag:$0x1] =	stream.linear.gather @p2 [spmem:s3], $0x2800, $0x38;
	[tilespmem:$0x1C320] =	vst v63  }
0xa2: {  	s20 =	simm.s32 @p2 $0x1  }
0xa3: {  	s19 =	sor.u32 s4, s19;
	_ =	swait.ge @p2 [sflag:s20], $0x2800  }
0xa4: {  	p3 =	sne.s32 s19, $0x0;
	[sflag:s20] =	ssyncset.done @p2 $0x0  }
0xa5: {  	s19 =	simm.s32 @!p3 $0x19000;
	[sflag:s20] =	ssyncadd.s32 @p2 $0xFFFFD800  }
0xa6: {  	[spmem:s3] =	stream.linear.scatter @!p3 [tilespmem:s19], [sflag:$0x1], $0x2800, $0x38;
	[tilespmem:$0x1C320] =	vst v63  }
0xa7: {  	s19 =	simm.s32 @!p3 $0x1  }
0xa8: {  	p2 =	por !p2, !p2;
	_ =	swait.ge @!p3 [sflag:s19], $0x2800  }
0xa9: {  	p2 =	por p0, p2;
	[sflag:s19] =	ssyncset.done @!p3 $0x0  }
0xaa: {  	[sflag:s19] =	ssyncadd.s32 @!p3 $0xFFFFD800;
	s19 =	simm.s32 @!p2 $0x19000  }
0xab: {  	[spmem:s2] =	stream.linear.scatter @!p2 [tilespmem:s19], [sflag:$0x1], $0x2800, $0x38;
	[tilespmem:$0x1C320] =	vst v63  }
0xac: {  	s19 =	simm.s32 @!p2 $0x1  }
0xad: {  	_ =	swait.ge @!p2 [sflag:s19], $0x2800  }
0xae: {  	[sflag:s19] =	ssyncset.done @!p2 $0x0  }
0xaf: {  	[sflag:s19] =	ssyncadd.s32 @!p2 $0xFFFFD800;
	s19 =	simm.s32 $0x0  }
0xb0: {  	v3 =	vld [tilespmem:s19+$0x11800]  }
0xb1: {  	v4 =	vld [tilespmem:s19+$0x16800]  }
0xb2: {  	v5 =	vld [tilespmem:s19+$0x14000]  }
0xb3: {  	v6 =	vld [tilespmem:s19+$0xF000];
	_ =	sdelay $0x3  }
0xb4: {  	vm2 =	vge.f32 v3, $1.000000000e+00  }
0xb5: {  	[tilespmem:s19+$0x11800] =	vst v0;
	v3 =	vsel vm2, v6, v5;
	v4 =	vsel vm2, v4, v6  }
0xb6: {  	[tilespmem:s19+$0x14000] =	vst v3;
	v3 =	vadd.f32 v4, v3  }
0xb7: {  	s21 =	simm.s32 $0x80;
	s20 =	simm.s32 $0x10;
	[tilespmem:s19+$0x16800] =	vst v4  }
.LBB2_15:
0xb8: {  	p2 =	sne.s32 s21, $0x9FC0;
	v4 =	vld [tilespmem:s20+$0x11800];
	v3 =	vmul.f32 $5.000000000e-01, v3;
	s22 =	smov.u32 s21;
	s21 =	sadd.s32 $0x40, s21  }
0xb9: {  	v5 =	vld [tilespmem:s20+$0x16800];
	[tilespmem:s20+$0x11800] =	vst v0  }
0xba: {  	v6 =	vld [tilespmem:s20+$0x14000];
	[tilespmem:s19+$0xF000] =	vst v3;
	s19 =	smov.u32 s20  }
0xbb: {  	v3 =	vld [tilespmem:s19+$0xF000];
	_ =	sdelay $0x1  }
0xbc: {  	vm2 =	vge.f32 v4, $1.000000000e+00  }
.Ltmp6:
0xbd: {  	(pc) =	sbr.rel @p2 .LBB2_15-.Ltmp6, $4  }
0xbe: {  	_ = 	snop  }
0xbf: {  	v4 =	vsel vm2, v3, v6;
	v5 =	vsel vm2, v5, v3  }
0xc0: {  	[tilespmem:s19+$0x14000] =	vst v4;
	v3 =	vadd.f32 v5, v4  }
0xc1: {  	s20 =	sshra.s32 s22, $0x2;
	[tilespmem:s19+$0x16800] =	vst v5  }
0xc2: {  	v4 =	vld [tilespmem:s20+$0x11800];
	v3 =	vmul.f32 $5.000000000e-01, v3  }
0xc3: {  	v5 =	vld [tilespmem:s20+$0x16800];
	[tilespmem:s20+$0x11800] =	vst v0  }
0xc4: {  	v6 =	vld [tilespmem:s20+$0x14000];
	[tilespmem:s19+$0xF000] =	vst v3  }
0xc5: {  	v3 =	vld [tilespmem:s20+$0xF000];
	_ =	sdelay $0x3  }
0xc6: {  	s18 =	sadd.s32 $0x1, s18;
	vm2 =	vge.f32 v4, $1.000000000e+00  }
0xc7: {  	p2 =	sne.s32 s18, $0x12;
	v4 =	vsel vm2, v3, v6;
	v3 =	vsel vm2, v5, v3  }
.Ltmp7:
0xc8: {  	v5 =	vadd.f32 v3, v4;
	(pc) =	sbr.rel @p2 .LBB2_12-.Ltmp7, $4  }
0xc9: {  	_ = 	snop  }
0xca: {  	[tilespmem:s20+$0x14000] =	vst v4;
	v63 =	vmul.f32 $5.000000000e-01, v5  }
0xcb: {  	[tilespmem:s20+$0x16800] =	vst v3  }
0xcc: {  	[tilespmem:s20+$0xF000] =	vst v63  }
0xcd: {  	_ =	sdelay $0x2  }
0xce: {  	s18 =	simm.s32 $0x0  }
0xcf: {  	s19 =	simm.s32 $0x40;
	v3 =	vld.idx.msk [tilespmem:v2+s18+$0x0 ss:$0x1], $0xffff  }
.LBB2_18:
0xd0: {  	p2 =	sne.s32 s19, $0x9C0;
	v4 =	vld.idx.msk [tilespmem:v1+s18+$0x0 ss:$0x1], $0xffff;
	_ =	sdelay $0x5  }
0xd1: {  	v3 =	vadd.f32 v3, v4  }
.Ltmp8:
0xd2: {  	(pc) =	sbr.rel @p2 .LBB2_18-.Ltmp8, $3  }
0xd3: {  	v3 =	vmul.f32 $5.000000000e-01, v3;
	_ =	sdelay $0x1  }
0xd4: {  	[tilespmem:s18+$0x1BA80] =	vst v3;
	s18 =	sshra.s32 s19, $0x2  }
0xd5: {  	s19 =	sadd.s32 $0x40, s19;
	v3 =	vld.idx.msk [tilespmem:v2+s18+$0x0 ss:$0x1], $0xffff  }
0xd6: {  	_ =	sdelay $0x3  }
0xd7: {  	v4 =	vld.idx.msk [tilespmem:v1+s18+$0x0 ss:$0x1], $0xffff;
	_ =	sdelay $0x4  }
0xd8: {  	v3 =	vadd.f32 v3, v4;
	_ =	sdelay $0x1  }
0xd9: {  	v3 =	vmul.f32 $5.000000000e-01, v3  }
0xda: {  	s17 =	sadd.s32 $0x1, s17  }
0xdb: {  	s19 =	simm.s32 @!p1 $0x1BA80;
	p2 =	sne.s32 s17, s10;
	[tilespmem:s18+$0x1BA80] =	vst v3;
	s18 =	simm.s32 @!p1 $0x0  }
0xdc: {  	[hbm4b:s9+s18] =	stream.linear.scatter @!p1 [tilespmem:s19], [sflag:$0x1], $0x280, $0x38;
	[tilespmem:$0x1C320] =	vst v63  }
.Ltmp9:
0xdd: {  	_ = 	snop;
	(pc) =	sbr.rel @p2 .LBB2_1-.Ltmp9, $4  }
0xde: {  	s18 =	simm.s32 @!p1 $0x1  }
0xdf: {  	_ =	swait.ge @!p1 [sflag:s18], $0x280  }
0xe0: {  	[sflag:s18] =	ssyncset.done @!p1 $0x0  }
0xe1: {  	[sflag:s18] =	ssyncadd.s32 @!p1 $0xFFFFFD80  }
0xe2: {  	_ =	sfence.sel $0x180000  }
0xe3: {  	[bflag:$0x0] =	sbarrier.arrive $0xFFFF  }
0xe4: {  	_ =	strace $0x90000047  }
0xe5: {  	s0 =	sadd.s32 @!p0 $0x100000, s0;
	[bflag:$0x2] =	sbarrier.arrive $0xFFFF  }
0xe6: {  	[sflag:s0] =	ssyncadd.tile.s32 @!p0 $0x1;
	_ =	shalt  }
.Lfunc_end2:
_tile_overlayer_lowered:
.L_overlay_start_2:
0xe7: {  	(tag) =	ssettag $0x2  }
0xe8: {  	s0 =	rddreg [dreg:$0x0];
	s2 =	stileid.u32  }
0xe9: {  	s1 =	rddreg [dreg:$0x1];
	p0 =	sne.s32 s2, $0x0  }
0xea: {  	s3 =	rddreg [dreg:$0x2];
	[bflag:$0x3] =	sbarrier.arrive $0xFFFF;
	s2 =	simm.s32 @!p0 $0x1C01  }
0xeb: {  	[timem:s3], [sflag:s2] =	dma.local @!p0 [hbm:s0], s1  }
0xec: {  	s0 =	simm.s32 @!p0 $0x1  }
0xed: {  	_ =	swait.ge @!p0 [sflag:s0], s1  }
0xee: {  	s1 =	ssub.s32 @!p0 $0x0, s1;
	[sflag:s0] =	ssyncset.done @!p0 $0x0  }
0xef: {  	[sflag:s0] =	ssyncadd.s32 @!p0 s1  }
0xf0: {  	[bflag:$0x3] =	sbarrier.arrive $0xFFFF  }
0xf1: {  	_ =	shalt  }

// kernel: kernel.13.cloned.1.call-start
scs
__scs_entry_jumppad:
0x0: {  	(pc) =	sbr.rel $0x88, $3  }
0x1: {  	(tag) =	ssettag $0x0;
	lr =	simm.s32 $0x1  }
0x2: {  	[smem:$0x3F95] =	sst lr;
	_ =	strace $0xD0000000  }
0x3: {  	_ = 	snop  }
0x4: {  	_ = 	snop  }
0x5: {  	_ = 	snop  }
0x6: {  	_ = 	snop  }
0x7: {  	_ = 	snop  }
__scs_overlays_trampoline_lowered:
0x8: {  	[smem:$0x3FA4] =	sst s0  }
0x9: {  	[smem:$0x3FA5] =	sst s1  }
0xa: {  	[smem:$0x3FA6] =	sst s2  }
0xb: {  	[smem:$0x3FA7] =	sst s3  }
0xc: {  	[smem:$0x3FA8] =	sst s4  }
0xd: {  	[smem:$0x3FA9] =	sst s5  }
0xe: {  	[smem:$0x3FAA] =	sst s6  }
0xf: {  	[smem:$0x3FAB] =	sst s7  }
0x10: {  	[smem:$0x3FAC] =	sst s8  }
0x11: {  	[smem:$0x3FAD] =	sst s9;
	s0 =	simm.s32 @!p0 $0x0  }
0x12: {  	s1 =	sld [smem:$0x3F93];
	s0 =	simm.s32 @p0 $0x1  }
0x13: {  	[smem:$0x3FAE] =	sst s0;
	s0 =	simm.s32 @!p1 $0x0  }
0x14: {  	s2 =	sld [smem:$0x3F92];
	s0 =	simm.s32 @p1 $0x1  }
0x15: {  	[smem:$0x3FAF] =	sst s0;
	s0 =	simm.s32 @!p2 $0x0  }
0x16: {  	s3 =	sld [smem:$0x3FDB];
	s0 =	simm.s32 @p2 $0x1  }
0x17: {  	s4 =	simm.s32 $0x1BF5;
	[smem:$0x3FB1] =	sst s0  }
0x18: {  	s0 =	sld [smem:$0x3F94];
	_ =	swait.ge [sflag:s4], $0x0  }
0x19: {  	s7 =	sld [smem:$0x3F95]  }
0x1a: {  	s8 =	sadd.s32 $0xFFFFE003, lr  }
0x1b: {  	s9 =	sadd.s32 $0xFFFFFEF7, lr;
	s5 =	simm.s32 $0xFFFFFFFF;
	p2 =	slt.u32 s8, $0xFFFFF086  }
0x1c: {  	p1 =	slt.u32 s9, $0xF7A;
	s5 =	simm.s32 @!p2 $0x0  }
0x1d: {  	s5 =	simm.s32 @p1 $0x1;
	p0 =	seq.s32 s7, s2  }
0x1e: {  	s7 =	smul.u32 @!p0 $0xF7A, s2;
	p2 =	seq.s32 @!p0 s5, $0x0  }
0x1f: {  	s9 =	smul.u32 $0xF7A, s1;
	s8 =	simm.s32 @!p0 $0x1BF5;
	p2 =	por !p2, p0  }
0x20: {  	[sflag:s8] =	ssyncset.s32 @!p0 $0xFFFFF086;
	s6 =	sadd.s32 @!p0 s3, s7;
	s7 =	simm.s32 @!p0 $0x108  }
0x21: {  	s3 =	sadd.s32 s3, s9;
	s6 =	sadd.s32 @!p0 $0x88, s6;
	s7 =	simm.s32 @p2 $0x1082  }
0x22: {  	[simem:s7], [sflag:s8] =	dma.local @!p0 [hbm:s6], $0xF7A  }
0x23: {  	s9 =	sor.u32 $0xD0000000, s2;
	s6 =	simm.s32 $0x108;
	_ =	swait.ge @!p0 [sflag:s8], $0x0  }
0x24: {  	s3 =	sadd.s32 $0x88, s3;
	s6 =	simm.s32 @!p1 $0x1082;
	[sflag:s4] =	ssyncset.s32 $0xFFFFF086  }
0x25: {  	[simem:s6], [sflag:s4] =	dma.local [hbm:s3], $0xF7A  }
0x26: {  	[smem:$0x3F95] =	sst s1;
	(tag) =	ssettag s2;
	_ =	strace s9  }
0x27: {  	s1 =	sld [smem:$0x3FA5]  }
0x28: {  	s2 =	sld [smem:$0x3FA6]  }
0x29: {  	s4 =	sld [smem:$0x3FA8]  }
0x2a: {  	p0 =	seq.s32 s5, $0x0;
	s5 =	sld [smem:$0x3FA9]  }
0x2b: {  	s6 =	sld [smem:$0x3FAA]  }
0x2c: {  	s7 =	sld [smem:$0x3FAB]  }
0x2d: {  	s3 =	simm.s32 $0x108;
	s8 =	sld [smem:$0x3FAC]  }
0x2e: {  	s3 =	simm.s32 @!p0 $0x1082;
	s9 =	sld [smem:$0x3FAD]  }
0x2f: {  	lr =	sadd.s32 s0, s3;
	s0 =	sld [smem:$0x3FA4]  }
0x30: {  	s3 =	sld [smem:$0x3FA7]  }
0x31: {  	[smem:$0x3FB0] =	sst s10  }
0x32: {  	s10 =	sld [smem:$0x3FAE];
	_ =	sdelay $0x3  }
0x33: {  	p0 =	seq.s32 s10, $0x1;
	s10 =	sld [smem:$0x3FB0];
	_ =	sdelay $0x3  }
0x34: {  	[smem:$0x3FB0] =	sst s10  }
0x35: {  	s10 =	sld [smem:$0x3FAF];
	_ =	sdelay $0x3  }
0x36: {  	p1 =	seq.s32 s10, $0x1;
	s10 =	sld [smem:$0x3FB0];
	_ =	sdelay $0x3  }
0x37: {  	[smem:$0x3FB0] =	sst s10  }
0x38: {  	s10 =	sld [smem:$0x3FB1]  }
0x39: {  	_ = 	snop;
	(pc) =	sbr.ind lr, $3  }
0x3a: {  	_ = 	snop  }
0x3b: {  	_ = 	snop  }
0x3c: {  	p2 =	seq.s32 s10, $0x1;
	s10 =	sld [smem:$0x3FB0]  }
0x3d: {  	_ =	shalt  }
0x3e: {  	_ =	shalt  }
0x3f: {  	_ =	shalt  }
0x40: {  	_ =	shalt  }
0x41: {  	_ =	shalt  }
0x42: {  	_ =	shalt  }
0x43: {  	_ =	shalt  }
0x44: {  	_ =	shalt  }
0x45: {  	_ =	shalt  }
0x46: {  	_ =	shalt  }
0x47: {  	_ =	shalt  }
0x48: {  	_ =	shalt  }
0x49: {  	_ =	shalt  }
0x4a: {  	_ =	shalt  }
0x4b: {  	_ =	shalt  }
0x4c: {  	_ =	shalt  }
0x4d: {  	_ =	shalt  }
0x4e: {  	_ =	shalt  }
0x4f: {  	_ =	shalt  }
0x50: {  	_ =	shalt  }
0x51: {  	_ =	shalt  }
0x52: {  	_ =	shalt  }
0x53: {  	_ =	shalt  }
0x54: {  	_ =	shalt  }
0x55: {  	_ =	shalt  }
0x56: {  	_ =	shalt  }
0x57: {  	_ =	shalt  }
0x58: {  	_ =	shalt  }
0x59: {  	_ =	shalt  }
0x5a: {  	_ =	shalt  }
0x5b: {  	_ =	shalt  }
0x5c: {  	_ =	shalt  }
0x5d: {  	_ =	shalt  }
0x5e: {  	_ =	shalt  }
0x5f: {  	_ =	shalt  }
0x60: {  	_ =	shalt  }
0x61: {  	_ =	shalt  }
0x62: {  	_ =	shalt  }
0x63: {  	_ =	shalt  }
0x64: {  	_ =	shalt  }
0x65: {  	_ =	shalt  }
0x66: {  	_ =	shalt  }
0x67: {  	_ =	shalt  }
0x68: {  	_ =	shalt  }
0x69: {  	_ =	shalt  }
0x6a: {  	_ =	shalt  }
0x6b: {  	_ =	shalt  }
0x6c: {  	_ =	shalt  }
0x6d: {  	_ =	shalt  }
0x6e: {  	_ =	shalt  }
0x6f: {  	_ =	shalt  }
0x70: {  	_ =	shalt  }
0x71: {  	_ =	shalt  }
0x72: {  	_ =	shalt  }
0x73: {  	_ =	shalt  }
0x74: {  	_ =	shalt  }
0x75: {  	_ =	shalt  }
0x76: {  	_ =	shalt  }
0x77: {  	_ =	shalt  }
0x78: {  	_ =	shalt  }
0x79: {  	_ =	shalt  }
0x7a: {  	_ =	shalt  }
0x7b: {  	_ =	shalt  }
0x7c: {  	_ =	shalt  }
0x7d: {  	_ =	shalt  }
0x7e: {  	_ =	shalt  }
0x7f: {  	_ =	shalt  }
0x80: {  	_ =	shalt  }
0x81: {  	_ =	shalt  }
0x82: {  	_ =	shalt  }
0x83: {  	_ =	shalt  }
0x84: {  	_ =	shalt  }
0x85: {  	_ =	shalt  }
0x86: {  	_ =	shalt  }
0x87: {  	_ =	shalt  }
.Lfunc_end0:
.L_simem_size_0:
called_computation.1_lowered:
.L_overlay_start_0:
0x88: {  	s2 =	sld [smem:$0x3FD9]  }
0x89: {  	s3 =	sld [smem:$0x3FFE];
	_ =	sdelay $0x1  }
0x8a: {  	s1 =	srdreg.scid  }
0x8b: {  	s0 =	sand.u32 $0x1, s1  }
0x8c: {  	s17 =	sshll.u32 s0, $0xA;
	s2 =	sadd.s32 s3, s2  }
0x8d: {  	s2 =	sadd.s32 s2, s17  }
0x8e: {  	[smem:$0x3FBC] =	sst s2  }
0x8f: {  	_ = 	snop  }
0x90: {  	s2 =	sld [smem:$0x3FD0];
	(tm) =	ssettm $0x1  }
0x91: {  	s18 =	sld [smem:$0x3FFB];
	_ =	sdelay $0x3  }
0x92: {  	_ =	strace s18  }
0x93: {  	s3 =	sld [smem:$0x3FFC];
	_ =	sdelay $0x3  }
0x94: {  	_ =	strace s3  }
0x95: {  	s3 =	sld [smem:$0x3FFD];
	_ =	sdelay $0x3  }
0x96: {  	_ =	strace s3  }
0x97: {  	_ =	strace $0x8FFFFFFF  }
0x98: {  	s19 =	sld [smem:$0x3FDB];
	_ =	sdelay $0x1  }
0x99: {  	s4 =	simm.s32 $_scs_section_size  }
0x9a: {  	s5 =	simm.s32 $_size__tile_overlayer_lowered;
	s6 =	simm.s32 $_tile_overlayer_lowered  }
0x9b: {  	s22 =	simm.s32 $0x1BFF;
	s21 =	sshll.u32 s6, $0x1;
	s3 =	sadd.s32 s4, s19  }
0x9c: {  	s7 =	simm.s32 $0x0;
	s20 =	sshll.u32 s5, $0x1;
	s5 =	sadd.s32 s21, s3  }
0x9d: {  	[timem:s7], [sflag:s22] =	dma.local [hbm:s5], s20  }
0x9e: {  	_ =	swait.ge [sflag:s22], s20  }
0x9f: {  	s4 =	ssub.s32 $0x0, s20;
	[sflag:s22] =	ssyncset.done $0x0  }
0xa0: {  	[sflag:s22] =	ssyncadd.s32 s4;
	_ =	sdelay $0x1  }
0xa1: {  	s23 =	simm.s32 $0x1B8B  }
0xa2: {  	_ =	swait.ge [sflag:s23], $0x1  }
0xa3: {  	[sflag:s23] =	ssyncset.done $0x0  }
0xa4: {  	s25 =	simm.s32 $0x1B8E;
	s24 =	sld [smem:$0x3FFE];
	[sflag:s23] =	ssyncadd.s32 $0xFFFFFFFF  }
0xa5: {  	s26 =	simm.s32 $execute0_lowered;
	[smem:$0x3FD2] =	sst s25  }
0xa6: {  	s5 =	sshll.u32 s26, $0x1;
	_ =	strace $0x80000049;
	[dreg:$0x1] =	wrdreg $0xFFFFFFFF  }
0xa7: {  	s28 =	simm.s32 $_size_execute0_lowered;
	s3 =	sadd.s32 s3, s5;
	[dreg:$0x0] =	wrdreg $0x0  }
0xa8: {  	s5 =	sshll.u32 s28, $0x1;
	[dreg:$0x2] =	wrdreg s3  }
0xa9: {  	[dreg:$0x3] =	wrdreg s5  }
0xaa: {  	[dreg:$0x4] =	wrdreg $0xC0  }
0xab: {  	_ =	task [dreg:s7], $0x5FFFF  }
0xac: {  	[dreg:$0x1] =	wrdreg $0xFFFFFFFF  }
0xad: {  	[dreg:$0x0] =	wrdreg $0x60  }
0xae: {  	[dreg:$0x2] =	wrdreg s24  }
0xaf: {  	[dreg:$0x3] =	wrdreg s2  }
0xb0: {  	[dreg:$0x4] =	wrdreg $0x172C00  }
0xb1: {  	[dreg:$0x5] =	wrdreg $0x9  }
0xb2: {  	_ =	task.clear_ibuf [dreg:s7], $0x6FFFF;
	_ =	strace $0x90000049  }
0xb3: {  	s29 =	simm.s32 $0x9;
	_ =	strace $0x8000004B  }
0xb4: {  	_ =	swait.ge [sflag:s29], $0x1  }
0xb5: {  	[sflag:s29] =	ssyncadd.s32 $0xFFFFFFFF  }
0xb6: {  	_ =	strace $0x9000004B  }
0xb7: {  	_ =	sfence  }
0xb8: {  	s30 =	sld [smem:$0x0];
	_ =	sdelay $0x2  }
0xb9: {  	s31 =	sshll.u32 s1, $0xD;
	s1 =	sshrl.u32 s1, $0x2  }
0xba: {  	s3 =	sand.u32 $0x4000, s31;
	s1 =	sadd.s32 s1, s30  }
0xbb: {  	s0 =	sor.u32 s3, s0;
	s1 =	sshll.u32 s1, $0x11  }
0xbc: {  	s0 =	sor.u32 s1, s0  }
0xbd: {  	s0 =	sadd.s32 $0x8F2B, s0  }
0xbe: {  	[sflag:s0] =	ssyncadd.remote.s32 $0x1  }
0xbf: {  	_ =	sfence.sel $0xFFFF  }
0xc0: {  	[dreg:$0x0] =	wrdreg $0xFFFFFFFF;
	(pc) =	sbr.abs _section_cstart, $3  }
0xc1: {  	[dreg:$0x1] =	wrdreg $0xFFFFFFFF  }
0xc2: {  	_ =	task.clear_ibuf [dreg:s7], $0x2FFFF;
	_ =	strace $0x9FFFFFFF  }
0xc3: {  	(tm) =	ssettm $0x7FFFFFFF  }
tec
execute0_lowered:
.L_overlay_start_1:
0x0: {  	(tag) =	ssettag $0x1  }
0x1: {  	s0 =	rddreg [dreg:$0x0]  }
0x2: {  	s2 =	rddreg [dreg:$0x1]  }
0x3: {  	s1 =	rddreg [dreg:$0x2];
	s4 =	srdreg.scid;
	s3 =	simm.s32 $0x0  }
0x4: {  	s19 =	stileid.u32;
	s28 =	simm.s32 $0x3;
	s29 =	simm.s32 $0x80  }
0x5: {  	s30 =	simm.s32 $0x142C0;
	s31 =	simm.s32 $0x152C0;
	s12 =	sand.u32 $0x1, s4  }
0x6: {  	[smem:$0x7FF] =	sst s3;
	s5 =	sadd.s32 $0x20200, s0;
	s7 =	sadd.s32 $0x4EDE00, s0  }
0x7: {  	s8 =	sadd.s32 $0xC600, s0;
	s9 =	sadd.s32 $0x2B3E00, s0;
	s15 =	smul.u32 $0x5000, s19  }
0x8: {  	s10 =	sadd.s32 $0x173E00, s0;
	s11 =	sadd.s32 $0x33E00, s0;
	s20 =	sadd.s32 $0xC000, s0  }
0x9: {  	s4 =	sshll.u32 s12, $0x4;
	_ =	strace $0x8000004A;
	s14 =	smul.u32 $0x140000, s12  }
0xa: {  	s12 =	ssub.s32 $0x2, s12;
	[dreg:$0x4] =	wrdreg s20;
	s6 =	sor.u32 s19, s4  }
0xb: {  	s4 =	sadd.s32 $0x2A000, s0;
	s18 =	sshrl.u32 s12, $0x1;
	s19 =	smul.u32 $0x14000, s19  }
0xc: {  	s22 =	sadd.s32 s15, s1;
	s13 =	smul.u32 $0x2800, s6;
	s6 =	sadd.s32 $0x16400, s0  }
0xd: {  	s14 =	sadd.s32 s15, s14;
	s12 =	ssub.s32 s12, s18;
	[dreg:$0x9] =	wrdreg s22  }
0xe: {  	s14 =	sshrl.u32 s14, $0x3;
	s25 =	smax.u32 s12, $0x1;
	s16 =	sshrl.u32 s13, $0x3  }
0xf: {  	[dreg:$0xd] =	wrdreg s25;
	s17 =	sadd.s32 s16, s0;
	s2 =	sadd.s32 s2, s16  }
0x10: {  	s19 =	sshrl.u32 s19, $0x2;
	[dreg:$0x5] =	wrdreg s2;
	s18 =	sadd.s32 $0x3F3E00, s17  }
0x11: {  	s0 =	sadd.s32 s14, s0;
	s20 =	sadd.s32 $0x2000, s17;
	[dreg:$0x6] =	wrdreg s18  }
0x12: {  	v0 =	vlaneseq.u32;
	s12 =	simm.s32 $0x2;
	s21 =	sadd.s32 $0x3FDE00, s0;
	[dreg:$0x7] =	wrdreg s20  }
0x13: {  	v0 =	vor.u32 s13, v0;
	s13 =	simm.s32 $0x14240;
	s23 =	sadd.s32 $0x407E00, s0;
	[dreg:$0x8] =	wrdreg s21  }
.Ltmp0:
0x14: {  	s24 =	sadd.s32 $0x411E00, s0;
	[dreg:$0xa] =	wrdreg s23;
	(pc) =	sbr.rel .LBB2_1-.Ltmp0, $4  }
0x15: {  	s16 =	sadd.s32 s19, s1;
	s0 =	sadd.s32 $0x41BE00, s0;
	[dreg:$0xb] =	wrdreg s24  }
0x16: {  	s14 =	simm.s32 $0x0;
	s26 =	sadd.s32 $0x1000, s16;
	[dreg:$0xc] =	wrdreg s0  }
0x17: {  	s25 =	sadd.s32 $0x3000, s16;
	s2 =	simm.s32 $0x1;
	[dreg:$0xe] =	wrdreg s26  }
0x18: {  	v1 =	vimm.f32 $0.0e+00;
	v2 =	vimm.s32 $0x0;
	v3 =	vimm.s32 $0x27FF;
	s24 =	sadd.s32 $0x2000, s16;
	s26 =	sadd.s32 $0x4000, s16;
	s0 =	simm.s32 $0x162C0  }
.LBB2_29:
0x19: {  	[bflag:$0x0] =	sbarrier.arrive $0xFFFF  }
0x1a: {  	s15 =	rddreg [dreg:$0xc]  }
0x1b: {  	[hbm:s15], [sflag:s17] =	dma.local [spmem:s18], $0xA00  }
0x1c: {  	_ =	swait.ge [sflag:s28], $0xA00  }
0x1d: {  	s14 =	sadd.s32 $0x1, s14;
	s23 =	rddreg [dreg:$0xd]  }
0x1e: {  	p0 =	sne.s32 s14, s23  }
.Ltmp1:
0x1f: {  	_ = 	snop;
	(pc) =	sbr.rel @!p0 .LBB2_30-.Ltmp1, $3  }
0x20: {  	[sflag:s28] =	ssyncset.done $0x0  }
0x21: {  	[sflag:s28] =	ssyncadd.s32 $0xFFFFF600  }
0x22: {  	[bflag:$0x0] =	sbarrier.arrive $0xFFFF;
	_ =	sdelay $0x1  }
.LBB2_1:
0x23: {  	s15 =	rddreg [dreg:$0x4]  }
0x24: {  	[tilespmem:s3], [sflag:$0x3] =	stream.linear.gather [hbm4b:s15+s3], $0x2800, $0x38;
	[tilespmem:$0x1C2C0] =	vst v63  }
0x25: {  	_ =	swait.ge [sflag:s28], $0x2800  }
0x26: {  	[sflag:s28] =	ssyncset.done $0x0  }
0x27: {  	s17 =	simm.s32 $0x2800;
	s19 =	rddreg [dreg:$0x5];
	[sflag:s28] =	ssyncadd.s32 $0xFFFFD800  }
0x28: {  	[tilespmem:s17], [sflag:$0x3] =	stream.linear.gather [hbm4b:s19+s3], $0x2800, $0x38;
	[tilespmem:$0x1C2C0] =	vst v63  }
0x29: {  	_ =	swait.ge [sflag:s28], $0x2800  }
0x2a: {  	[sflag:s28] =	ssyncset.done $0x0  }
0x2b: {  	s21 =	simm.s32 $0x5000;
	s20 =	rddreg [dreg:$0x6];
	[sflag:s28] =	ssyncadd.s32 $0xFFFFD800  }
0x2c: {  	[tilespmem:s21], [sflag:$0x3] =	stream.linear.gather [hbm4b:s20+s3], $0x2800, $0x38;
	[tilespmem:$0x1C2C0] =	vst v63  }
0x2d: {  	_ =	swait.ge [sflag:s28], $0x2800  }
0x2e: {  	[sflag:s28] =	ssyncset.done $0x0  }
0x2f: {  	s23 =	simm.s32 $0x7800;
	s22 =	rddreg [dreg:$0x7];
	[sflag:s28] =	ssyncadd.s32 $0xFFFFD800  }
0x30: {  	[tilespmem:s23], [sflag:$0x3] =	stream.linear.gather [hbm4b:s22+s3], $0x2800, $0x38;
	[tilespmem:$0x1C2C0] =	vst v63  }
0x31: {  	_ =	swait.ge [sflag:s28], $0x2800  }
0x32: {  	[sflag:s28] =	ssyncset.done $0x0  }
0x33: {  	s15 =	simm.s32 $0x0;
	[sflag:s28] =	ssyncadd.s32 $0xFFFFD800  }
.LBB2_2:
0x34: {  	p0 =	seq.s32 s15, $0x3F80  }
.Ltmp2:
0x35: {  	_ = 	snop;
	(pc) =	sbr.rel @!p0 .LBB2_2-.Ltmp2, $4  }
0x36: {  	_ = 	snop  }
0x37: {  	s17 =	sshra.s32 s15, $0x2  }
0x38: {  	[tilespmem:s17+$0x162C0] =	vst v1  }
0x39: {  	s15 =	sadd.s32 $0x80, s15;
	[tilespmem:s17+$0x162D0] =	vst v1  }
0x3a: {  	s17 =	simm.s32 $0x0  }
0x3b: {  	v4 =	vld [tilespmem:s17+$0x7800];
	_ =	sdelay $0x6  }
0x3c: {  	v6 =	vld [tilespmem:s17+$0x2800]  }
0x3d: {  	v5 =	vld.idx.msk [tilespmem:v4+s3+$0x0], $0xffff;
	_ =	sdelay $0x4  }
0x3e: {  	v5 =	vsub.f32 v6, v5  }
0x3f: {  	v6 =	vld [tilespmem:s17+$0x5000]  }
0x40: {  	v5 =	vmax.f32 v5, $0.0e+00  }
0x41: {  	vm1 =	vlt.s32 v0, $0x4E200;
	vm0 =	vgt.f32 v5, $0.0e+00  }
0x42: {  	s15 =	simm.s32 $0x0;
	vm0 =	vmand vm1, vm0  }
0x43: {  	[tilespmem:s15+$0xA000] =	vst.msk vm0, v5;
	v5 =	vmpcnt.ones.xlane vm0  }
0x44: {  	[tilespmem:s15+$0xC890] =	vst.msk vm0, v6  }
0x45: {  	[tilespmem:s15+$0xF120] =	vst.msk vm0, v4;
	v4 =	vxor.u32 $0x80000000, v5  }
0x46: {  	(xrf0) =	vmax.scan.msk.u32 $0xffff, v4;
	_ =	sdelay $0x1  }
0x47: {  	s18 =	simm.s32 $0x10;
	[tilespmem:s15+$0x119B0] =	vst.msk vm0, v0  }
0x48: {  	s17 =	simm.s32 $0x80;
	v4 =	vld [tilespmem:s18+$0x5000];
	v5 =	vmov v0  }
.LBB2_4:
0x49: {  	p0 =	seq.s32 s17, $0x9FC0;
	v6 =	vld [tilespmem:s18+$0x7800];
	_ =	sdelay $0x1  }
0x4a: {  	v7, _, _ =	vpop (xrf0)  }
0x4b: {  	(v2sf) =	vpush v7, $0xF;
	_ =	sdelay $0x4  }
0x4c: {  	v7 =	vld.idx.msk [tilespmem:v6+s3+$0x0], $0xffff  }
0x4d: {  	v8 =	vld [tilespmem:s18+$0x2800];
	_ =	sdelay $0x4  }
0x4e: {  	v7 =	vsub.f32 v8, v7;
	_ =	sdelay $0x1  }
0x4f: {  	v5 =	vadd.s32 $0x10, v5;
	v7 =	vmax.f32 v7, $0.0e+00  }
0x50: {  	vm1 =	vlt.s32 v5, $0x4E200;
	vm0 =	vgt.f32 v7, $0.0e+00  }
0x51: {  	vm0 =	vmand vm1, vm0;
	s18 =	spop (v2sf)  }
0x52: {  	v8 =	vmpcnt.ones.xlane vm0;
	s15 =	sadd.s32 s18, s15  }
0x53: {  	s15 =	sadd.s32 $0x80000000, s15  }
.Ltmp3:
0x54: {  	[tilespmem:s15+$0xA000] =	vst.msk vm0, v7;
	v7 =	vxor.u32 $0x80000000, v8;
	(pc) =	sbr.rel @!p0 .LBB2_4-.Ltmp3, $4  }
0x55: {  	[tilespmem:s15+$0xC890] =	vst.msk vm0, v4;
	(xrf0) =	vmax.scan.msk.u32 $0xffff, v7  }
0x56: {  	[tilespmem:s15+$0xF120] =	vst.msk vm0, v6  }
0x57: {  	s18 =	sshra.s32 s17, $0x2;
	[tilespmem:s15+$0x119B0] =	vst.msk vm0, v5  }
0x58: {  	s17 =	sadd.s32 $0x40, s17;
	v4 =	vld [tilespmem:s18+$0x5000]  }
0x59: {  	v6 =	vld [tilespmem:s18+$0x7800];
	_ =	sdelay $0x6  }
0x5a: {  	v8 =	vld [tilespmem:s18+$0x2800]  }
0x5b: {  	v7 =	vld.idx.msk [tilespmem:v6+s3+$0x0], $0xffff;
	_ =	sdelay $0x4  }
0x5c: {  	v7 =	vsub.f32 v8, v7;
	_ =	sdelay $0x1  }
0x5d: {  	v5 =	vadd.s32 $0x10, v5;
	v7 =	vmax.f32 v7, $0.0e+00  }
0x5e: {  	vm1 =	vlt.s32 v5, $0x4E200;
	vm0 =	vgt.f32 v7, $0.0e+00  }
0x5f: {  	vm0 =	vmand vm1, vm0  }
0x60: {  	v61 =	vmpcnt.ones.xlane vm0;
	_ =	sdelay $0x1  }
0x61: {  	v8 =	vxor.u32 $0x80000000, v61  }
0x62: {  	(xrf0) =	vmax.scan.msk.u32 $0xffff, v8;
	_ =	sdelay $0x1  }
0x63: {  	v62, _, _ =	vpop (xrf0)  }
0x64: {  	(v2sf) =	vpush v62, $0xF;
	_ =	sdelay $0x2  }
0x65: {  	v63, _, _ =	vpop (xrf0)  }
0x66: {  	(v2sf) =	vpush v63, $0xF;
	_ =	sdelay $0xa  }
0x67: {  	s17 =	spop (v2sf)  }
0x68: {  	s15 =	sadd.s32 s17, s15  }
0x69: {  	s15 =	sadd.s32 $0x80000000, s15  }
0x6a: {  	[tilespmem:s15+$0xA000] =	vst.msk vm0, v7  }
0x6b: {  	[tilespmem:s15+$0xC890] =	vst.msk vm0, v4;
	s22 =	spop (v2sf)  }
0x6c: {  	[tilespmem:s15+$0xF120] =	vst.msk vm0, v6;
	s17 =	sadd.s32 s22, s15  }
0x6d: {  	[tilespmem:s15+$0x119B0] =	vst.msk vm0, v5;
	s15 =	sadd.s32 $0x80000000, s17  }
0x6e: {  	[tilespmem:s15+$0xA000] =	vst v1  }
0x6f: {  	[tilespmem:s15+$0xC890] =	vst v2  }
0x70: {  	[tilespmem:s15+$0xF120] =	vst v3  }
0x71: {  	[tilespmem:s15+$0x119B0] =	vst v2  }
0x72: {  	[tilespmem:s15+$0xA010] =	vst v1  }
0x73: {  	[tilespmem:s15+$0xC8A0] =	vst v2  }
0x74: {  	[tilespmem:s15+$0xF130] =	vst v3  }
0x75: {  	[tilespmem:s15+$0x119C0] =	vst v2  }
0x76: {  	[tilespmem:s15+$0xA020] =	vst v1  }
0x77: {  	[tilespmem:s15+$0xC8B0] =	vst v2  }
0x78: {  	[tilespmem:s15+$0xF140] =	vst v3  }
0x79: {  	[tilespmem:s15+$0x119D0] =	vst v2  }
0x7a: {  	[tilespmem:s15+$0xA030] =	vst v1  }
0x7b: {  	[tilespmem:s15+$0xC8C0] =	vst v2  }
0x7c: {  	[tilespmem:s15+$0xF150] =	vst v3  }
0x7d: {  	[tilespmem:s15+$0x119E0] =	vst v2  }
0x7e: {  	[tilespmem:s15+$0xA040] =	vst v1  }
0x7f: {  	[tilespmem:s15+$0xC8D0] =	vst v2  }
0x80: {  	[tilespmem:s15+$0xF160] =	vst v3  }
0x81: {  	[tilespmem:s15+$0x119F0] =	vst v2  }
0x82: {  	[tilespmem:s15+$0xA050] =	vst v1  }
0x83: {  	[tilespmem:s15+$0xC8E0] =	vst v2  }
0x84: {  	[tilespmem:s15+$0xF170] =	vst v3  }
0x85: {  	[tilespmem:s15+$0x11A00] =	vst v2  }
0x86: {  	[tilespmem:s15+$0xA060] =	vst v1  }
0x87: {  	[tilespmem:s15+$0xC8F0] =	vst v2  }
0x88: {  	[tilespmem:s15+$0xF180] =	vst v3  }
0x89: {  	[tilespmem:s15+$0x11A10] =	vst v2  }
0x8a: {  	[tilespmem:s15+$0xA070] =	vst v1  }
0x8b: {  	[tilespmem:s15+$0xC900] =	vst v2  }
0x8c: {  	[tilespmem:s15+$0xF190] =	vst v3  }
0x8d: {  	[tilespmem:s15+$0x11A20] =	vst v2  }
0x8e: {  	[spmem:s16] =	stream.linear.scatter [tilespmem:s0], [sflag:$0x3], $0x1000, $0x38;
	[tilespmem:$0x1C2C0] =	vst v63  }
0x8f: {  	_ =	swait.ge [sflag:s28], $0x1000  }
0x90: {  	[sflag:s28] =	ssyncset.done $0x0  }
0x91: {  	s23 =	rddreg [dreg:$0xe];
	[sflag:s28] =	ssyncadd.s32 $0xFFFFF000  }
0x92: {  	[spmem:s23] =	stream.linear.scatter [tilespmem:s0], [sflag:$0x3], $0x1000, $0x38;
	[tilespmem:$0x1C2C0] =	vst v63  }
0x93: {  	_ =	swait.ge [sflag:s28], $0x1000  }
0x94: {  	[sflag:s28] =	ssyncset.done $0x0  }
0x95: {  	[sflag:s28] =	ssyncadd.s32 $0xFFFFF000  }
0x96: {  	[spmem:s24] =	stream.linear.scatter [tilespmem:s0], [sflag:$0x3], $0x1000, $0x38;
	[tilespmem:$0x1C2C0] =	vst v63  }
0x97: {  	_ =	swait.ge [sflag:s28], $0x1000  }
0x98: {  	[sflag:s28] =	ssyncset.done $0x0  }
0x99: {  	[sflag:s28] =	ssyncadd.s32 $0xFFFFF000  }
0x9a: {  	[spmem:s25] =	stream.linear.scatter [tilespmem:s0], [sflag:$0x3], $0x1000, $0x38;
	[tilespmem:$0x1C2C0] =	vst v63  }
0x9b: {  	_ =	swait.ge [sflag:s28], $0x1000  }
0x9c: {  	[sflag:s28] =	ssyncset.done $0x0  }
0x9d: {  	[sflag:s28] =	ssyncadd.s32 $0xFFFFF000  }
0x9e: {  	[spmem:s26] =	stream.linear.scatter [tilespmem:s0], [sflag:$0x3], $0x1000, $0x38;
	[tilespmem:$0x1C2C0] =	vst v63  }
.Ltmp4:
0x9f: {  	_ =	swait.ge [sflag:s28], $0x1000;
	(pc) =	sbr.rel .LBB2_6-.Ltmp4, $4  }
0xa0: {  	[sflag:s28] =	ssyncset.done $0x0  }
0xa1: {  	[sflag:s28] =	ssyncadd.s32 $0xFFFFF000  }
0xa2: {  	[bflag:$0x0] =	sbarrier.arrive $0xFFFF  }
0xa3: {  	s17 =	simm.s32 $0x0  }
.LBB2_10:
0xa4: {  	s17 =	sadd.s32 $0x1, s17  }
0xa5: {  	p0 =	sne.s32 s17, $0x50  }
.Ltmp5:
0xa6: {  	_ = 	snop;
	(pc) =	sbr.rel @!p0 .LBB2_11-.Ltmp5, $1  }
0xa7: {  	_ =	sdelay $0x3  }
.LBB2_6:
0xa8: {  	s19 =	sshll.u32 s17, $0x7  }
0xa9: {  	p0 =	sge.s32 s19, s15  }
.Ltmp6:
0xaa: {  	_ = 	snop;
	(pc) =	sbr.rel @p0 .LBB2_10-.Ltmp6, $1  }
0xab: {  	_ =	sdelay $0x3  }
0xac: {  	v4 =	vld [tilespmem:s19+$0xF120];
	_ =	sdelay $0x4  }
0xad: {  	[tilespmem:$0x14240] =	vst v4  }
0xae: {  	v4 =	vld [tilespmem:s19+$0xF130];
	_ =	sdelay $0x4  }
0xaf: {  	[tilespmem:$0x14250] =	vst v4  }
0xb0: {  	v4 =	vld [tilespmem:s19+$0xF140];
	_ =	sdelay $0x4  }
0xb1: {  	[tilespmem:$0x14260] =	vst v4  }
0xb2: {  	v4 =	vld [tilespmem:s19+$0xF150];
	_ =	sdelay $0x4  }
0xb3: {  	[tilespmem:$0x14270] =	vst v4  }
0xb4: {  	v4 =	vld [tilespmem:s19+$0xF160];
	_ =	sdelay $0x4  }
0xb5: {  	[tilespmem:$0x14280] =	vst v4  }
0xb6: {  	v4 =	vld [tilespmem:s19+$0xF170];
	_ =	sdelay $0x4  }
0xb7: {  	[tilespmem:$0x14290] =	vst v4  }
0xb8: {  	v4 =	vld [tilespmem:s19+$0xF180];
	_ =	sdelay $0x4  }
0xb9: {  	[tilespmem:$0x142A0] =	vst v4  }
0xba: {  	v4 =	vld [tilespmem:s19+$0xF190];
	_ =	sdelay $0x4  }
0xbb: {  	s18 =	sadd.s32 $0xC890, s19;
	[tilespmem:$0x142B0] =	vst v4  }
0xbc: {  	[tilespmem:s30], [sflag:$0x1] =	stream.indirect.gather [hbm4b:s4+s29], $0x20, s18, s29, $0xb8;
	[tilespmem:$0x1C2C0] =	vst v63  }
0xbd: {  	s23 =	sadd.s32 $0x119B0, s19  }
0xbe: {  	[tilespmem:s31], [sflag:$0x2] =	stream.indirect.gather [hbm4b:s7+s29], $0x20, s23, s29, $0xb8;
	[tilespmem:$0x1C2C0] =	vst v63  }
0xbf: {  	_ =	swait.ge [sflag:s2], $0x1000  }
0xc0: {  	[sflag:s2] =	ssyncset.done $0x0  }
0xc1: {  	[sflag:s2] =	ssyncadd.s32 $0xFFFFF000  }
0xc2: {  	_ =	swait.ge [sflag:s12], $0x1000  }
0xc3: {  	[sflag:s12] =	ssyncset.done $0x0  }
0xc4: {  	v4 =	vimm.s32 $0x0;
	s18 =	simm.s32 $0x0;
	[sflag:s12] =	ssyncadd.s32 $0xFFFFF000  }
0xc5: {  	v5 =	vld [tilespmem:s18+$0x152C0]  }
0xc6: {  	v6 =	vld [tilespmem:s18+$0x152D0]  }
0xc7: {  	s20 =	simm.s32 $0x80;
	s19 =	sadd.s32 $0xA000, s19;
	v7 =	vld [tilespmem:s18+$0x142D0]  }
.LBB2_8:
0xc8: {  	p0 =	sne.s32 s20, $0x3F80;
	v8 =	vld [tilespmem:s18+$0x142C0]  }
0xc9: {  	v9 =	vld.idx.msk [tilespmem:v4+s19+$0x0], $0xffff;
	_ =	sdelay $0x2  }
0xca: {  	v6 =	vadd.f32 v6, v7  }
0xcb: {  	v5 =	vadd.f32 v5, v8  }
.Ltmp7:
0xcc: {  	v6 =	vmax.f32 v6, $0.0e+00;
	(pc) =	sbr.rel @p0 .LBB2_8-.Ltmp7, $4  }
0xcd: {  	s21 =	sshra.s32 s20, $0x2;
	v4 =	vadd.s32 $0x1, v4;
	v7 =	vmax.f32 v5, $0.0e+00;
	v8 =	vmul.f32 v6, v9  }
0xce: {  	v5 =	vld [tilespmem:s21+$0x152C0];
	v9 =	vmul.f32 v7, v9  }
0xcf: {  	v6 =	vld [tilespmem:s21+$0x152D0];
	[tilespmem:s18+$0x142D0] =	vst v8  }
0xd0: {  	s20 =	sadd.s32 $0x80, s20;
	v7 =	vld [tilespmem:s21+$0x142D0];
	[tilespmem:s18+$0x142C0] =	vst v9;
	s18 =	smov.u32 s21  }
0xd1: {  	_ =	sdelay $0x1  }
0xd2: {  	v8 =	vld [tilespmem:s18+$0x142C0];
	_ =	sdelay $0x1  }
0xd3: {  	v4 =	vld.idx.msk [tilespmem:v4+s19+$0x0], $0xffff;
	_ =	sdelay $0x1  }
0xd4: {  	v6 =	vadd.f32 v6, v7  }
0xd5: {  	v5 =	vadd.f32 v5, v8  }
0xd6: {  	v6 =	vmax.f32 v6, $0.0e+00  }
0xd7: {  	v5 =	vmax.f32 v5, $0.0e+00;
	v6 =	vmul.f32 v6, v4  }
0xd8: {  	v4 =	vmul.f32 v5, v4  }
0xd9: {  	[tilespmem:s18+$0x142D0] =	vst v6  }
.Ltmp8:
0xda: {  	[tilespmem:s18+$0x142C0] =	vst v4;
	(pc) =	sbr.rel .LBB2_10-.Ltmp8, $4  }
0xdb: {  	[spmem:s1] =	stream.indirect.scatter.add.f32 [tilespmem:s30], [sflag:$0x3], $0x20, s13, s29, $0xb8;
	[tilespmem:$0x1C2C0] =	vst v63  }
0xdc: {  	_ =	swait.ge [sflag:s28], $0x1000  }
0xdd: {  	[sflag:s28] =	ssyncset.done $0x0  }
0xde: {  	[sflag:s28] =	ssyncadd.s32 $0xFFFFF000  }
.LBB2_11:
0xdf: {  	s17 =	stileid.u32;
	[bflag:$0x0] =	sbarrier.arrive $0xFFFF  }
0xe0: {  	s17 =	sshll.u32 s17, $0x6;
	s18 =	rddreg [dreg:$0x9]  }
0xe1: {  	s19 =	rddreg [dreg:$0x8];
	s17 =	sor.u32 $0x1C03, s17;
	s18 =	sshrl.u32 s18, $0x3  }
0xe2: {  	[hbm:s19], [sflag:s17] =	dma.local [spmem:s18], $0xA00  }
0xe3: {  	_ =	swait.ge [sflag:s28], $0xA00  }
0xe4: {  	[sflag:s28] =	ssyncset.done $0x0  }
0xe5: {  	[sflag:s28] =	ssyncadd.s32 $0xFFFFF600  }
0xe6: {  	[bflag:$0x0] =	sbarrier.arrive $0xFFFF  }
0xe7: {  	[spmem:s16] =	stream.linear.scatter [tilespmem:s0], [sflag:$0x3], $0x1000, $0x38;
	[tilespmem:$0x1C2C0] =	vst v63  }
0xe8: {  	_ =	swait.ge [sflag:s28], $0x1000  }
0xe9: {  	[sflag:s28] =	ssyncset.done $0x0  }
0xea: {  	s23 =	rddreg [dreg:$0xe];
	[sflag:s28] =	ssyncadd.s32 $0xFFFFF000  }
0xeb: {  	[spmem:s23] =	stream.linear.scatter [tilespmem:s0], [sflag:$0x3], $0x1000, $0x38;
	[tilespmem:$0x1C2C0] =	vst v63  }
0xec: {  	_ =	swait.ge [sflag:s28], $0x1000  }
0xed: {  	[sflag:s28] =	ssyncset.done $0x0  }
0xee: {  	[sflag:s28] =	ssyncadd.s32 $0xFFFFF000  }
0xef: {  	[spmem:s24] =	stream.linear.scatter [tilespmem:s0], [sflag:$0x3], $0x1000, $0x38;
	[tilespmem:$0x1C2C0] =	vst v63  }
0xf0: {  	_ =	swait.ge [sflag:s28], $0x1000  }
0xf1: {  	[sflag:s28] =	ssyncset.done $0x0  }
0xf2: {  	[sflag:s28] =	ssyncadd.s32 $0xFFFFF000  }
0xf3: {  	[spmem:s25] =	stream.linear.scatter [tilespmem:s0], [sflag:$0x3], $0x1000, $0x38;
	[tilespmem:$0x1C2C0] =	vst v63  }
0xf4: {  	_ =	swait.ge [sflag:s28], $0x1000  }
0xf5: {  	[sflag:s28] =	ssyncset.done $0x0  }
0xf6: {  	[sflag:s28] =	ssyncadd.s32 $0xFFFFF000  }
0xf7: {  	[spmem:s26] =	stream.linear.scatter [tilespmem:s0], [sflag:$0x3], $0x1000, $0x38;
	[tilespmem:$0x1C2C0] =	vst v63  }
.Ltmp9:
0xf8: {  	_ =	swait.ge [sflag:s28], $0x1000;
	(pc) =	sbr.rel .LBB2_12-.Ltmp9, $4  }
0xf9: {  	[sflag:s28] =	ssyncset.done $0x0  }
0xfa: {  	[sflag:s28] =	ssyncadd.s32 $0xFFFFF000  }
0xfb: {  	[bflag:$0x0] =	sbarrier.arrive $0xFFFF  }
0xfc: {  	s19 =	simm.s32 $0x0  }
.LBB2_16:
0xfd: {  	s19 =	sadd.s32 $0x1, s19  }
0xfe: {  	p0 =	sne.s32 s19, $0x50  }
.Ltmp10:
0xff: {  	_ = 	snop;
	(pc) =	sbr.rel @!p0 .LBB2_17-.Ltmp10, $1  }
0x100: {  	_ =	sdelay $0x3  }
.LBB2_12:
0x101: {  	s21 =	sshll.u32 s19, $0x7  }
0x102: {  	p0 =	sge.s32 s21, s15  }
.Ltmp11:
0x103: {  	_ = 	snop;
	(pc) =	sbr.rel @p0 .LBB2_16-.Ltmp11, $1  }
0x104: {  	_ =	sdelay $0x3  }
0x105: {  	v4 =	vld [tilespmem:s21+$0xF120];
	_ =	sdelay $0x4  }
0x106: {  	[tilespmem:$0x14240] =	vst v4  }
0x107: {  	v4 =	vld [tilespmem:s21+$0xF130];
	_ =	sdelay $0x4  }
0x108: {  	[tilespmem:$0x14250] =	vst v4  }
0x109: {  	v4 =	vld [tilespmem:s21+$0xF140];
	_ =	sdelay $0x4  }
0x10a: {  	[tilespmem:$0x14260] =	vst v4  }
0x10b: {  	v4 =	vld [tilespmem:s21+$0xF150];
	_ =	sdelay $0x4  }
0x10c: {  	[tilespmem:$0x14270] =	vst v4  }
0x10d: {  	v4 =	vld [tilespmem:s21+$0xF160];
	_ =	sdelay $0x4  }
0x10e: {  	[tilespmem:$0x14280] =	vst v4  }
0x10f: {  	v4 =	vld [tilespmem:s21+$0xF170];
	_ =	sdelay $0x4  }
0x110: {  	[tilespmem:$0x14290] =	vst v4  }
0x111: {  	v4 =	vld [tilespmem:s21+$0xF180];
	_ =	sdelay $0x4  }
0x112: {  	[tilespmem:$0x142A0] =	vst v4  }
0x113: {  	v4 =	vld [tilespmem:s21+$0xF190];
	_ =	sdelay $0x4  }
0x114: {  	s20 =	sadd.s32 $0xC890, s21;
	[tilespmem:$0x142B0] =	vst v4  }
0x115: {  	[tilespmem:s30], [sflag:$0x1] =	stream.indirect.gather [hbm4b:s5+s29], $0x20, s20, s29, $0xb8;
	[tilespmem:$0x1C2C0] =	vst v63  }
0x116: {  	s23 =	sadd.s32 $0x119B0, s21  }
0x117: {  	[tilespmem:s31], [sflag:$0x2] =	stream.indirect.gather [hbm4b:s9+s29], $0x20, s23, s29, $0xb8;
	[tilespmem:$0x1C2C0] =	vst v63  }
0x118: {  	_ =	swait.ge [sflag:s2], $0x1000  }
0x119: {  	[sflag:s2] =	ssyncset.done $0x0  }
0x11a: {  	[sflag:s2] =	ssyncadd.s32 $0xFFFFF000  }
0x11b: {  	_ =	swait.ge [sflag:s12], $0x1000  }
0x11c: {  	[sflag:s12] =	ssyncset.done $0x0  }
0x11d: {  	v4 =	vimm.s32 $0x0;
	s20 =	simm.s32 $0x0;
	[sflag:s12] =	ssyncadd.s32 $0xFFFFF000  }
0x11e: {  	v5 =	vld [tilespmem:s20+$0x152C0]  }
0x11f: {  	v6 =	vld [tilespmem:s20+$0x152D0]  }
0x120: {  	s22 =	simm.s32 $0x80;
	s21 =	sadd.s32 $0xA000, s21;
	v7 =	vld [tilespmem:s20+$0x142D0]  }
.LBB2_14:
0x121: {  	p0 =	sne.s32 s22, $0x3F80;
	v8 =	vld [tilespmem:s20+$0x142C0]  }
0x122: {  	v9 =	vld.idx.msk [tilespmem:v4+s21+$0x0], $0xffff;
	_ =	sdelay $0x2  }
0x123: {  	v6 =	vadd.f32 v6, v7  }
0x124: {  	v5 =	vadd.f32 v5, v8  }
.Ltmp12:
0x125: {  	v6 =	vmax.f32 v6, $0.0e+00;
	(pc) =	sbr.rel @p0 .LBB2_14-.Ltmp12, $4  }
0x126: {  	s23 =	sshra.s32 s22, $0x2;
	v4 =	vadd.s32 $0x1, v4;
	v7 =	vmax.f32 v5, $0.0e+00;
	v8 =	vmul.f32 v6, v9  }
0x127: {  	v5 =	vld [tilespmem:s23+$0x152C0];
	v9 =	vmul.f32 v7, v9  }
0x128: {  	v6 =	vld [tilespmem:s23+$0x152D0];
	[tilespmem:s20+$0x142D0] =	vst v8  }
0x129: {  	s22 =	sadd.s32 $0x80, s22;
	v7 =	vld [tilespmem:s23+$0x142D0];
	[tilespmem:s20+$0x142C0] =	vst v9;
	s20 =	smov.u32 s23  }
0x12a: {  	_ =	sdelay $0x1  }
0x12b: {  	v8 =	vld [tilespmem:s20+$0x142C0];
	_ =	sdelay $0x1  }
0x12c: {  	v4 =	vld.idx.msk [tilespmem:v4+s21+$0x0], $0xffff;
	_ =	sdelay $0x1  }
0x12d: {  	v6 =	vadd.f32 v6, v7  }
0x12e: {  	v5 =	vadd.f32 v5, v8  }
0x12f: {  	v6 =	vmax.f32 v6, $0.0e+00  }
0x130: {  	v5 =	vmax.f32 v5, $0.0e+00;
	v6 =	vmul.f32 v6, v4  }
0x131: {  	v4 =	vmul.f32 v5, v4  }
0x132: {  	[tilespmem:s20+$0x142D0] =	vst v6  }
.Ltmp13:
0x133: {  	[tilespmem:s20+$0x142C0] =	vst v4;
	(pc) =	sbr.rel .LBB2_16-.Ltmp13, $4  }
0x134: {  	[spmem:s1] =	stream.indirect.scatter.add.f32 [tilespmem:s30], [sflag:$0x3], $0x20, s13, s29, $0xb8;
	[tilespmem:$0x1C2C0] =	vst v63  }
0x135: {  	_ =	swait.ge [sflag:s28], $0x1000  }
0x136: {  	[sflag:s28] =	ssyncset.done $0x0  }
0x137: {  	[sflag:s28] =	ssyncadd.s32 $0xFFFFF000  }
.LBB2_17:
0x138: {  	[bflag:$0x0] =	sbarrier.arrive $0xFFFF  }
0x139: {  	s19 =	rddreg [dreg:$0xa]  }
0x13a: {  	[hbm:s19], [sflag:s17] =	dma.local [spmem:s18], $0xA00  }
0x13b: {  	_ =	swait.ge [sflag:s28], $0xA00  }
0x13c: {  	[sflag:s28] =	ssyncset.done $0x0  }
0x13d: {  	[sflag:s28] =	ssyncadd.s32 $0xFFFFF600  }
0x13e: {  	[bflag:$0x0] =	sbarrier.arrive $0xFFFF  }
0x13f: {  	[spmem:s16] =	stream.linear.scatter [tilespmem:s0], [sflag:$0x3], $0x1000, $0x38;
	[tilespmem:$0x1C2C0] =	vst v63  }
0x140: {  	_ =	swait.ge [sflag:s28], $0x1000  }
0x141: {  	[sflag:s28] =	ssyncset.done $0x0  }
0x142: {  	s23 =	rddreg [dreg:$0xe];
	[sflag:s28] =	ssyncadd.s32 $0xFFFFF000  }
0x143: {  	[spmem:s23] =	stream.linear.scatter [tilespmem:s0], [sflag:$0x3], $0x1000, $0x38;
	[tilespmem:$0x1C2C0] =	vst v63  }
0x144: {  	_ =	swait.ge [sflag:s28], $0x1000  }
0x145: {  	[sflag:s28] =	ssyncset.done $0x0  }
0x146: {  	[sflag:s28] =	ssyncadd.s32 $0xFFFFF000  }
0x147: {  	[spmem:s24] =	stream.linear.scatter [tilespmem:s0], [sflag:$0x3], $0x1000, $0x38;
	[tilespmem:$0x1C2C0] =	vst v63  }
0x148: {  	_ =	swait.ge [sflag:s28], $0x1000  }
0x149: {  	[sflag:s28] =	ssyncset.done $0x0  }
0x14a: {  	[sflag:s28] =	ssyncadd.s32 $0xFFFFF000  }
0x14b: {  	[spmem:s25] =	stream.linear.scatter [tilespmem:s0], [sflag:$0x3], $0x1000, $0x38;
	[tilespmem:$0x1C2C0] =	vst v63  }
0x14c: {  	_ =	swait.ge [sflag:s28], $0x1000  }
0x14d: {  	[sflag:s28] =	ssyncset.done $0x0  }
0x14e: {  	[sflag:s28] =	ssyncadd.s32 $0xFFFFF000  }
0x14f: {  	[spmem:s26] =	stream.linear.scatter [tilespmem:s0], [sflag:$0x3], $0x1000, $0x38;
	[tilespmem:$0x1C2C0] =	vst v63  }
.Ltmp14:
0x150: {  	_ =	swait.ge [sflag:s28], $0x1000;
	(pc) =	sbr.rel .LBB2_18-.Ltmp14, $4  }
0x151: {  	[sflag:s28] =	ssyncset.done $0x0  }
0x152: {  	[sflag:s28] =	ssyncadd.s32 $0xFFFFF000  }
0x153: {  	[bflag:$0x0] =	sbarrier.arrive $0xFFFF  }
0x154: {  	s19 =	simm.s32 $0x0  }
.LBB2_22:
0x155: {  	s19 =	sadd.s32 $0x1, s19  }
0x156: {  	p0 =	sne.s32 s19, $0x50  }
.Ltmp15:
0x157: {  	_ = 	snop;
	(pc) =	sbr.rel @!p0 .LBB2_23-.Ltmp15, $1  }
0x158: {  	_ =	sdelay $0x3  }
.LBB2_18:
0x159: {  	s21 =	sshll.u32 s19, $0x7  }
0x15a: {  	p0 =	sge.s32 s21, s15  }
.Ltmp16:
0x15b: {  	_ = 	snop;
	(pc) =	sbr.rel @p0 .LBB2_22-.Ltmp16, $1  }
0x15c: {  	_ =	sdelay $0x3  }
0x15d: {  	v4 =	vld [tilespmem:s21+$0xF120];
	_ =	sdelay $0x4  }
0x15e: {  	[tilespmem:$0x14240] =	vst v4  }
0x15f: {  	v4 =	vld [tilespmem:s21+$0xF130];
	_ =	sdelay $0x4  }
0x160: {  	[tilespmem:$0x14250] =	vst v4  }
0x161: {  	v4 =	vld [tilespmem:s21+$0xF140];
	_ =	sdelay $0x4  }
0x162: {  	[tilespmem:$0x14260] =	vst v4  }
0x163: {  	v4 =	vld [tilespmem:s21+$0xF150];
	_ =	sdelay $0x4  }
0x164: {  	[tilespmem:$0x14270] =	vst v4  }
0x165: {  	v4 =	vld [tilespmem:s21+$0xF160];
	_ =	sdelay $0x4  }
0x166: {  	[tilespmem:$0x14280] =	vst v4  }
0x167: {  	v4 =	vld [tilespmem:s21+$0xF170];
	_ =	sdelay $0x4  }
0x168: {  	[tilespmem:$0x14290] =	vst v4  }
0x169: {  	v4 =	vld [tilespmem:s21+$0xF180];
	_ =	sdelay $0x4  }
0x16a: {  	[tilespmem:$0x142A0] =	vst v4  }
0x16b: {  	v4 =	vld [tilespmem:s21+$0xF190];
	_ =	sdelay $0x4  }
0x16c: {  	s20 =	sadd.s32 $0xC890, s21;
	[tilespmem:$0x142B0] =	vst v4  }
0x16d: {  	[tilespmem:s30], [sflag:$0x1] =	stream.indirect.gather [hbm4b:s6+s29], $0x20, s20, s29, $0xb8;
	[tilespmem:$0x1C2C0] =	vst v63  }
0x16e: {  	s23 =	sadd.s32 $0x119B0, s21  }
0x16f: {  	[tilespmem:s31], [sflag:$0x2] =	stream.indirect.gather [hbm4b:s10+s29], $0x20, s23, s29, $0xb8;
	[tilespmem:$0x1C2C0] =	vst v63  }
0x170: {  	_ =	swait.ge [sflag:s2], $0x1000  }
0x171: {  	[sflag:s2] =	ssyncset.done $0x0  }
0x172: {  	[sflag:s2] =	ssyncadd.s32 $0xFFFFF000  }
0x173: {  	_ =	swait.ge [sflag:s12], $0x1000  }
0x174: {  	[sflag:s12] =	ssyncset.done $0x0  }
0x175: {  	v4 =	vimm.s32 $0x0;
	s20 =	simm.s32 $0x0;
	[sflag:s12] =	ssyncadd.s32 $0xFFFFF000  }
0x176: {  	v5 =	vld [tilespmem:s20+$0x152C0]  }
0x177: {  	v6 =	vld [tilespmem:s20+$0x152D0]  }
0x178: {  	s22 =	simm.s32 $0x80;
	s21 =	sadd.s32 $0xA000, s21;
	v7 =	vld [tilespmem:s20+$0x142D0]  }
.LBB2_20:
0x179: {  	p0 =	sne.s32 s22, $0x3F80;
	v8 =	vld [tilespmem:s20+$0x142C0]  }
0x17a: {  	v9 =	vld.idx.msk [tilespmem:v4+s21+$0x0], $0xffff;
	_ =	sdelay $0x2  }
0x17b: {  	v6 =	vadd.f32 v6, v7  }
0x17c: {  	v5 =	vadd.f32 v5, v8  }
.Ltmp17:
0x17d: {  	v6 =	vmax.f32 v6, $0.0e+00;
	(pc) =	sbr.rel @p0 .LBB2_20-.Ltmp17, $4  }
0x17e: {  	s23 =	sshra.s32 s22, $0x2;
	v4 =	vadd.s32 $0x1, v4;
	v7 =	vmax.f32 v5, $0.0e+00;
	v8 =	vmul.f32 v6, v9  }
0x17f: {  	v5 =	vld [tilespmem:s23+$0x152C0];
	v9 =	vmul.f32 v7, v9  }
0x180: {  	v6 =	vld [tilespmem:s23+$0x152D0];
	[tilespmem:s20+$0x142D0] =	vst v8  }
0x181: {  	s22 =	sadd.s32 $0x80, s22;
	v7 =	vld [tilespmem:s23+$0x142D0];
	[tilespmem:s20+$0x142C0] =	vst v9;
	s20 =	smov.u32 s23  }
0x182: {  	_ =	sdelay $0x1  }
0x183: {  	v8 =	vld [tilespmem:s20+$0x142C0];
	_ =	sdelay $0x1  }
0x184: {  	v4 =	vld.idx.msk [tilespmem:v4+s21+$0x0], $0xffff;
	_ =	sdelay $0x1  }
0x185: {  	v6 =	vadd.f32 v6, v7  }
0x186: {  	v5 =	vadd.f32 v5, v8  }
0x187: {  	v6 =	vmax.f32 v6, $0.0e+00  }
0x188: {  	v5 =	vmax.f32 v5, $0.0e+00;
	v6 =	vmul.f32 v6, v4  }
0x189: {  	v4 =	vmul.f32 v5, v4  }
0x18a: {  	[tilespmem:s20+$0x142D0] =	vst v6  }
.Ltmp18:
0x18b: {  	[tilespmem:s20+$0x142C0] =	vst v4;
	(pc) =	sbr.rel .LBB2_22-.Ltmp18, $4  }
0x18c: {  	[spmem:s1] =	stream.indirect.scatter.add.f32 [tilespmem:s30], [sflag:$0x3], $0x20, s13, s29, $0xb8;
	[tilespmem:$0x1C2C0] =	vst v63  }
0x18d: {  	_ =	swait.ge [sflag:s28], $0x1000  }
0x18e: {  	[sflag:s28] =	ssyncset.done $0x0  }
0x18f: {  	[sflag:s28] =	ssyncadd.s32 $0xFFFFF000  }
.LBB2_23:
0x190: {  	[bflag:$0x0] =	sbarrier.arrive $0xFFFF  }
0x191: {  	s19 =	rddreg [dreg:$0xb]  }
0x192: {  	[hbm:s19], [sflag:s17] =	dma.local [spmem:s18], $0xA00  }
0x193: {  	_ =	swait.ge [sflag:s28], $0xA00  }
0x194: {  	[sflag:s28] =	ssyncset.done $0x0  }
0x195: {  	[sflag:s28] =	ssyncadd.s32 $0xFFFFF600  }
0x196: {  	[bflag:$0x0] =	sbarrier.arrive $0xFFFF  }
0x197: {  	[spmem:s16] =	stream.linear.scatter [tilespmem:s0], [sflag:$0x3], $0x1000, $0x38;
	[tilespmem:$0x1C2C0] =	vst v63  }
0x198: {  	_ =	swait.ge [sflag:s28], $0x1000  }
0x199: {  	[sflag:s28] =	ssyncset.done $0x0  }
0x19a: {  	s23 =	rddreg [dreg:$0xe];
	[sflag:s28] =	ssyncadd.s32 $0xFFFFF000  }
0x19b: {  	[spmem:s23] =	stream.linear.scatter [tilespmem:s0], [sflag:$0x3], $0x1000, $0x38;
	[tilespmem:$0x1C2C0] =	vst v63  }
0x19c: {  	_ =	swait.ge [sflag:s28], $0x1000  }
0x19d: {  	[sflag:s28] =	ssyncset.done $0x0  }
0x19e: {  	[sflag:s28] =	ssyncadd.s32 $0xFFFFF000  }
0x19f: {  	[spmem:s24] =	stream.linear.scatter [tilespmem:s0], [sflag:$0x3], $0x1000, $0x38;
	[tilespmem:$0x1C2C0] =	vst v63  }
0x1a0: {  	_ =	swait.ge [sflag:s28], $0x1000  }
0x1a1: {  	[sflag:s28] =	ssyncset.done $0x0  }
0x1a2: {  	[sflag:s28] =	ssyncadd.s32 $0xFFFFF000  }
0x1a3: {  	[spmem:s25] =	stream.linear.scatter [tilespmem:s0], [sflag:$0x3], $0x1000, $0x38;
	[tilespmem:$0x1C2C0] =	vst v63  }
0x1a4: {  	_ =	swait.ge [sflag:s28], $0x1000  }
0x1a5: {  	[sflag:s28] =	ssyncset.done $0x0  }
0x1a6: {  	[sflag:s28] =	ssyncadd.s32 $0xFFFFF000  }
0x1a7: {  	[spmem:s26] =	stream.linear.scatter [tilespmem:s0], [sflag:$0x3], $0x1000, $0x38;
	[tilespmem:$0x1C2C0] =	vst v63  }
.Ltmp19:
0x1a8: {  	_ =	swait.ge [sflag:s28], $0x1000;
	(pc) =	sbr.rel .LBB2_24-.Ltmp19, $4  }
0x1a9: {  	[sflag:s28] =	ssyncset.done $0x0  }
0x1aa: {  	[sflag:s28] =	ssyncadd.s32 $0xFFFFF000  }
0x1ab: {  	[bflag:$0x0] =	sbarrier.arrive $0xFFFF  }
0x1ac: {  	s19 =	simm.s32 $0x0  }
.LBB2_28:
0x1ad: {  	s19 =	sadd.s32 $0x1, s19  }
0x1ae: {  	p0 =	sne.s32 s19, $0x50  }
.Ltmp20:
0x1af: {  	_ = 	snop;
	(pc) =	sbr.rel @!p0 .LBB2_29-.Ltmp20, $1  }
0x1b0: {  	_ =	sdelay $0x3  }
.LBB2_24:
0x1b1: {  	s21 =	sshll.u32 s19, $0x7  }
0x1b2: {  	p0 =	sge.s32 s21, s15  }
.Ltmp21:
0x1b3: {  	_ = 	snop;
	(pc) =	sbr.rel @p0 .LBB2_28-.Ltmp21, $1  }
0x1b4: {  	_ =	sdelay $0x3  }
0x1b5: {  	v4 =	vld [tilespmem:s21+$0xF120];
	_ =	sdelay $0x4  }
0x1b6: {  	[tilespmem:$0x14240] =	vst v4  }
0x1b7: {  	v4 =	vld [tilespmem:s21+$0xF130];
	_ =	sdelay $0x4  }
0x1b8: {  	[tilespmem:$0x14250] =	vst v4  }
0x1b9: {  	v4 =	vld [tilespmem:s21+$0xF140];
	_ =	sdelay $0x4  }
0x1ba: {  	[tilespmem:$0x14260] =	vst v4  }
0x1bb: {  	v4 =	vld [tilespmem:s21+$0xF150];
	_ =	sdelay $0x4  }
0x1bc: {  	[tilespmem:$0x14270] =	vst v4  }
0x1bd: {  	v4 =	vld [tilespmem:s21+$0xF160];
	_ =	sdelay $0x4  }
0x1be: {  	[tilespmem:$0x14280] =	vst v4  }
0x1bf: {  	v4 =	vld [tilespmem:s21+$0xF170];
	_ =	sdelay $0x4  }
0x1c0: {  	[tilespmem:$0x14290] =	vst v4  }
0x1c1: {  	v4 =	vld [tilespmem:s21+$0xF180];
	_ =	sdelay $0x4  }
0x1c2: {  	[tilespmem:$0x142A0] =	vst v4  }
0x1c3: {  	v4 =	vld [tilespmem:s21+$0xF190];
	_ =	sdelay $0x4  }
0x1c4: {  	s20 =	sadd.s32 $0xC890, s21;
	[tilespmem:$0x142B0] =	vst v4  }
0x1c5: {  	[tilespmem:s30], [sflag:$0x1] =	stream.indirect.gather [hbm4b:s8+s29], $0x20, s20, s29, $0xb8;
	[tilespmem:$0x1C2C0] =	vst v63  }
0x1c6: {  	s23 =	sadd.s32 $0x119B0, s21  }
0x1c7: {  	[tilespmem:s31], [sflag:$0x2] =	stream.indirect.gather [hbm4b:s11+s29], $0x20, s23, s29, $0xb8;
	[tilespmem:$0x1C2C0] =	vst v63  }
0x1c8: {  	_ =	swait.ge [sflag:s2], $0x1000  }
0x1c9: {  	[sflag:s2] =	ssyncset.done $0x0  }
0x1ca: {  	[sflag:s2] =	ssyncadd.s32 $0xFFFFF000  }
0x1cb: {  	_ =	swait.ge [sflag:s12], $0x1000  }
0x1cc: {  	[sflag:s12] =	ssyncset.done $0x0  }
0x1cd: {  	v4 =	vimm.s32 $0x0;
	s20 =	simm.s32 $0x0;
	[sflag:s12] =	ssyncadd.s32 $0xFFFFF000  }
0x1ce: {  	v5 =	vld [tilespmem:s20+$0x152C0]  }
0x1cf: {  	v6 =	vld [tilespmem:s20+$0x152D0]  }
0x1d0: {  	s22 =	simm.s32 $0x80;
	s21 =	sadd.s32 $0xA000, s21;
	v7 =	vld [tilespmem:s20+$0x142D0]  }
.LBB2_26:
0x1d1: {  	p0 =	sne.s32 s22, $0x3F80;
	v8 =	vld [tilespmem:s20+$0x142C0]  }
0x1d2: {  	v9 =	vld.idx.msk [tilespmem:v4+s21+$0x0], $0xffff;
	_ =	sdelay $0x2  }
0x1d3: {  	v6 =	vadd.f32 v6, v7  }
0x1d4: {  	v5 =	vadd.f32 v5, v8  }
.Ltmp22:
0x1d5: {  	v6 =	vmax.f32 v6, $0.0e+00;
	(pc) =	sbr.rel @p0 .LBB2_26-.Ltmp22, $4  }
0x1d6: {  	s23 =	sshra.s32 s22, $0x2;
	v4 =	vadd.s32 $0x1, v4;
	v7 =	vmax.f32 v5, $0.0e+00;
	v8 =	vmul.f32 v6, v9  }
0x1d7: {  	v5 =	vld [tilespmem:s23+$0x152C0];
	v9 =	vmul.f32 v7, v9  }
0x1d8: {  	v6 =	vld [tilespmem:s23+$0x152D0];
	[tilespmem:s20+$0x142D0] =	vst v8  }
0x1d9: {  	s22 =	sadd.s32 $0x80, s22;
	v7 =	vld [tilespmem:s23+$0x142D0];
	[tilespmem:s20+$0x142C0] =	vst v9;
	s20 =	smov.u32 s23  }
0x1da: {  	_ =	sdelay $0x1  }
0x1db: {  	v8 =	vld [tilespmem:s20+$0x142C0];
	_ =	sdelay $0x1  }
0x1dc: {  	v4 =	vld.idx.msk [tilespmem:v4+s21+$0x0], $0xffff;
	_ =	sdelay $0x1  }
0x1dd: {  	v6 =	vadd.f32 v6, v7  }
0x1de: {  	v5 =	vadd.f32 v5, v8  }
0x1df: {  	v6 =	vmax.f32 v6, $0.0e+00  }
0x1e0: {  	v5 =	vmax.f32 v5, $0.0e+00;
	v6 =	vmul.f32 v6, v4  }
0x1e1: {  	v4 =	vmul.f32 v5, v4  }
0x1e2: {  	[tilespmem:s20+$0x142D0] =	vst v6  }
.Ltmp23:
0x1e3: {  	[tilespmem:s20+$0x142C0] =	vst v4;
	(pc) =	sbr.rel .LBB2_28-.Ltmp23, $4  }
0x1e4: {  	[spmem:s1] =	stream.indirect.scatter.add.f32 [tilespmem:s30], [sflag:$0x3], $0x20, s13, s29, $0xb8;
	[tilespmem:$0x1C2C0] =	vst v63  }
0x1e5: {  	_ =	swait.ge [sflag:s28], $0x1000  }
0x1e6: {  	[sflag:s28] =	ssyncset.done $0x0  }
0x1e7: {  	[sflag:s28] =	ssyncadd.s32 $0xFFFFF000  }
.LBB2_30:
0x1e8: {  	_ =	sfence.sel $0x180000  }
0x1e9: {  	[bflag:$0x0] =	sbarrier.arrive $0xFFFF  }
0x1ea: {  	_ =	strace $0x9000004A  }
0x1eb: {  	s0 =	stileid.u32;
	[bflag:$0x2] =	sbarrier.arrive $0xFFFF  }
0x1ec: {  	p0 =	sne.s32 s0, $0x0;
	s0 =	rddreg [dreg:$0x3]  }
0x1ed: {  	s0 =	sadd.s32 @!p0 $0x100000, s0  }
0x1ee: {  	[sflag:s0] =	ssyncadd.tile.s32 @!p0 $0x1;
	_ =	shalt  }
.Lfunc_end2:
_tile_overlayer_lowered:
.L_overlay_start_2:
0x1ef: {  	(tag) =	ssettag $0x2  }
0x1f0: {  	s0 =	rddreg [dreg:$0x0];
	s2 =	stileid.u32  }
0x1f1: {  	s1 =	rddreg [dreg:$0x1];
	p0 =	sne.s32 s2, $0x0  }
0x1f2: {  	s3 =	rddreg [dreg:$0x2];
	[bflag:$0x3] =	sbarrier.arrive $0xFFFF;
	s2 =	simm.s32 @!p0 $0x1C03  }
0x1f3: {  	[timem:s3], [sflag:s2] =	dma.local @!p0 [hbm:s0], s1  }
0x1f4: {  	s0 =	simm.s32 @!p0 $0x3  }
0x1f5: {  	_ =	swait.ge @!p0 [sflag:s0], s1  }
0x1f6: {  	s1 =	ssub.s32 @!p0 $0x0, s1;
	[sflag:s0] =	ssyncset.done @!p0 $0x0  }
0x1f7: {  	[sflag:s0] =	ssyncadd.s32 @!p0 s1  }
0x1f8: {  	[bflag:$0x3] =	sbarrier.arrive $0xFFFF  }
0x1f9: {  	_ =	shalt  }

</sc_bundles>
